<compile_context>
chip_gen: v7x
topology: tpu7x:2x2x1
jax: 0.10.2.dev20260603
libtpu: 0.0.44.dev20260713+nightly
codegen_flags: <defaults>
</compile_context>

<pallas_src>
import functools

import jax
import jax.numpy as jnp
from jax import lax
from jax.experimental import pallas as pl
from jax.experimental.pallas import tpu as pltpu
from jax.experimental.pallas import tpu_sc as plsc

N = 10000
E = 320000
F = 128
H = 128

NC = 2
NS = 16
NW = NC * NS
CHUNK = 512
NCH = E // CHUNK
CPW = NCH // NW
RBLK = 80

_MESH = plsc.VectorSubcoreMesh(core_axis_name="c", subcore_axis_name="s")
_SC_PARAMS = pltpu.CompilerParams(use_tc_tiling_on_sc=False)


@functools.partial(
    pl.kernel,
    out_type=jax.ShapeDtypeStruct((NC, N), jnp.float32),
    mesh=_MESH,
    compiler_params=_SC_PARAMS,
    scratch_types=[
        pltpu.VMEM((CPW + 1, CHUNK), jnp.int32),
        pltpu.VMEM((CHUNK,), jnp.float32),
        pltpu.VMEM((1024,), jnp.float32),
        pltpu.VMEM_SHARED((N,), jnp.float32),
        pltpu.SemaphoreType.DMA,
    ],
)
def _deg_kernel(edges_hbm, deg_out, idx_v, ones_v, zb_v, deg_sh, sem):
    c = lax.axis_index("c")
    s = lax.axis_index("s")
    wid = s * NC + c

    def _z(i, _):
        zb_v[pl.ds(i * 16, 16)] = jnp.zeros((16,), jnp.float32)
        return 0
    lax.fori_loop(0, 64, _z, 0)
    for i in range(CHUNK // 16):
        ones_v[pl.ds(i * 16, 16)] = jnp.ones((16,), jnp.float32)

    @pl.when(s < 10)
    def _():
        pltpu.sync_copy(zb_v.at[pl.ds(0, 1000)], deg_sh.at[pl.ds(s * 1000, 1000)])
    plsc.subcore_barrier()

    pltpu.sync_copy(edges_hbm.at[1, pl.ds(wid * CPW, CPW)],
                    idx_v.at[pl.ds(0, CPW)])

    @pl.when(wid < NCH - NW * CPW)
    def _():
        pltpu.sync_copy(edges_hbm.at[1, pl.ds(NW * CPW + wid, 1)],
                        idx_v.at[pl.ds(CPW, 1)])

    def _chunk(g, _):
        pltpu.sync_copy(ones_v, deg_sh.at[idx_v.at[g]], add=True)
        return 0
    lax.fori_loop(0, CPW, _chunk, 0)

    @pl.when(wid < NCH - NW * CPW)
    def _():
        pltpu.sync_copy(ones_v, deg_sh.at[idx_v.at[CPW]], add=True)
    plsc.subcore_barrier()

    @pl.when(s < 10)
    def _():
        pltpu.sync_copy(deg_sh.at[pl.ds(s * 1000, 1000)],
                        deg_out.at[c, pl.ds(s * 1000, 1000)])


RB = 1000


def _dense_body(x_ref, w_ref, parts_ref, y_ref):
    deg = 1.0 + parts_ref[0] + parts_ref[1]
    dis = lax.rsqrt(deg)
    xw = jnp.dot(x_ref[...], w_ref[...], preferred_element_type=jnp.float32)
    y_ref[...] = (xw * dis).astype(jnp.bfloat16)


_dense = pl.pallas_call(
    _dense_body,
    grid=(N // RB,),
    in_specs=[
        pl.BlockSpec((RB, F), lambda i: (i, 0)),
        pl.BlockSpec((F, H), lambda i: (0, 0)),
        pl.BlockSpec((NC, RB, 1), lambda i: (0, i, 0)),
    ],
    out_specs=pl.BlockSpec((RB, H), lambda i: (i, 0)),
    out_shape=jax.ShapeDtypeStruct((N, H), jnp.bfloat16),
)


@functools.partial(
    pl.kernel,
    out_type=jax.ShapeDtypeStruct((N, NC * H), jnp.bfloat16),
    mesh=_MESH,
    compiler_params=_SC_PARAMS,
    scratch_types=[
        pltpu.VMEM((CPW + 1, CHUNK), jnp.int32),
        pltpu.VMEM((CPW + 1, CHUNK), jnp.int32),
        pltpu.VMEM((2, CHUNK, H), jnp.bfloat16),
        pltpu.VMEM_SHARED((N, H), jnp.bfloat16),
        pltpu.SemaphoreType.DMA,
        pltpu.SemaphoreType.DMA,
    ],
)
def _msg_kernel(y_hbm, edges_hbm, acc_out, sidx, didx, rows, acc_sh,
                sem0, sem1):
    c = lax.axis_index("c")
    s = lax.axis_index("s")
    wid = s * NC + c

    def _z(t, _):
        i = t // 4
        j = t % 4
        rows[0, i, pl.ds(j * 32, 32)] = jnp.zeros((32,), jnp.bfloat16)
        return 0
    lax.fori_loop(0, CHUNK * 4, _z, 0)

    for k in range(8):
        blk = s * 8 + k

        @pl.when(blk < N // RBLK)
        def _():
            pltpu.sync_copy(rows.at[0, pl.ds(0, RBLK)],
                            acc_sh.at[pl.ds(blk * RBLK, RBLK)])
    plsc.subcore_barrier()

    pltpu.sync_copy(edges_hbm.at[0, pl.ds(wid * CPW, CPW)],
                    sidx.at[pl.ds(0, CPW)])
    pltpu.sync_copy(edges_hbm.at[1, pl.ds(wid * CPW, CPW)],
                    didx.at[pl.ds(0, CPW)])

    @pl.when(wid < NCH - NW * CPW)
    def _():
        pltpu.sync_copy(edges_hbm.at[0, pl.ds(NW * CPW + wid, 1)],
                        sidx.at[pl.ds(CPW, 1)])
        pltpu.sync_copy(edges_hbm.at[1, pl.ds(NW * CPW + wid, 1)],
                        didx.at[pl.ds(CPW, 1)])

    pltpu.sync_copy(y_hbm.at[sidx.at[0]], rows.at[0])

    def _pair(i, _):
        g = 2 * i
        d1 = pltpu.async_copy(y_hbm.at[sidx.at[g + 1]], rows.at[1], sem1)
        pltpu.sync_copy(rows.at[0], acc_sh.at[didx.at[g]], add=True)
        d1.wait()
        d2 = pltpu.async_copy(y_hbm.at[sidx.at[g + 2]], rows.at[0], sem0)
        pltpu.sync_copy(rows.at[1], acc_sh.at[didx.at[g + 1]], add=True)
        d2.wait()
        return 0
    _P = (CPW - 2) // 2
    lax.fori_loop(0, _P, _pair, 0)

    _t = 2 * _P
    d1 = pltpu.async_copy(y_hbm.at[sidx.at[_t + 1]], rows.at[1], sem1)
    pltpu.sync_copy(rows.at[0], acc_sh.at[didx.at[_t]], add=True)
    d1.wait()
    if CPW - _t == 2:
        pltpu.sync_copy(rows.at[1], acc_sh.at[didx.at[_t + 1]], add=True)
    else:
        d2 = pltpu.async_copy(y_hbm.at[sidx.at[_t + 2]], rows.at[0], sem0)
        pltpu.sync_copy(rows.at[1], acc_sh.at[didx.at[_t + 1]], add=True)
        d2.wait()
        pltpu.sync_copy(rows.at[0], acc_sh.at[didx.at[_t + 2]], add=True)

    @pl.when(wid < NCH - NW * CPW)
    def _():
        pltpu.sync_copy(y_hbm.at[sidx.at[CPW]], rows.at[0])
        pltpu.sync_copy(rows.at[0], acc_sh.at[didx.at[CPW]], add=True)
    plsc.subcore_barrier()

    for k in range(8):
        blk = s * 8 + k

        @pl.when(blk < N // RBLK)
        def _():
            pltpu.sync_copy(acc_sh.at[pl.ds(blk * RBLK, RBLK)],
                            acc_out.at[pl.ds(blk * RBLK, RBLK),
                                       pl.ds(c * H, H)])


def _combine_body(acc_ref, y_ref, parts_ref, b_ref, out_ref):
    deg = 1.0 + parts_ref[0] + parts_ref[1]
    dis = lax.rsqrt(deg)
    msgs = (acc_ref[:, :H].astype(jnp.float32)
            + acc_ref[:, H:].astype(jnp.float32)
            + y_ref[...].astype(jnp.float32))
    out_ref[...] = dis * msgs + b_ref[...][None, :]


_combine = pl.pallas_call(
    _combine_body,
    grid=(N // RB,),
    in_specs=[
        pl.BlockSpec((RB, NC * H), lambda i: (i, 0)),
        pl.BlockSpec((RB, H), lambda i: (i, 0)),
        pl.BlockSpec((NC, RB, 1), lambda i: (0, i, 0)),
        pl.BlockSpec((H,), lambda i: (0,)),
    ],
    out_specs=pl.BlockSpec((RB, H), lambda i: (i, 0)),
    out_shape=jax.ShapeDtypeStruct((N, H), jnp.float32),
)


def kernel(x, edge_index, W, b):
    edges3 = edge_index.astype(jnp.int32).reshape(2, NCH, CHUNK)

    parts = _deg_kernel(edges3)
    parts3 = parts.reshape(NC, N, 1)
    y = _dense(x, W, parts3)
    accs = _msg_kernel(y, edges3)
    return _combine(accs, y, parts3, b)

# --- scband reference (transcript-rebuilt; emitter-appended) ---
"""Pipeline reference for scband-gcn-body-6296422056681 (READ-ONLY COPY).

The authoritative reference and input builder live on the scoring server;
editing this copy changes nothing except your own understanding.
"""

import jax, jax.numpy as jnp
import numpy as np

N_NODES = 10000
N_EDGES = 320000
NFEAT = 128
NHID = 128

def setup_inputs(seed: int = 0) -> dict:
    key = jax.random.key(seed)
    k_x, k_ei, k_w, k_b = jax.random.split(key, 4)
    x = jax.random.normal(k_x, (N_NODES, NFEAT), dtype=jnp.float32)
    edge_index = jax.random.randint(k_ei, (2, N_EDGES), 0, N_NODES, dtype=jnp.int64)
    # GCNConv weight (glorot) and bias (zeros in PyG default; use small random here)
    limit = float(np.sqrt(6.0 / (NFEAT + NHID)))
    W = jax.random.uniform(k_w, (NFEAT, NHID), minval=-limit, maxval=limit, dtype=jnp.float32)
    b = jnp.zeros((NHID,), dtype=jnp.float32)
    return {"x": x, "edge_index": edge_index, "W": W, "b": b}

def reference(x, edge_index, W, b):
    # Faithful GCNConv (PyG): add self-loops, symmetric normalization,
    # x' = D^{-1/2}(A+I)D^{-1/2} (x @ W) + b. Dropout is identity in eval.
    N = x.shape[0]
    loops = jnp.arange(N, dtype=edge_index.dtype)
    src = jnp.concatenate([edge_index[0], loops])
    dst = jnp.concatenate([edge_index[1], loops])
    ones = jnp.ones(src.shape[0], dtype=x.dtype)
    deg = jnp.zeros((N,), dtype=x.dtype).at[dst].add(ones)
    deg_inv_sqrt = jnp.where(deg > 0, jax.lax.rsqrt(deg), 0.0)
    norm = deg_inv_sqrt[src] * deg_inv_sqrt[dst]
    xw = x @ W
    msgs = xw[src] * norm[:, None]
    out = jnp.zeros((N, W.shape[1]), dtype=x.dtype).at[dst].add(msgs)
    out = out + b
    return out

if __name__ == "__main__":
    import jax
    _d = setup_inputs()
    print(jax.jit(kernel)(*tuple(_d.values())))

</pallas_src>

<mosaic_0001>
#map = affine_map<(d0, d1) -> (0, 0, 0)>
#map1 = affine_map<(d0, d1) -> (0, 0)>
module attributes {stable_mosaic.version = 14 : i64} {
  func.func @_deg_kernel(%arg0: i32, %arg1: i32, %arg2: memref<2x625x512xi32, #tpu.memory_space<hbm>>, %arg3: memref<2x10000xf32, #tpu.memory_space<hbm>>, %arg4: memref<20x512xi32, #tpu.memory_space<vmem>>, %arg5: memref<512xf32, #tpu.memory_space<vmem>>, %arg6: memref<1024xf32, #tpu.memory_space<vmem>>, %arg7: memref<10000xf32, #tpu.memory_space<vmem_shared>>, %arg8: memref<!tpu.dma_semaphore, #tpu.memory_space<semaphore_mem>>) attributes {dimension_semantics = [#tpu.dimension_semantics<core_parallel>, #tpu.dimension_semantics<subcore_parallel>], iteration_bounds = array<i64: 2, 16>, scalar_prefetch = 0 : i64, scratch_operands = 5 : i64, tpu.core_type = #tpu.core_type<sc_vector_subcore>, window_params = [{transform_indices = #map}, {transform_indices = #map1}]} {
    %mul3A = arith.constant 2 : i32
    %mul3A_0 = arith.muli %arg1, %mul3A : i32
    %add3A = arith.addi %mul3A_0, %arg0 : i32
    %scan3A = arith.constant 0 : i32
    %scan3A_1 = arith.constant 0 : i32
    %scan3A_2 = arith.constant 64 : i32
    %scan3A_3 = arith.addi %scan3A_1, %scan3A_2 : i32
    %scan3A_4 = arith.constant 1 : i32
    %scan3A_5 = scf.for %scan3A_224 = %scan3A_1 to %scan3A_3 step %scan3A_4 iter_args(%scan3A_225 = %scan3A) -> (i32)  : i32 {
      %broadcast_in_dim3A_226 = arith.constant 0.000000e+00 : f32
      %broadcast_in_dim3A_227 = vector.broadcast %broadcast_in_dim3A_226 : f32 to vector<16xf32>
      %mul3A_228 = arith.constant 16 : i32
      %mul3A_229 = arith.muli %scan3A_224, %mul3A_228 : i32
      %swap3A_230 = arith.index_cast %mul3A_229 : i32 to index
      %swap3A_231 = tpu.vector_load %arg6[%swap3A_230] {strides = array<i32>} : memref<1024xf32, #tpu.memory_space<vmem>>, vector<16xf32>,
      %swap3A_232 = vector.shape_cast %swap3A_231 : vector<16xf32> to vector<16xf32>
      %swap3A_233 = vector.shape_cast %broadcast_in_dim3A_227 : vector<16xf32> to vector<16xf32>
      tpu.vector_store %arg6[%swap3A_230], %swap3A_233 {strides = array<i32>} : memref<1024xf32, #tpu.memory_space<vmem>>, vector<16xf32>,
      %scan3A_234 = arith.constant 0 : i32
      scf.yield %scan3A_234 : i32
    }
    %scan3A_6 = arith.constant 64 : i32
    %broadcast_in_dim3A = arith.constant 1.000000e+00 : f32
    %broadcast_in_dim3A_7 = vector.broadcast %broadcast_in_dim3A : f32 to vector<16xf32>
    %swap3A = arith.constant 0 : index
    %swap3A_8 = tpu.vector_load %arg5[%swap3A] {strides = array<i32>} : memref<512xf32, #tpu.memory_space<vmem>>, vector<16xf32>,
    %swap3A_9 = vector.shape_cast %swap3A_8 : vector<16xf32> to vector<16xf32>
    %swap3A_10 = vector.shape_cast %broadcast_in_dim3A_7 : vector<16xf32> to vector<16xf32>
    tpu.vector_store %arg5[%swap3A], %swap3A_10 {strides = array<i32>} : memref<512xf32, #tpu.memory_space<vmem>>, vector<16xf32>,
    %broadcast_in_dim3A_11 = arith.constant 1.000000e+00 : f32
    %broadcast_in_dim3A_12 = vector.broadcast %broadcast_in_dim3A_11 : f32 to vector<16xf32>
    %swap3A_13 = arith.constant 16 : index
    %swap3A_14 = tpu.vector_load %arg5[%swap3A_13] {strides = array<i32>} : memref<512xf32, #tpu.memory_space<vmem>>, vector<16xf32>,
    %swap3A_15 = vector.shape_cast %swap3A_14 : vector<16xf32> to vector<16xf32>
    %swap3A_16 = vector.shape_cast %broadcast_in_dim3A_12 : vector<16xf32> to vector<16xf32>
    tpu.vector_store %arg5[%swap3A_13], %swap3A_16 {strides = array<i32>} : memref<512xf32, #tpu.memory_space<vmem>>, vector<16xf32>,
    %broadcast_in_dim3A_17 = arith.constant 1.000000e+00 : f32
    %broadcast_in_dim3A_18 = vector.broadcast %broadcast_in_dim3A_17 : f32 to vector<16xf32>
    %swap3A_19 = arith.constant 32 : index
    %swap3A_20 = tpu.vector_load %arg5[%swap3A_19] {strides = array<i32>} : memref<512xf32, #tpu.memory_space<vmem>>, vector<16xf32>,
    %swap3A_21 = vector.shape_cast %swap3A_20 : vector<16xf32> to vector<16xf32>
    %swap3A_22 = vector.shape_cast %broadcast_in_dim3A_18 : vector<16xf32> to vector<16xf32>
    tpu.vector_store %arg5[%swap3A_19], %swap3A_22 {strides = array<i32>} : memref<512xf32, #tpu.memory_space<vmem>>, vector<16xf32>,
    %broadcast_in_dim3A_23 = arith.constant 1.000000e+00 : f32
    %broadcast_in_dim3A_24 = vector.broadcast %broadcast_in_dim3A_23 : f32 to vector<16xf32>
    %swap3A_25 = arith.constant 48 : index
    %swap3A_26 = tpu.vector_load %arg5[%swap3A_25] {strides = array<i32>} : memref<512xf32, #tpu.memory_space<vmem>>, vector<16xf32>,
    %swap3A_27 = vector.shape_cast %swap3A_26 : vector<16xf32> to vector<16xf32>
    %swap3A_28 = vector.shape_cast %broadcast_in_dim3A_24 : vector<16xf32> to vector<16xf32>
    tpu.vector_store %arg5[%swap3A_25], %swap3A_28 {strides = array<i32>} : memref<512xf32, #tpu.memory_space<vmem>>, vector<16xf32>,
    %broadcast_in_dim3A_29 = arith.constant 1.000000e+00 : f32
    %broadcast_in_dim3A_30 = vector.broadcast %broadcast_in_dim3A_29 : f32 to vector<16xf32>
    %swap3A_31 = arith.constant 64 : index
    %swap3A_32 = tpu.vector_load %arg5[%swap3A_31] {strides = array<i32>} : memref<512xf32, #tpu.memory_space<vmem>>, vector<16xf32>,
    %swap3A_33 = vector.shape_cast %swap3A_32 : vector<16xf32> to vector<16xf32>
    %swap3A_34 = vector.shape_cast %broadcast_in_dim3A_30 : vector<16xf32> to vector<16xf32>
    tpu.vector_store %arg5[%swap3A_31], %swap3A_34 {strides = array<i32>} : memref<512xf32, #tpu.memory_space<vmem>>, vector<16xf32>,
    %broadcast_in_dim3A_35 = arith.constant 1.000000e+00 : f32
    %broadcast_in_dim3A_36 = vector.broadcast %broadcast_in_dim3A_35 : f32 to vector<16xf32>
    %swap3A_37 = arith.constant 80 : index
    %swap3A_38 = tpu.vector_load %arg5[%swap3A_37] {strides = array<i32>} : memref<512xf32, #tpu.memory_space<vmem>>, vector<16xf32>,
    %swap3A_39 = vector.shape_cast %swap3A_38 : vector<16xf32> to vector<16xf32>
    %swap3A_40 = vector.shape_cast %broadcast_in_dim3A_36 : vector<16xf32> to vector<16xf32>
    tpu.vector_store %arg5[%swap3A_37], %swap3A_40 {strides = array<i32>} : memref<512xf32, #tpu.memory_space<vmem>>, vector<16xf32>,
    %broadcast_in_dim3A_41 = arith.constant 1.000000e+00 : f32
    %broadcast_in_dim3A_42 = vector.broadcast %broadcast_in_dim3A_41 : f32 to vector<16xf32>
    %swap3A_43 = arith.constant 96 : index
    %swap3A_44 = tpu.vector_load %arg5[%swap3A_43] {strides = array<i32>} : memref<512xf32, #tpu.memory_space<vmem>>, vector<16xf32>,
    %swap3A_45 = vector.shape_cast %swap3A_44 : vector<16xf32> to vector<16xf32>
    %swap3A_46 = vector.shape_cast %broadcast_in_dim3A_42 : vector<16xf32> to vector<16xf32>
    tpu.vector_store %arg5[%swap3A_43], %swap3A_46 {strides = array<i32>} : memref<512xf32, #tpu.memory_space<vmem>>, vector<16xf32>,
    %broadcast_in_dim3A_47 = arith.constant 1.000000e+00 : f32
    %broadcast_in_dim3A_48 = vector.broadcast %broadcast_in_dim3A_47 : f32 to vector<16xf32>
    %swap3A_49 = arith.constant 112 : index
    %swap3A_50 = tpu.vector_load %arg5[%swap3A_49] {strides = array<i32>} : memref<512xf32, #tpu.memory_space<vmem>>, vector<16xf32>,
    %swap3A_51 = vector.shape_cast %swap3A_50 : vector<16xf32> to vector<16xf32>
    %swap3A_52 = vector.shape_cast %broadcast_in_dim3A_48 : vector<16xf32> to vector<16xf32>
    tpu.vector_store %arg5[%swap3A_49], %swap3A_52 {strides = array<i32>} : memref<512xf32, #tpu.memory_space<vmem>>, vector<16xf32>,
    %broadcast_in_dim3A_53 = arith.constant 1.000000e+00 : f32
    %broadcast_in_dim3A_54 = vector.broadcast %broadcast_in_dim3A_53 : f32 to vector<16xf32>
    %swap3A_55 = arith.constant 128 : index
    %swap3A_56 = tpu.vector_load %arg5[%swap3A_55] {strides = array<i32>} : memref<512xf32, #tpu.memory_space<vmem>>, vector<16xf32>,
    %swap3A_57 = vector.shape_cast %swap3A_56 : vector<16xf32> to vector<16xf32>
    %swap3A_58 = vector.shape_cast %broadcast_in_dim3A_54 : vector<16xf32> to vector<16xf32>
    tpu.vector_store %arg5[%swap3A_55], %swap3A_58 {strides = array<i32>} : memref<512xf32, #tpu.memory_space<vmem>>, vector<16xf32>,
    %broadcast_in_dim3A_59 = arith.constant 1.000000e+00 : f32
    %broadcast_in_dim3A_60 = vector.broadcast %broadcast_in_dim3A_59 : f32 to vector<16xf32>
    %swap3A_61 = arith.constant 144 : index
    %swap3A_62 = tpu.vector_load %arg5[%swap3A_61] {strides = array<i32>} : memref<512xf32, #tpu.memory_space<vmem>>, vector<16xf32>,
    %swap3A_63 = vector.shape_cast %swap3A_62 : vector<16xf32> to vector<16xf32>
    %swap3A_64 = vector.shape_cast %broadcast_in_dim3A_60 : vector<16xf32> to vector<16xf32>
    tpu.vector_store %arg5[%swap3A_61], %swap3A_64 {strides = array<i32>} : memref<512xf32, #tpu.memory_space<vmem>>, vector<16xf32>,
    %broadcast_in_dim3A_65 = arith.constant 1.000000e+00 : f32
    %broadcast_in_dim3A_66 = vector.broadcast %broadcast_in_dim3A_65 : f32 to vector<16xf32>
    %swap3A_67 = arith.constant 160 : index
    %swap3A_68 = tpu.vector_load %arg5[%swap3A_67] {strides = array<i32>} : memref<512xf32, #tpu.memory_space<vmem>>, vector<16xf32>,
    %swap3A_69 = vector.shape_cast %swap3A_68 : vector<16xf32> to vector<16xf32>
    %swap3A_70 = vector.shape_cast %broadcast_in_dim3A_66 : vector<16xf32> to vector<16xf32>
    tpu.vector_store %arg5[%swap3A_67], %swap3A_70 {strides = array<i32>} : memref<512xf32, #tpu.memory_space<vmem>>, vector<16xf32>,
    %broadcast_in_dim3A_71 = arith.constant 1.000000e+00 : f32
    %broadcast_in_dim3A_72 = vector.broadcast %broadcast_in_dim3A_71 : f32 to vector<16xf32>
    %swap3A_73 = arith.constant 176 : index
    %swap3A_74 = tpu.vector_load %arg5[%swap3A_73] {strides = array<i32>} : memref<512xf32, #tpu.memory_space<vmem>>, vector<16xf32>,
    %swap3A_75 = vector.shape_cast %swap3A_74 : vector<16xf32> to vector<16xf32>
    %swap3A_76 = vector.shape_cast %broadcast_in_dim3A_72 : vector<16xf32> to vector<16xf32>
    tpu.vector_store %arg5[%swap3A_73], %swap3A_76 {strides = array<i32>} : memref<512xf32, #tpu.memory_space<vmem>>, vector<16xf32>,
    %broadcast_in_dim3A_77 = arith.constant 1.000000e+00 : f32
    %broadcast_in_dim3A_78 = vector.broadcast %broadcast_in_dim3A_77 : f32 to vector<16xf32>
    %swap3A_79 = arith.constant 192 : index
    %swap3A_80 = tpu.vector_load %arg5[%swap3A_79] {strides = array<i32>} : memref<512xf32, #tpu.memory_space<vmem>>, vector<16xf32>,
    %swap3A_81 = vector.shape_cast %swap3A_80 : vector<16xf32> to vector<16xf32>
    %swap3A_82 = vector.shape_cast %broadcast_in_dim3A_78 : vector<16xf32> to vector<16xf32>
    tpu.vector_store %arg5[%swap3A_79], %swap3A_82 {strides = array<i32>} : memref<512xf32, #tpu.memory_space<vmem>>, vector<16xf32>,
    %broadcast_in_dim3A_83 = arith.constant 1.000000e+00 : f32
    %broadcast_in_dim3A_84 = vector.broadcast %broadcast_in_dim3A_83 : f32 to vector<16xf32>
    %swap3A_85 = arith.constant 208 : index
    %swap3A_86 = tpu.vector_load %arg5[%swap3A_85] {strides = array<i32>} : memref<512xf32, #tpu.memory_space<vmem>>, vector<16xf32>,
    %swap3A_87 = vector.shape_cast %swap3A_86 : vector<16xf32> to vector<16xf32>
    %swap3A_88 = vector.shape_cast %broadcast_in_dim3A_84 : vector<16xf32> to vector<16xf32>
    tpu.vector_store %arg5[%swap3A_85], %swap3A_88 {strides = array<i32>} : memref<512xf32, #tpu.memory_space<vmem>>, vector<16xf32>,
    %broadcast_in_dim3A_89 = arith.constant 1.000000e+00 : f32
    %broadcast_in_dim3A_90 = vector.broadcast %broadcast_in_dim3A_89 : f32 to vector<16xf32>
    %swap3A_91 = arith.constant 224 : index
    %swap3A_92 = tpu.vector_load %arg5[%swap3A_91] {strides = array<i32>} : memref<512xf32, #tpu.memory_space<vmem>>, vector<16xf32>,
    %swap3A_93 = vector.shape_cast %swap3A_92 : vector<16xf32> to vector<16xf32>
    %swap3A_94 = vector.shape_cast %broadcast_in_dim3A_90 : vector<16xf32> to vector<16xf32>
    tpu.vector_store %arg5[%swap3A_91], %swap3A_94 {strides = array<i32>} : memref<512xf32, #tpu.memory_space<vmem>>, vector<16xf32>,
    %broadcast_in_dim3A_95 = arith.constant 1.000000e+00 : f32
    %broadcast_in_dim3A_96 = vector.broadcast %broadcast_in_dim3A_95 : f32 to vector<16xf32>
    %swap3A_97 = arith.constant 240 : index
    %swap3A_98 = tpu.vector_load %arg5[%swap3A_97] {strides = array<i32>} : memref<512xf32, #tpu.memory_space<vmem>>, vector<16xf32>,
    %swap3A_99 = vector.shape_cast %swap3A_98 : vector<16xf32> to vector<16xf32>
    %swap3A_100 = vector.shape_cast %broadcast_in_dim3A_96 : vector<16xf32> to vector<16xf32>
    tpu.vector_store %arg5[%swap3A_97], %swap3A_100 {strides = array<i32>} : memref<512xf32, #tpu.memory_space<vmem>>, vector<16xf32>,
    %broadcast_in_dim3A_101 = arith.constant 1.000000e+00 : f32
    %broadcast_in_dim3A_102 = vector.broadcast %broadcast_in_dim3A_101 : f32 to vector<16xf32>
    %swap3A_103 = arith.constant 256 : index
    %swap3A_104 = tpu.vector_load %arg5[%swap3A_103] {strides = array<i32>} : memref<512xf32, #tpu.memory_space<vmem>>, vector<16xf32>,
    %swap3A_105 = vector.shape_cast %swap3A_104 : vector<16xf32> to vector<16xf32>
    %swap3A_106 = vector.shape_cast %broadcast_in_dim3A_102 : vector<16xf32> to vector<16xf32>
    tpu.vector_store %arg5[%swap3A_103], %swap3A_106 {strides = array<i32>} : memref<512xf32, #tpu.memory_space<vmem>>, vector<16xf32>,
    %broadcast_in_dim3A_107 = arith.constant 1.000000e+00 : f32
    %broadcast_in_dim3A_108 = vector.broadcast %broadcast_in_dim3A_107 : f32 to vector<16xf32>
    %swap3A_109 = arith.constant 272 : index
    %swap3A_110 = tpu.vector_load %arg5[%swap3A_109] {strides = array<i32>} : memref<512xf32, #tpu.memory_space<vmem>>, vector<16xf32>,
    %swap3A_111 = vector.shape_cast %swap3A_110 : vector<16xf32> to vector<16xf32>
    %swap3A_112 = vector.shape_cast %broadcast_in_dim3A_108 : vector<16xf32> to vector<16xf32>
    tpu.vector_store %arg5[%swap3A_109], %swap3A_112 {strides = array<i32>} : memref<512xf32, #tpu.memory_space<vmem>>, vector<16xf32>,
    %broadcast_in_dim3A_113 = arith.constant 1.000000e+00 : f32
    %broadcast_in_dim3A_114 = vector.broadcast %broadcast_in_dim3A_113 : f32 to vector<16xf32>
    %swap3A_115 = arith.constant 288 : index
    %swap3A_116 = tpu.vector_load %arg5[%swap3A_115] {strides = array<i32>} : memref<512xf32, #tpu.memory_space<vmem>>, vector<16xf32>,
    %swap3A_117 = vector.shape_cast %swap3A_116 : vector<16xf32> to vector<16xf32>
    %swap3A_118 = vector.shape_cast %broadcast_in_dim3A_114 : vector<16xf32> to vector<16xf32>
    tpu.vector_store %arg5[%swap3A_115], %swap3A_118 {strides = array<i32>} : memref<512xf32, #tpu.memory_space<vmem>>, vector<16xf32>,
    %broadcast_in_dim3A_119 = arith.constant 1.000000e+00 : f32
    %broadcast_in_dim3A_120 = vector.broadcast %broadcast_in_dim3A_119 : f32 to vector<16xf32>
    %swap3A_121 = arith.constant 304 : index
    %swap3A_122 = tpu.vector_load %arg5[%swap3A_121] {strides = array<i32>} : memref<512xf32, #tpu.memory_space<vmem>>, vector<16xf32>,
    %swap3A_123 = vector.shape_cast %swap3A_122 : vector<16xf32> to vector<16xf32>
    %swap3A_124 = vector.shape_cast %broadcast_in_dim3A_120 : vector<16xf32> to vector<16xf32>
    tpu.vector_store %arg5[%swap3A_121], %swap3A_124 {strides = array<i32>} : memref<512xf32, #tpu.memory_space<vmem>>, vector<16xf32>,
    %broadcast_in_dim3A_125 = arith.constant 1.000000e+00 : f32
    %broadcast_in_dim3A_126 = vector.broadcast %broadcast_in_dim3A_125 : f32 to vector<16xf32>
    %swap3A_127 = arith.constant 320 : index
    %swap3A_128 = tpu.vector_load %arg5[%swap3A_127] {strides = array<i32>} : memref<512xf32, #tpu.memory_space<vmem>>, vector<16xf32>,
    %swap3A_129 = vector.shape_cast %swap3A_128 : vector<16xf32> to vector<16xf32>
    %swap3A_130 = vector.shape_cast %broadcast_in_dim3A_126 : vector<16xf32> to vector<16xf32>
    tpu.vector_store %arg5[%swap3A_127], %swap3A_130 {strides = array<i32>} : memref<512xf32, #tpu.memory_space<vmem>>, vector<16xf32>,
    %broadcast_in_dim3A_131 = arith.constant 1.000000e+00 : f32
    %broadcast_in_dim3A_132 = vector.broadcast %broadcast_in_dim3A_131 : f32 to vector<16xf32>
    %swap3A_133 = arith.constant 336 : index
    %swap3A_134 = tpu.vector_load %arg5[%swap3A_133] {strides = array<i32>} : memref<512xf32, #tpu.memory_space<vmem>>, vector<16xf32>,
    %swap3A_135 = vector.shape_cast %swap3A_134 : vector<16xf32> to vector<16xf32>
    %swap3A_136 = vector.shape_cast %broadcast_in_dim3A_132 : vector<16xf32> to vector<16xf32>
    tpu.vector_store %arg5[%swap3A_133], %swap3A_136 {strides = array<i32>} : memref<512xf32, #tpu.memory_space<vmem>>, vector<16xf32>,
    %broadcast_in_dim3A_137 = arith.constant 1.000000e+00 : f32
    %broadcast_in_dim3A_138 = vector.broadcast %broadcast_in_dim3A_137 : f32 to vector<16xf32>
    %swap3A_139 = arith.constant 352 : index
    %swap3A_140 = tpu.vector_load %arg5[%swap3A_139] {strides = array<i32>} : memref<512xf32, #tpu.memory_space<vmem>>, vector<16xf32>,
    %swap3A_141 = vector.shape_cast %swap3A_140 : vector<16xf32> to vector<16xf32>
    %swap3A_142 = vector.shape_cast %broadcast_in_dim3A_138 : vector<16xf32> to vector<16xf32>
    tpu.vector_store %arg5[%swap3A_139], %swap3A_142 {strides = array<i32>} : memref<512xf32, #tpu.memory_space<vmem>>, vector<16xf32>,
    %broadcast_in_dim3A_143 = arith.constant 1.000000e+00 : f32
    %broadcast_in_dim3A_144 = vector.broadcast %broadcast_in_dim3A_143 : f32 to vector<16xf32>
    %swap3A_145 = arith.constant 368 : index
    %swap3A_146 = tpu.vector_load %arg5[%swap3A_145] {strides = array<i32>} : memref<512xf32, #tpu.memory_space<vmem>>, vector<16xf32>,
    %swap3A_147 = vector.shape_cast %swap3A_146 : vector<16xf32> to vector<16xf32>
    %swap3A_148 = vector.shape_cast %broadcast_in_dim3A_144 : vector<16xf32> to vector<16xf32>
    tpu.vector_store %arg5[%swap3A_145], %swap3A_148 {strides = array<i32>} : memref<512xf32, #tpu.memory_space<vmem>>, vector<16xf32>,
    %broadcast_in_dim3A_149 = arith.constant 1.000000e+00 : f32
    %broadcast_in_dim3A_150 = vector.broadcast %broadcast_in_dim3A_149 : f32 to vector<16xf32>
    %swap3A_151 = arith.constant 384 : index
    %swap3A_152 = tpu.vector_load %arg5[%swap3A_151] {strides = array<i32>} : memref<512xf32, #tpu.memory_space<vmem>>, vector<16xf32>,
    %swap3A_153 = vector.shape_cast %swap3A_152 : vector<16xf32> to vector<16xf32>
    %swap3A_154 = vector.shape_cast %broadcast_in_dim3A_150 : vector<16xf32> to vector<16xf32>
    tpu.vector_store %arg5[%swap3A_151], %swap3A_154 {strides = array<i32>} : memref<512xf32, #tpu.memory_space<vmem>>, vector<16xf32>,
    %broadcast_in_dim3A_155 = arith.constant 1.000000e+00 : f32
    %broadcast_in_dim3A_156 = vector.broadcast %broadcast_in_dim3A_155 : f32 to vector<16xf32>
    %swap3A_157 = arith.constant 400 : index
    %swap3A_158 = tpu.vector_load %arg5[%swap3A_157] {strides = array<i32>} : memref<512xf32, #tpu.memory_space<vmem>>, vector<16xf32>,
    %swap3A_159 = vector.shape_cast %swap3A_158 : vector<16xf32> to vector<16xf32>
    %swap3A_160 = vector.shape_cast %broadcast_in_dim3A_156 : vector<16xf32> to vector<16xf32>
    tpu.vector_store %arg5[%swap3A_157], %swap3A_160 {strides = array<i32>} : memref<512xf32, #tpu.memory_space<vmem>>, vector<16xf32>,
    %broadcast_in_dim3A_161 = arith.constant 1.000000e+00 : f32
    %broadcast_in_dim3A_162 = vector.broadcast %broadcast_in_dim3A_161 : f32 to vector<16xf32>
    %swap3A_163 = arith.constant 416 : index
    %swap3A_164 = tpu.vector_load %arg5[%swap3A_163] {strides = array<i32>} : memref<512xf32, #tpu.memory_space<vmem>>, vector<16xf32>,
    %swap3A_165 = vector.shape_cast %swap3A_164 : vector<16xf32> to vector<16xf32>
    %swap3A_166 = vector.shape_cast %broadcast_in_dim3A_162 : vector<16xf32> to vector<16xf32>
    tpu.vector_store %arg5[%swap3A_163], %swap3A_166 {strides = array<i32>} : memref<512xf32, #tpu.memory_space<vmem>>, vector<16xf32>,
    %broadcast_in_dim3A_167 = arith.constant 1.000000e+00 : f32
    %broadcast_in_dim3A_168 = vector.broadcast %broadcast_in_dim3A_167 : f32 to vector<16xf32>
    %swap3A_169 = arith.constant 432 : index
    %swap3A_170 = tpu.vector_load %arg5[%swap3A_169] {strides = array<i32>} : memref<512xf32, #tpu.memory_space<vmem>>, vector<16xf32>,
    %swap3A_171 = vector.shape_cast %swap3A_170 : vector<16xf32> to vector<16xf32>
    %swap3A_172 = vector.shape_cast %broadcast_in_dim3A_168 : vector<16xf32> to vector<16xf32>
    tpu.vector_store %arg5[%swap3A_169], %swap3A_172 {strides = array<i32>} : memref<512xf32, #tpu.memory_space<vmem>>, vector<16xf32>,
    %broadcast_in_dim3A_173 = arith.constant 1.000000e+00 : f32
    %broadcast_in_dim3A_174 = vector.broadcast %broadcast_in_dim3A_173 : f32 to vector<16xf32>
    %swap3A_175 = arith.constant 448 : index
    %swap3A_176 = tpu.vector_load %arg5[%swap3A_175] {strides = array<i32>} : memref<512xf32, #tpu.memory_space<vmem>>, vector<16xf32>,
    %swap3A_177 = vector.shape_cast %swap3A_176 : vector<16xf32> to vector<16xf32>
    %swap3A_178 = vector.shape_cast %broadcast_in_dim3A_174 : vector<16xf32> to vector<16xf32>
    tpu.vector_store %arg5[%swap3A_175], %swap3A_178 {strides = array<i32>} : memref<512xf32, #tpu.memory_space<vmem>>, vector<16xf32>,
    %broadcast_in_dim3A_179 = arith.constant 1.000000e+00 : f32
    %broadcast_in_dim3A_180 = vector.broadcast %broadcast_in_dim3A_179 : f32 to vector<16xf32>
    %swap3A_181 = arith.constant 464 : index
    %swap3A_182 = tpu.vector_load %arg5[%swap3A_181] {strides = array<i32>} : memref<512xf32, #tpu.memory_space<vmem>>, vector<16xf32>,
    %swap3A_183 = vector.shape_cast %swap3A_182 : vector<16xf32> to vector<16xf32>
    %swap3A_184 = vector.shape_cast %broadcast_in_dim3A_180 : vector<16xf32> to vector<16xf32>
    tpu.vector_store %arg5[%swap3A_181], %swap3A_184 {strides = array<i32>} : memref<512xf32, #tpu.memory_space<vmem>>, vector<16xf32>,
    %broadcast_in_dim3A_185 = arith.constant 1.000000e+00 : f32
    %broadcast_in_dim3A_186 = vector.broadcast %broadcast_in_dim3A_185 : f32 to vector<16xf32>
    %swap3A_187 = arith.constant 480 : index
    %swap3A_188 = tpu.vector_load %arg5[%swap3A_187] {strides = array<i32>} : memref<512xf32, #tpu.memory_space<vmem>>, vector<16xf32>,
    %swap3A_189 = vector.shape_cast %swap3A_188 : vector<16xf32> to vector<16xf32>
    %swap3A_190 = vector.shape_cast %broadcast_in_dim3A_186 : vector<16xf32> to vector<16xf32>
    tpu.vector_store %arg5[%swap3A_187], %swap3A_190 {strides = array<i32>} : memref<512xf32, #tpu.memory_space<vmem>>, vector<16xf32>,
    %broadcast_in_dim3A_191 = arith.constant 1.000000e+00 : f32
    %broadcast_in_dim3A_192 = vector.broadcast %broadcast_in_dim3A_191 : f32 to vector<16xf32>
    %swap3A_193 = arith.constant 496 : index
    %swap3A_194 = tpu.vector_load %arg5[%swap3A_193] {strides = array<i32>} : memref<512xf32, #tpu.memory_space<vmem>>, vector<16xf32>,
    %swap3A_195 = vector.shape_cast %swap3A_194 : vector<16xf32> to vector<16xf32>
    %swap3A_196 = vector.shape_cast %broadcast_in_dim3A_192 : vector<16xf32> to vector<16xf32>
    tpu.vector_store %arg5[%swap3A_193], %swap3A_196 {strides = array<i32>} : memref<512xf32, #tpu.memory_space<vmem>>, vector<16xf32>,
    %lt3A = arith.constant 10 : i32
    %lt3A_197 = arith.cmpi slt, %arg1, %lt3A : i32
    %convert_element_type3A = arith.extui %lt3A_197 : i1 to i32
    %cond3A = arith.constant 0 : i32
    %cond3A_198 = arith.cmpi ne, %convert_element_type3A, %cond3A : i32
    scf.if %cond3A_198 {
      %mul3A_224 = arith.constant 1000 : i32
      %mul3A_225 = arith.muli %arg1, %mul3A_224 : i32
      "tpu.region"() ({
        %run_scoped3A_226 = tpu.sem_alloc : memref<!tpu.dma_semaphore, #tpu.memory_space<semaphore_mem>>
        %dma_start3A = arith.constant 0 : i32
        %dma_start3A_227 = tpu.memref_slice %arg6[%dma_start3A] : memref<1024xf32, #tpu.memory_space<vmem>> -> memref<1000xf32, #tpu.memory_space<vmem>>
        %dma_start3A_228 = tpu.memref_slice %arg7[%mul3A_225] : memref<10000xf32, #tpu.memory_space<vmem_shared>> -> memref<1000xf32, #tpu.memory_space<vmem_shared>>
        %dma_start3A_229 = tpu.memref_slice %arg7[%mul3A_225] : memref<10000xf32, #tpu.memory_space<vmem_shared>> -> memref<1000xf32, #tpu.memory_space<vmem_shared>>
        %dma_start3A_230 = arith.constant 0 : i32
        %dma_start3A_231 = tpu.memref_slice %arg6[%dma_start3A_230] : memref<1024xf32, #tpu.memory_space<vmem>> -> memref<1000xf32, #tpu.memory_space<vmem>>
        tpu.enqueue_dma source(%dma_start3A_231 : memref<1000xf32, #tpu.memory_space<vmem>>) target(%dma_start3A_229 : memref<1000xf32, #tpu.memory_space<vmem_shared>>) target_semaphore(%run_scoped3A_226 : memref<!tpu.dma_semaphore, #tpu.memory_space<semaphore_mem>>)
        %dma_wait3A = arith.constant 0 : i32
        %dma_wait3A_232 = tpu.memref_slice %arg6[%dma_wait3A] : memref<1024xf32, #tpu.memory_space<vmem>> -> memref<1000xf32, #tpu.memory_space<vmem>>
        %dma_wait3A_233 = tpu.memref_slice %arg7[%mul3A_225] : memref<10000xf32, #tpu.memory_space<vmem_shared>> -> memref<1000xf32, #tpu.memory_space<vmem_shared>>
        %dma_wait3A_234 = tpu.memref_slice %arg7[%mul3A_225] : memref<10000xf32, #tpu.memory_space<vmem_shared>> -> memref<1000xf32, #tpu.memory_space<vmem_shared>>
        %dma_wait3A_235 = arith.constant 0 : i32
        %dma_wait3A_236 = tpu.memref_slice %arg6[%dma_wait3A_235] : memref<1024xf32, #tpu.memory_space<vmem>> -> memref<1000xf32, #tpu.memory_space<vmem>>
        tpu.wait_dma2 semaphore(%run_scoped3A_226 : memref<!tpu.dma_semaphore, #tpu.memory_space<semaphore_mem>>) src(%dma_wait3A_236 : memref<1000xf32, #tpu.memory_space<vmem>>) dst(%dma_wait3A_234 : memref<1000xf32, #tpu.memory_space<vmem_shared>>)
        tpu.yield
      }) : () -> ()
    } else {
    }
    %barrier3A = arith.constant 0 : index
    tpu.barrier barrier_id(%barrier3A)
    %mul3A_199 = arith.constant 19 : i32
    %mul3A_200 = arith.muli %add3A, %mul3A_199 : i32
    %run_scoped3A = arith.constant 1 : i32
    "tpu.region"() ({
      %run_scoped3A_224 = tpu.sem_alloc : memref<!tpu.dma_semaphore, #tpu.memory_space<semaphore_mem>>
      %dma_start3A = arith.constant 0 : i32
      %dma_start3A_225 = arith.constant 0 : i32
      %dma_start3A_226 = tpu.memref_slice %arg4[%dma_start3A, %dma_start3A_225] : memref<20x512xi32, #tpu.memory_space<vmem>> -> memref<19x512xi32, #tpu.memory_space<vmem>>
      %dma_start3A_227 = arith.constant 0 : i32
      %dma_start3A_228 = tpu.memref_slice %arg2[%run_scoped3A, %mul3A_200, %dma_start3A_227] : memref<2x625x512xi32, #tpu.memory_space<hbm>> -> memref<1x19x512xi32, #tpu.memory_space<hbm>>
      %dma_start3A_229 = tpu.memref_squeeze %dma_start3A_228 : memref<1x19x512xi32, #tpu.memory_space<hbm>> -> memref<19x512xi32, #tpu.memory_space<hbm>>
      %dma_start3A_230 = arith.constant 0 : i32
      %dma_start3A_231 = arith.constant 0 : i32
      %dma_start3A_232 = tpu.memref_slice %arg4[%dma_start3A_230, %dma_start3A_231] : memref<20x512xi32, #tpu.memory_space<vmem>> -> memref<19x512xi32, #tpu.memory_space<vmem>>
      %dma_start3A_233 = arith.constant 0 : i32
      %dma_start3A_234 = tpu.memref_slice %arg2[%run_scoped3A, %mul3A_200, %dma_start3A_233] : memref<2x625x512xi32, #tpu.memory_space<hbm>> -> memref<1x19x512xi32, #tpu.memory_space<hbm>>
      %dma_start3A_235 = tpu.memref_squeeze %dma_start3A_234 : memref<1x19x512xi32, #tpu.memory_space<hbm>> -> memref<19x512xi32, #tpu.memory_space<hbm>>
      tpu.enqueue_dma source(%dma_start3A_235 : memref<19x512xi32, #tpu.memory_space<hbm>>) target(%dma_start3A_232 : memref<19x512xi32, #tpu.memory_space<vmem>>) target_semaphore(%run_scoped3A_224 : memref<!tpu.dma_semaphore, #tpu.memory_space<semaphore_mem>>)
      %dma_wait3A = arith.constant 0 : i32
      %dma_wait3A_236 = arith.constant 0 : i32
      %dma_wait3A_237 = tpu.memref_slice %arg4[%dma_wait3A, %dma_wait3A_236] : memref<20x512xi32, #tpu.memory_space<vmem>> -> memref<19x512xi32, #tpu.memory_space<vmem>>
      %dma_wait3A_238 = arith.constant 0 : i32
      %dma_wait3A_239 = tpu.memref_slice %arg2[%run_scoped3A, %mul3A_200, %dma_wait3A_238] : memref<2x625x512xi32, #tpu.memory_space<hbm>> -> memref<1x19x512xi32, #tpu.memory_space<hbm>>
      %dma_wait3A_240 = tpu.memref_squeeze %dma_wait3A_239 : memref<1x19x512xi32, #tpu.memory_space<hbm>> -> memref<19x512xi32, #tpu.memory_space<hbm>>
      %dma_wait3A_241 = arith.constant 0 : i32
      %dma_wait3A_242 = arith.constant 0 : i32
      %dma_wait3A_243 = tpu.memref_slice %arg4[%dma_wait3A_241, %dma_wait3A_242] : memref<20x512xi32, #tpu.memory_space<vmem>> -> memref<19x512xi32, #tpu.memory_space<vmem>>
      %dma_wait3A_244 = arith.constant 0 : i32
      %dma_wait3A_245 = tpu.memref_slice %arg2[%run_scoped3A, %mul3A_200, %dma_wait3A_244] : memref<2x625x512xi32, #tpu.memory_space<hbm>> -> memref<1x19x512xi32, #tpu.memory_space<hbm>>
      %dma_wait3A_246 = tpu.memref_squeeze %dma_wait3A_245 : memref<1x19x512xi32, #tpu.memory_space<hbm>> -> memref<19x512xi32, #tpu.memory_space<hbm>>
      tpu.wait_dma2 semaphore(%run_scoped3A_224 : memref<!tpu.dma_semaphore, #tpu.memory_space<semaphore_mem>>) src(%dma_wait3A_246 : memref<19x512xi32, #tpu.memory_space<hbm>>) dst(%dma_wait3A_243 : memref<19x512xi32, #tpu.memory_space<vmem>>)
      tpu.yield
    }) : () -> ()
    %lt3A_201 = arith.constant 17 : i32
    %lt3A_202 = arith.cmpi slt, %add3A, %lt3A_201 : i32
    %convert_element_type3A_203 = arith.extui %lt3A_202 : i1 to i32
    %cond3A_204 = arith.constant 0 : i32
    %cond3A_205 = arith.cmpi ne, %convert_element_type3A_203, %cond3A_204 : i32
    scf.if %cond3A_205 {
      %add3A_224 = arith.constant 608 : i32
      %add3A_225 = arith.addi %add3A_224, %add3A : i32
      %run_scoped3A_226 = arith.constant 1 : i32
      "tpu.region"() ({
        %run_scoped3A_227 = tpu.sem_alloc : memref<!tpu.dma_semaphore, #tpu.memory_space<semaphore_mem>>
        %dma_start3A = arith.constant 19 : i32
        %dma_start3A_228 = arith.constant 0 : i32
        %dma_start3A_229 = tpu.memref_slice %arg4[%dma_start3A, %dma_start3A_228] : memref<20x512xi32, #tpu.memory_space<vmem>> -> memref<1x512xi32, #tpu.memory_space<vmem>>
        %dma_start3A_230 = arith.constant 0 : i32
        %dma_start3A_231 = tpu.memref_slice %arg2[%run_scoped3A_226, %add3A_225, %dma_start3A_230] : memref<2x625x512xi32, #tpu.memory_space<hbm>> -> memref<1x1x512xi32, #tpu.memory_space<hbm>>
        %dma_start3A_232 = tpu.memref_squeeze %dma_start3A_231 : memref<1x1x512xi32, #tpu.memory_space<hbm>> -> memref<1x512xi32, #tpu.memory_space<hbm>>
        %dma_start3A_233 = arith.constant 19 : i32
        %dma_start3A_234 = arith.constant 0 : i32
        %dma_start3A_235 = tpu.memref_slice %arg4[%dma_start3A_233, %dma_start3A_234] : memref<20x512xi32, #tpu.memory_space<vmem>> -> memref<1x512xi32, #tpu.memory_space<vmem>>
        %dma_start3A_236 = arith.constant 0 : i32
        %dma_start3A_237 = tpu.memref_slice %arg2[%run_scoped3A_226, %add3A_225, %dma_start3A_236] : memref<2x625x512xi32, #tpu.memory_space<hbm>> -> memref<1x1x512xi32, #tpu.memory_space<hbm>>
        %dma_start3A_238 = tpu.memref_squeeze %dma_start3A_237 : memref<1x1x512xi32, #tpu.memory_space<hbm>> -> memref<1x512xi32, #tpu.memory_space<hbm>>
        tpu.enqueue_dma source(%dma_start3A_238 : memref<1x512xi32, #tpu.memory_space<hbm>>) target(%dma_start3A_235 : memref<1x512xi32, #tpu.memory_space<vmem>>) target_semaphore(%run_scoped3A_227 : memref<!tpu.dma_semaphore, #tpu.memory_space<semaphore_mem>>)
        %dma_wait3A = arith.constant 19 : i32
        %dma_wait3A_239 = arith.constant 0 : i32
        %dma_wait3A_240 = tpu.memref_slice %arg4[%dma_wait3A, %dma_wait3A_239] : memref<20x512xi32, #tpu.memory_space<vmem>> -> memref<1x512xi32, #tpu.memory_space<vmem>>
        %dma_wait3A_241 = arith.constant 0 : i32
        %dma_wait3A_242 = tpu.memref_slice %arg2[%run_scoped3A_226, %add3A_225, %dma_wait3A_241] : memref<2x625x512xi32, #tpu.memory_space<hbm>> -> memref<1x1x512xi32, #tpu.memory_space<hbm>>
        %dma_wait3A_243 = tpu.memref_squeeze %dma_wait3A_242 : memref<1x1x512xi32, #tpu.memory_space<hbm>> -> memref<1x512xi32, #tpu.memory_space<hbm>>
        %dma_wait3A_244 = arith.constant 19 : i32
        %dma_wait3A_245 = arith.constant 0 : i32
        %dma_wait3A_246 = tpu.memref_slice %arg4[%dma_wait3A_244, %dma_wait3A_245] : memref<20x512xi32, #tpu.memory_space<vmem>> -> memref<1x512xi32, #tpu.memory_space<vmem>>
        %dma_wait3A_247 = arith.constant 0 : i32
        %dma_wait3A_248 = tpu.memref_slice %arg2[%run_scoped3A_226, %add3A_225, %dma_wait3A_247] : memref<2x625x512xi32, #tpu.memory_space<hbm>> -> memref<1x1x512xi32, #tpu.memory_space<hbm>>
        %dma_wait3A_249 = tpu.memref_squeeze %dma_wait3A_248 : memref<1x1x512xi32, #tpu.memory_space<hbm>> -> memref<1x512xi32, #tpu.memory_space<hbm>>
        tpu.wait_dma2 semaphore(%run_scoped3A_227 : memref<!tpu.dma_semaphore, #tpu.memory_space<semaphore_mem>>) src(%dma_wait3A_249 : memref<1x512xi32, #tpu.memory_space<hbm>>) dst(%dma_wait3A_246 : memref<1x512xi32, #tpu.memory_space<vmem>>)
        tpu.yield
      }) : () -> ()
    } else {
    }
    %scan3A_206 = arith.constant 0 : i32
    %scan3A_207 = arith.constant 0 : i32
    %scan3A_208 = arith.constant 19 : i32
    %scan3A_209 = arith.addi %scan3A_207, %scan3A_208 : i32
    %scan3A_210 = arith.constant 1 : i32
    %scan3A_211 = scf.for %scan3A_224 = %scan3A_207 to %scan3A_209 step %scan3A_210 iter_args(%scan3A_225 = %scan3A_206) -> (i32)  : i32 {
      "tpu.region"() ({
        %run_scoped3A_227 = tpu.sem_alloc : memref<!tpu.dma_semaphore, #tpu.memory_space<semaphore_mem>>
        %dma_start3A = arith.constant 0 : i32
        %dma_start3A_228 = tpu.memref_slice %arg4[%scan3A_224, %dma_start3A] : memref<20x512xi32, #tpu.memory_space<vmem>> -> memref<1x512xi32, #tpu.memory_space<vmem>>
        %dma_start3A_229 = tpu.memref_squeeze %dma_start3A_228 : memref<1x512xi32, #tpu.memory_space<vmem>> -> memref<512xi32, #tpu.memory_space<vmem>>
        %dma_start3A_230 = arith.constant 0 : i32
        %dma_start3A_231 = tpu.memref_slice %arg7[%dma_start3A_230] : memref<10000xf32, #tpu.memory_space<vmem_shared>> -> memref<10000xf32, #tpu.memory_space<vmem_shared>>
        tpu.enqueue_indirect_dma source(%arg5 : memref<512xf32, #tpu.memory_space<vmem>>) target(%dma_start3A_231 : memref<10000xf32, #tpu.memory_space<vmem_shared>>) offsets(%dma_start3A_229 : memref<512xi32, #tpu.memory_space<vmem>>) semaphore(%run_scoped3A_227 : memref<!tpu.dma_semaphore, #tpu.memory_space<semaphore_mem>>) {add = true}
        %dma_wait3A = arith.constant 0 : i32
        %dma_wait3A_232 = tpu.memref_slice %arg4[%scan3A_224, %dma_wait3A] : memref<20x512xi32, #tpu.memory_space<vmem>> -> memref<1x512xi32, #tpu.memory_space<vmem>>
        %dma_wait3A_233 = tpu.memref_squeeze %dma_wait3A_232 : memref<1x512xi32, #tpu.memory_space<vmem>> -> memref<512xi32, #tpu.memory_space<vmem>>
        %dma_wait3A_234 = arith.constant 0 : i32
        %dma_wait3A_235 = tpu.memref_slice %arg7[%dma_wait3A_234] : memref<10000xf32, #tpu.memory_space<vmem_shared>> -> memref<10000xf32, #tpu.memory_space<vmem_shared>>
        tpu.wait_indirect_dma semaphore(%run_scoped3A_227 : memref<!tpu.dma_semaphore, #tpu.memory_space<semaphore_mem>>) src(%arg5 : memref<512xf32, #tpu.memory_space<vmem>>) dst(%dma_wait3A_235 : memref<10000xf32, #tpu.memory_space<vmem_shared>>)
        tpu.yield
      }) : () -> ()
      %scan3A_226 = arith.constant 0 : i32
      scf.yield %scan3A_226 : i32
    }
    %scan3A_212 = arith.constant 19 : i32
    %lt3A_213 = arith.constant 17 : i32
    %lt3A_214 = arith.cmpi slt, %add3A, %lt3A_213 : i32
    %convert_element_type3A_215 = arith.extui %lt3A_214 : i1 to i32
    %cond3A_216 = arith.constant 0 : i32
    %cond3A_217 = arith.cmpi ne, %convert_element_type3A_215, %cond3A_216 : i32
    scf.if %cond3A_217 {
      %run_scoped3A_224 = arith.constant 19 : i32
      "tpu.region"() ({
        %run_scoped3A_225 = tpu.sem_alloc : memref<!tpu.dma_semaphore, #tpu.memory_space<semaphore_mem>>
        %dma_start3A = arith.constant 0 : i32
        %dma_start3A_226 = tpu.memref_slice %arg4[%run_scoped3A_224, %dma_start3A] : memref<20x512xi32, #tpu.memory_space<vmem>> -> memref<1x512xi32, #tpu.memory_space<vmem>>
        %dma_start3A_227 = tpu.memref_squeeze %dma_start3A_226 : memref<1x512xi32, #tpu.memory_space<vmem>> -> memref<512xi32, #tpu.memory_space<vmem>>
        %dma_start3A_228 = arith.constant 0 : i32
        %dma_start3A_229 = tpu.memref_slice %arg7[%dma_start3A_228] : memref<10000xf32, #tpu.memory_space<vmem_shared>> -> memref<10000xf32, #tpu.memory_space<vmem_shared>>
        tpu.enqueue_indirect_dma source(%arg5 : memref<512xf32, #tpu.memory_space<vmem>>) target(%dma_start3A_229 : memref<10000xf32, #tpu.memory_space<vmem_shared>>) offsets(%dma_start3A_227 : memref<512xi32, #tpu.memory_space<vmem>>) semaphore(%run_scoped3A_225 : memref<!tpu.dma_semaphore, #tpu.memory_space<semaphore_mem>>) {add = true}
        %dma_wait3A = arith.constant 0 : i32
        %dma_wait3A_230 = tpu.memref_slice %arg4[%run_scoped3A_224, %dma_wait3A] : memref<20x512xi32, #tpu.memory_space<vmem>> -> memref<1x512xi32, #tpu.memory_space<vmem>>
        %dma_wait3A_231 = tpu.memref_squeeze %dma_wait3A_230 : memref<1x512xi32, #tpu.memory_space<vmem>> -> memref<512xi32, #tpu.memory_space<vmem>>
        %dma_wait3A_232 = arith.constant 0 : i32
        %dma_wait3A_233 = tpu.memref_slice %arg7[%dma_wait3A_232] : memref<10000xf32, #tpu.memory_space<vmem_shared>> -> memref<10000xf32, #tpu.memory_space<vmem_shared>>
        tpu.wait_indirect_dma semaphore(%run_scoped3A_225 : memref<!tpu.dma_semaphore, #tpu.memory_space<semaphore_mem>>) src(%arg5 : memref<512xf32, #tpu.memory_space<vmem>>) dst(%dma_wait3A_233 : memref<10000xf32, #tpu.memory_space<vmem_shared>>)
        tpu.yield
      }) : () -> ()
    } else {
    }
    %barrier3A_218 = arith.constant 0 : index
    tpu.barrier barrier_id(%barrier3A_218)
    %lt3A_219 = arith.constant 10 : i32
    %lt3A_220 = arith.cmpi slt, %arg1, %lt3A_219 : i32
    %convert_element_type3A_221 = arith.extui %lt3A_220 : i1 to i32
    %cond3A_222 = arith.constant 0 : i32
    %cond3A_223 = arith.cmpi ne, %convert_element_type3A_221, %cond3A_222 : i32
    scf.if %cond3A_223 {
      %mul3A_224 = arith.constant 1000 : i32
      %mul3A_225 = arith.muli %arg1, %mul3A_224 : i32
      %mul3A_226 = arith.constant 1000 : i32
      %mul3A_227 = arith.muli %arg1, %mul3A_226 : i32
      "tpu.region"() ({
        %run_scoped3A_228 = tpu.sem_alloc : memref<!tpu.dma_semaphore, #tpu.memory_space<semaphore_mem>>
        %dma_start3A = tpu.memref_slice %arg3[%arg0, %mul3A_227] : memref<2x10000xf32, #tpu.memory_space<hbm>> -> memref<1x1000xf32, #tpu.memory_space<hbm>>
        %dma_start3A_229 = tpu.memref_squeeze %dma_start3A : memref<1x1000xf32, #tpu.memory_space<hbm>> -> memref<1000xf32, #tpu.memory_space<hbm>>
        %dma_start3A_230 = tpu.memref_slice %arg7[%mul3A_225] : memref<10000xf32, #tpu.memory_space<vmem_shared>> -> memref<1000xf32, #tpu.memory_space<vmem_shared>>
        tpu.enqueue_dma source(%dma_start3A_230 : memref<1000xf32, #tpu.memory_space<vmem_shared>>) target(%dma_start3A_229 : memref<1000xf32, #tpu.memory_space<hbm>>) target_semaphore(%run_scoped3A_228 : memref<!tpu.dma_semaphore, #tpu.memory_space<semaphore_mem>>)
        %dma_wait3A = tpu.memref_slice %arg3[%arg0, %mul3A_227] : memref<2x10000xf32, #tpu.memory_space<hbm>> -> memref<1x1000xf32, #tpu.memory_space<hbm>>
        %dma_wait3A_231 = tpu.memref_squeeze %dma_wait3A : memref<1x1000xf32, #tpu.memory_space<hbm>> -> memref<1000xf32, #tpu.memory_space<hbm>>
        %dma_wait3A_232 = tpu.memref_slice %arg7[%mul3A_225] : memref<10000xf32, #tpu.memory_space<vmem_shared>> -> memref<1000xf32, #tpu.memory_space<vmem_shared>>
        tpu.wait_dma2 semaphore(%run_scoped3A_228 : memref<!tpu.dma_semaphore, #tpu.memory_space<semaphore_mem>>) src(%dma_wait3A_232 : memref<1000xf32, #tpu.memory_space<vmem_shared>>) dst(%dma_wait3A_231 : memref<1000xf32, #tpu.memory_space<hbm>>)
        tpu.yield
      }) : () -> ()
    } else {
    }
    return
  }
}

#map = affine_map<(d0, d1) -> (0, 0)>
#map1 = affine_map<(d0, d1) -> (0, 0, 0)>
module attributes {stable_mosaic.version = 14 : i64} {
  func.func @_msg_kernel(%arg0: i32, %arg1: i32, %arg2: memref<10000x128xbf16, #tpu.memory_space<hbm>>, %arg3: memref<2x625x512xi32, #tpu.memory_space<hbm>>, %arg4: memref<10000x256xbf16, #tpu.memory_space<hbm>>, %arg5: memref<20x512xi32, #tpu.memory_space<vmem>>, %arg6: memref<20x512xi32, #tpu.memory_space<vmem>>, %arg7: memref<2x512x128xbf16, #tpu.memory_space<vmem>>, %arg8: memref<10000x128xbf16, #tpu.memory_space<vmem_shared>>, %arg9: memref<!tpu.dma_semaphore, #tpu.memory_space<semaphore_mem>>, %arg10: memref<!tpu.dma_semaphore, #tpu.memory_space<semaphore_mem>>) attributes {dimension_semantics = [#tpu.dimension_semantics<core_parallel>, #tpu.dimension_semantics<subcore_parallel>], iteration_bounds = array<i64: 2, 16>, scalar_prefetch = 0 : i64, scratch_operands = 6 : i64, tpu.core_type = #tpu.core_type<sc_vector_subcore>, window_params = [{transform_indices = #map}, {transform_indices = #map1}, {transform_indices = #map}]} {
    %mul3A = arith.constant 2 : i32
    %mul3A_0 = arith.muli %arg1, %mul3A : i32
    %add3A = arith.addi %mul3A_0, %arg0 : i32
    %scan3A = arith.constant 0 : i32
    %scan3A_1 = arith.constant 0 : i32
    %scan3A_2 = arith.constant 2048 : i32
    %scan3A_3 = arith.addi %scan3A_1, %scan3A_2 : i32
    %scan3A_4 = arith.constant 1 : i32
    %scan3A_5 = scf.for %scan3A_225 = %scan3A_1 to %scan3A_3 step %scan3A_4 iter_args(%scan3A_226 = %scan3A) -> (i32)  : i32 {
      %jit3A = arith.constant 4 : i32
      %div3A = arith.divsi %scan3A_225, %jit3A : i32
      %sign3A = arith.constant 0 : i32
      %sign3A_227 = arith.cmpi sgt, %scan3A_225, %sign3A : i32
      %sign3A_228 = arith.extui %sign3A_227 : i1 to i32
      %sign3A_229 = arith.constant 0 : i32
      %sign3A_230 = arith.cmpi slt, %scan3A_225, %sign3A_229 : i32
      %sign3A_231 = arith.extui %sign3A_230 : i1 to i32
      %sign3A_232 = arith.subi %sign3A_228, %sign3A_231 : i32
      %sign3A_233 = arith.constant 0 : i32
      %sign3A_234 = arith.cmpi sgt, %jit3A, %sign3A_233 : i32
      %sign3A_235 = arith.extui %sign3A_234 : i1 to i32
      %sign3A_236 = arith.constant 0 : i32
      %sign3A_237 = arith.cmpi slt, %jit3A, %sign3A_236 : i32
      %sign3A_238 = arith.extui %sign3A_237 : i1 to i32
      %sign3A_239 = arith.subi %sign3A_235, %sign3A_238 : i32
      %ne3A = arith.cmpi ne, %sign3A_232, %sign3A_239 : i32
      %rem3A = arith.remsi %scan3A_225, %jit3A : i32
      %ne3A_240 = arith.constant 0 : i32
      %ne3A_241 = arith.cmpi ne, %rem3A, %ne3A_240 : i32
      %and3A = arith.andi %ne3A, %ne3A_241 : i1
      %sub3A = arith.constant 1 : i32
      %sub3A_242 = arith.subi %div3A, %sub3A : i32
      %select_n3A = arith.select %and3A, %sub3A_242, %div3A : i32
      %jit3A_243 = arith.constant 4 : i32
      %eq3A = arith.constant 0 : i32
      %eq3A_244 = arith.cmpi eq, %jit3A_243, %eq3A : i32
      %jit3A_245 = arith.constant 1 : i32
      %select_n3A_246 = arith.select %eq3A_244, %jit3A_245, %jit3A_243 : i32
      %rem3A_247 = arith.remsi %scan3A_225, %select_n3A_246 : i32
      %ne3A_248 = arith.constant 0 : i32
      %ne3A_249 = arith.cmpi ne, %rem3A_247, %ne3A_248 : i32
      %lt3A_250 = arith.constant 0 : i32
      %lt3A_251 = arith.cmpi slt, %rem3A_247, %lt3A_250 : i32
      %lt3A_252 = arith.constant 0 : i32
      %lt3A_253 = arith.cmpi slt, %select_n3A_246, %lt3A_252 : i32
      %ne3A_254 = arith.xori %lt3A_251, %lt3A_253 : i1
      %and3A_255 = arith.andi %ne3A_254, %ne3A_249 : i1
      %add3A_256 = arith.addi %rem3A_247, %select_n3A_246 : i32
      %select_n3A_257 = arith.select %and3A_255, %add3A_256, %rem3A_247 : i32
      %broadcast_in_dim3A = arith.constant 0.000000e+00 : bf16
      %broadcast_in_dim3A_258 = vector.broadcast %broadcast_in_dim3A : bf16 to vector<32xbf16>
      %mul3A_259 = arith.constant 32 : i32
      %mul3A_260 = arith.muli %select_n3A_257, %mul3A_259 : i32
      %swap3A = arith.constant 0 : i32
      %swap3A_261 = arith.index_cast %swap3A : i32 to index
      %swap3A_262 = arith.index_cast %select_n3A : i32 to index
      %swap3A_263 = arith.index_cast %mul3A_260 : i32 to index
      %swap3A_264 = tpu.vector_load %arg7[%swap3A_261, %swap3A_262, %swap3A_263] {strides = array<i32>} : memref<2x512x128xbf16, #tpu.memory_space<vmem>>, vector<1x1x32xbf16>,
      %swap3A_265 = vector.shape_cast %swap3A_264 : vector<1x1x32xbf16> to vector<32xbf16>
      %swap3A_266 = vector.shape_cast %broadcast_in_dim3A_258 : vector<32xbf16> to vector<1x1x32xbf16>
      tpu.vector_store %arg7[%swap3A_261, %swap3A_262, %swap3A_263], %swap3A_266 {strides = array<i32>} : memref<2x512x128xbf16, #tpu.memory_space<vmem>>, vector<1x1x32xbf16>,
      %scan3A_267 = arith.constant 0 : i32
      scf.yield %scan3A_267 : i32
    }
    %scan3A_6 = arith.constant 2048 : i32
    %mul3A_7 = arith.constant 8 : i32
    %mul3A_8 = arith.muli %arg1, %mul3A_7 : i32
    %add3A_9 = arith.constant 0 : i32
    %add3A_10 = arith.addi %mul3A_8, %add3A_9 : i32
    %lt3A = arith.constant 125 : i32
    %lt3A_11 = arith.cmpi slt, %add3A_10, %lt3A : i32
    %convert_element_type3A = arith.extui %lt3A_11 : i1 to i32
    %cond3A = arith.constant 0 : i32
    %cond3A_12 = arith.cmpi ne, %convert_element_type3A, %cond3A : i32
    scf.if %cond3A_12 {
      %mul3A_225 = arith.constant 80 : i32
      %mul3A_226 = arith.muli %add3A_10, %mul3A_225 : i32
      %run_scoped3A_227 = arith.constant 0 : i32
      "tpu.region"() ({
        %run_scoped3A_228 = tpu.sem_alloc : memref<!tpu.dma_semaphore, #tpu.memory_space<semaphore_mem>>
        %dma_start3A_229 = arith.constant 0 : i32
        %dma_start3A_230 = arith.constant 0 : i32
        %dma_start3A_231 = tpu.memref_slice %arg7[%run_scoped3A_227, %dma_start3A_229, %dma_start3A_230] : memref<2x512x128xbf16, #tpu.memory_space<vmem>> -> memref<1x80x128xbf16, #tpu.memory_space<vmem>>
        %dma_start3A_232 = tpu.memref_squeeze %dma_start3A_231 : memref<1x80x128xbf16, #tpu.memory_space<vmem>> -> memref<80x128xbf16, #tpu.memory_space<vmem>>
        %dma_start3A_233 = arith.constant 0 : i32
        %dma_start3A_234 = tpu.memref_slice %arg8[%mul3A_226, %dma_start3A_233] : memref<10000x128xbf16, #tpu.memory_space<vmem_shared>> -> memref<80x128xbf16, #tpu.memory_space<vmem_shared>>
        %dma_start3A_235 = arith.constant 0 : i32
        %dma_start3A_236 = tpu.memref_slice %arg8[%mul3A_226, %dma_start3A_235] : memref<10000x128xbf16, #tpu.memory_space<vmem_shared>> -> memref<80x128xbf16, #tpu.memory_space<vmem_shared>>
        %dma_start3A_237 = arith.constant 0 : i32
        %dma_start3A_238 = arith.constant 0 : i32
        %dma_start3A_239 = tpu.memref_slice %arg7[%run_scoped3A_227, %dma_start3A_237, %dma_start3A_238] : memref<2x512x128xbf16, #tpu.memory_space<vmem>> -> memref<1x80x128xbf16, #tpu.memory_space<vmem>>
        %dma_start3A_240 = tpu.memref_squeeze %dma_start3A_239 : memref<1x80x128xbf16, #tpu.memory_space<vmem>> -> memref<80x128xbf16, #tpu.memory_space<vmem>>
        tpu.enqueue_dma source(%dma_start3A_240 : memref<80x128xbf16, #tpu.memory_space<vmem>>) target(%dma_start3A_236 : memref<80x128xbf16, #tpu.memory_space<vmem_shared>>) target_semaphore(%run_scoped3A_228 : memref<!tpu.dma_semaphore, #tpu.memory_space<semaphore_mem>>)
        %dma_wait3A_241 = arith.constant 0 : i32
        %dma_wait3A_242 = arith.constant 0 : i32
        %dma_wait3A_243 = tpu.memref_slice %arg7[%run_scoped3A_227, %dma_wait3A_241, %dma_wait3A_242] : memref<2x512x128xbf16, #tpu.memory_space<vmem>> -> memref<1x80x128xbf16, #tpu.memory_space<vmem>>
        %dma_wait3A_244 = tpu.memref_squeeze %dma_wait3A_243 : memref<1x80x128xbf16, #tpu.memory_space<vmem>> -> memref<80x128xbf16, #tpu.memory_space<vmem>>
        %dma_wait3A_245 = arith.constant 0 : i32
        %dma_wait3A_246 = tpu.memref_slice %arg8[%mul3A_226, %dma_wait3A_245] : memref<10000x128xbf16, #tpu.memory_space<vmem_shared>> -> memref<80x128xbf16, #tpu.memory_space<vmem_shared>>
        %dma_wait3A_247 = arith.constant 0 : i32
        %dma_wait3A_248 = tpu.memref_slice %arg8[%mul3A_226, %dma_wait3A_247] : memref<10000x128xbf16, #tpu.memory_space<vmem_shared>> -> memref<80x128xbf16, #tpu.memory_space<vmem_shared>>
        %dma_wait3A_249 = arith.constant 0 : i32
        %dma_wait3A_250 = arith.constant 0 : i32
        %dma_wait3A_251 = tpu.memref_slice %arg7[%run_scoped3A_227, %dma_wait3A_249, %dma_wait3A_250] : memref<2x512x128xbf16, #tpu.memory_space<vmem>> -> memref<1x80x128xbf16, #tpu.memory_space<vmem>>
        %dma_wait3A_252 = tpu.memref_squeeze %dma_wait3A_251 : memref<1x80x128xbf16, #tpu.memory_space<vmem>> -> memref<80x128xbf16, #tpu.memory_space<vmem>>
        tpu.wait_dma2 semaphore(%run_scoped3A_228 : memref<!tpu.dma_semaphore, #tpu.memory_space<semaphore_mem>>) src(%dma_wait3A_252 : memref<80x128xbf16, #tpu.memory_space<vmem>>) dst(%dma_wait3A_248 : memref<80x128xbf16, #tpu.memory_space<vmem_shared>>)
        tpu.yield
      }) : () -> ()
    } else {
    }
    %mul3A_13 = arith.constant 8 : i32
    %mul3A_14 = arith.muli %arg1, %mul3A_13 : i32
    %add3A_15 = arith.constant 1 : i32
    %add3A_16 = arith.addi %mul3A_14, %add3A_15 : i32
    %lt3A_17 = arith.constant 125 : i32
    %lt3A_18 = arith.cmpi slt, %add3A_16, %lt3A_17 : i32
    %convert_element_type3A_19 = arith.extui %lt3A_18 : i1 to i32
    %cond3A_20 = arith.constant 0 : i32
    %cond3A_21 = arith.cmpi ne, %convert_element_type3A_19, %cond3A_20 : i32
    scf.if %cond3A_21 {
      %mul3A_225 = arith.constant 80 : i32
      %mul3A_226 = arith.muli %add3A_16, %mul3A_225 : i32
      %run_scoped3A_227 = arith.constant 0 : i32
      "tpu.region"() ({
        %run_scoped3A_228 = tpu.sem_alloc : memref<!tpu.dma_semaphore, #tpu.memory_space<semaphore_mem>>
        %dma_start3A_229 = arith.constant 0 : i32
        %dma_start3A_230 = arith.constant 0 : i32
        %dma_start3A_231 = tpu.memref_slice %arg7[%run_scoped3A_227, %dma_start3A_229, %dma_start3A_230] : memref<2x512x128xbf16, #tpu.memory_space<vmem>> -> memref<1x80x128xbf16, #tpu.memory_space<vmem>>
        %dma_start3A_232 = tpu.memref_squeeze %dma_start3A_231 : memref<1x80x128xbf16, #tpu.memory_space<vmem>> -> memref<80x128xbf16, #tpu.memory_space<vmem>>
        %dma_start3A_233 = arith.constant 0 : i32
        %dma_start3A_234 = tpu.memref_slice %arg8[%mul3A_226, %dma_start3A_233] : memref<10000x128xbf16, #tpu.memory_space<vmem_shared>> -> memref<80x128xbf16, #tpu.memory_space<vmem_shared>>
        %dma_start3A_235 = arith.constant 0 : i32
        %dma_start3A_236 = tpu.memref_slice %arg8[%mul3A_226, %dma_start3A_235] : memref<10000x128xbf16, #tpu.memory_space<vmem_shared>> -> memref<80x128xbf16, #tpu.memory_space<vmem_shared>>
        %dma_start3A_237 = arith.constant 0 : i32
        %dma_start3A_238 = arith.constant 0 : i32
        %dma_start3A_239 = tpu.memref_slice %arg7[%run_scoped3A_227, %dma_start3A_237, %dma_start3A_238] : memref<2x512x128xbf16, #tpu.memory_space<vmem>> -> memref<1x80x128xbf16, #tpu.memory_space<vmem>>
        %dma_start3A_240 = tpu.memref_squeeze %dma_start3A_239 : memref<1x80x128xbf16, #tpu.memory_space<vmem>> -> memref<80x128xbf16, #tpu.memory_space<vmem>>
        tpu.enqueue_dma source(%dma_start3A_240 : memref<80x128xbf16, #tpu.memory_space<vmem>>) target(%dma_start3A_236 : memref<80x128xbf16, #tpu.memory_space<vmem_shared>>) target_semaphore(%run_scoped3A_228 : memref<!tpu.dma_semaphore, #tpu.memory_space<semaphore_mem>>)
        %dma_wait3A_241 = arith.constant 0 : i32
        %dma_wait3A_242 = arith.constant 0 : i32
        %dma_wait3A_243 = tpu.memref_slice %arg7[%run_scoped3A_227, %dma_wait3A_241, %dma_wait3A_242] : memref<2x512x128xbf16, #tpu.memory_space<vmem>> -> memref<1x80x128xbf16, #tpu.memory_space<vmem>>
        %dma_wait3A_244 = tpu.memref_squeeze %dma_wait3A_243 : memref<1x80x128xbf16, #tpu.memory_space<vmem>> -> memref<80x128xbf16, #tpu.memory_space<vmem>>
        %dma_wait3A_245 = arith.constant 0 : i32
        %dma_wait3A_246 = tpu.memref_slice %arg8[%mul3A_226, %dma_wait3A_245] : memref<10000x128xbf16, #tpu.memory_space<vmem_shared>> -> memref<80x128xbf16, #tpu.memory_space<vmem_shared>>
        %dma_wait3A_247 = arith.constant 0 : i32
        %dma_wait3A_248 = tpu.memref_slice %arg8[%mul3A_226, %dma_wait3A_247] : memref<10000x128xbf16, #tpu.memory_space<vmem_shared>> -> memref<80x128xbf16, #tpu.memory_space<vmem_shared>>
        %dma_wait3A_249 = arith.constant 0 : i32
        %dma_wait3A_250 = arith.constant 0 : i32
        %dma_wait3A_251 = tpu.memref_slice %arg7[%run_scoped3A_227, %dma_wait3A_249, %dma_wait3A_250] : memref<2x512x128xbf16, #tpu.memory_space<vmem>> -> memref<1x80x128xbf16, #tpu.memory_space<vmem>>
        %dma_wait3A_252 = tpu.memref_squeeze %dma_wait3A_251 : memref<1x80x128xbf16, #tpu.memory_space<vmem>> -> memref<80x128xbf16, #tpu.memory_space<vmem>>
        tpu.wait_dma2 semaphore(%run_scoped3A_228 : memref<!tpu.dma_semaphore, #tpu.memory_space<semaphore_mem>>) src(%dma_wait3A_252 : memref<80x128xbf16, #tpu.memory_space<vmem>>) dst(%dma_wait3A_248 : memref<80x128xbf16, #tpu.memory_space<vmem_shared>>)
        tpu.yield
      }) : () -> ()
    } else {
    }
    %mul3A_22 = arith.constant 8 : i32
    %mul3A_23 = arith.muli %arg1, %mul3A_22 : i32
    %add3A_24 = arith.constant 2 : i32
    %add3A_25 = arith.addi %mul3A_23, %add3A_24 : i32
    %lt3A_26 = arith.constant 125 : i32
    %lt3A_27 = arith.cmpi slt, %add3A_25, %lt3A_26 : i32
    %convert_element_type3A_28 = arith.extui %lt3A_27 : i1 to i32
    %cond3A_29 = arith.constant 0 : i32
    %cond3A_30 = arith.cmpi ne, %convert_element_type3A_28, %cond3A_29 : i32
    scf.if %cond3A_30 {
      %mul3A_225 = arith.constant 80 : i32
      %mul3A_226 = arith.muli %add3A_25, %mul3A_225 : i32
      %run_scoped3A_227 = arith.constant 0 : i32
      "tpu.region"() ({
        %run_scoped3A_228 = tpu.sem_alloc : memref<!tpu.dma_semaphore, #tpu.memory_space<semaphore_mem>>
        %dma_start3A_229 = arith.constant 0 : i32
        %dma_start3A_230 = arith.constant 0 : i32
        %dma_start3A_231 = tpu.memref_slice %arg7[%run_scoped3A_227, %dma_start3A_229, %dma_start3A_230] : memref<2x512x128xbf16, #tpu.memory_space<vmem>> -> memref<1x80x128xbf16, #tpu.memory_space<vmem>>
        %dma_start3A_232 = tpu.memref_squeeze %dma_start3A_231 : memref<1x80x128xbf16, #tpu.memory_space<vmem>> -> memref<80x128xbf16, #tpu.memory_space<vmem>>
        %dma_start3A_233 = arith.constant 0 : i32
        %dma_start3A_234 = tpu.memref_slice %arg8[%mul3A_226, %dma_start3A_233] : memref<10000x128xbf16, #tpu.memory_space<vmem_shared>> -> memref<80x128xbf16, #tpu.memory_space<vmem_shared>>
        %dma_start3A_235 = arith.constant 0 : i32
        %dma_start3A_236 = tpu.memref_slice %arg8[%mul3A_226, %dma_start3A_235] : memref<10000x128xbf16, #tpu.memory_space<vmem_shared>> -> memref<80x128xbf16, #tpu.memory_space<vmem_shared>>
        %dma_start3A_237 = arith.constant 0 : i32
        %dma_start3A_238 = arith.constant 0 : i32
        %dma_start3A_239 = tpu.memref_slice %arg7[%run_scoped3A_227, %dma_start3A_237, %dma_start3A_238] : memref<2x512x128xbf16, #tpu.memory_space<vmem>> -> memref<1x80x128xbf16, #tpu.memory_space<vmem>>
        %dma_start3A_240 = tpu.memref_squeeze %dma_start3A_239 : memref<1x80x128xbf16, #tpu.memory_space<vmem>> -> memref<80x128xbf16, #tpu.memory_space<vmem>>
        tpu.enqueue_dma source(%dma_start3A_240 : memref<80x128xbf16, #tpu.memory_space<vmem>>) target(%dma_start3A_236 : memref<80x128xbf16, #tpu.memory_space<vmem_shared>>) target_semaphore(%run_scoped3A_228 : memref<!tpu.dma_semaphore, #tpu.memory_space<semaphore_mem>>)
        %dma_wait3A_241 = arith.constant 0 : i32
        %dma_wait3A_242 = arith.constant 0 : i32
        %dma_wait3A_243 = tpu.memref_slice %arg7[%run_scoped3A_227, %dma_wait3A_241, %dma_wait3A_242] : memref<2x512x128xbf16, #tpu.memory_space<vmem>> -> memref<1x80x128xbf16, #tpu.memory_space<vmem>>
        %dma_wait3A_244 = tpu.memref_squeeze %dma_wait3A_243 : memref<1x80x128xbf16, #tpu.memory_space<vmem>> -> memref<80x128xbf16, #tpu.memory_space<vmem>>
        %dma_wait3A_245 = arith.constant 0 : i32
        %dma_wait3A_246 = tpu.memref_slice %arg8[%mul3A_226, %dma_wait3A_245] : memref<10000x128xbf16, #tpu.memory_space<vmem_shared>> -> memref<80x128xbf16, #tpu.memory_space<vmem_shared>>
        %dma_wait3A_247 = arith.constant 0 : i32
        %dma_wait3A_248 = tpu.memref_slice %arg8[%mul3A_226, %dma_wait3A_247] : memref<10000x128xbf16, #tpu.memory_space<vmem_shared>> -> memref<80x128xbf16, #tpu.memory_space<vmem_shared>>
        %dma_wait3A_249 = arith.constant 0 : i32
        %dma_wait3A_250 = arith.constant 0 : i32
        %dma_wait3A_251 = tpu.memref_slice %arg7[%run_scoped3A_227, %dma_wait3A_249, %dma_wait3A_250] : memref<2x512x128xbf16, #tpu.memory_space<vmem>> -> memref<1x80x128xbf16, #tpu.memory_space<vmem>>
        %dma_wait3A_252 = tpu.memref_squeeze %dma_wait3A_251 : memref<1x80x128xbf16, #tpu.memory_space<vmem>> -> memref<80x128xbf16, #tpu.memory_space<vmem>>
        tpu.wait_dma2 semaphore(%run_scoped3A_228 : memref<!tpu.dma_semaphore, #tpu.memory_space<semaphore_mem>>) src(%dma_wait3A_252 : memref<80x128xbf16, #tpu.memory_space<vmem>>) dst(%dma_wait3A_248 : memref<80x128xbf16, #tpu.memory_space<vmem_shared>>)
        tpu.yield
      }) : () -> ()
    } else {
    }
    %mul3A_31 = arith.constant 8 : i32
    %mul3A_32 = arith.muli %arg1, %mul3A_31 : i32
    %add3A_33 = arith.constant 3 : i32
    %add3A_34 = arith.addi %mul3A_32, %add3A_33 : i32
    %lt3A_35 = arith.constant 125 : i32
    %lt3A_36 = arith.cmpi slt, %add3A_34, %lt3A_35 : i32
    %convert_element_type3A_37 = arith.extui %lt3A_36 : i1 to i32
    %cond3A_38 = arith.constant 0 : i32
    %cond3A_39 = arith.cmpi ne, %convert_element_type3A_37, %cond3A_38 : i32
    scf.if %cond3A_39 {
      %mul3A_225 = arith.constant 80 : i32
      %mul3A_226 = arith.muli %add3A_34, %mul3A_225 : i32
      %run_scoped3A_227 = arith.constant 0 : i32
      "tpu.region"() ({
        %run_scoped3A_228 = tpu.sem_alloc : memref<!tpu.dma_semaphore, #tpu.memory_space<semaphore_mem>>
        %dma_start3A_229 = arith.constant 0 : i32
        %dma_start3A_230 = arith.constant 0 : i32
        %dma_start3A_231 = tpu.memref_slice %arg7[%run_scoped3A_227, %dma_start3A_229, %dma_start3A_230] : memref<2x512x128xbf16, #tpu.memory_space<vmem>> -> memref<1x80x128xbf16, #tpu.memory_space<vmem>>
        %dma_start3A_232 = tpu.memref_squeeze %dma_start3A_231 : memref<1x80x128xbf16, #tpu.memory_space<vmem>> -> memref<80x128xbf16, #tpu.memory_space<vmem>>
        %dma_start3A_233 = arith.constant 0 : i32
        %dma_start3A_234 = tpu.memref_slice %arg8[%mul3A_226, %dma_start3A_233] : memref<10000x128xbf16, #tpu.memory_space<vmem_shared>> -> memref<80x128xbf16, #tpu.memory_space<vmem_shared>>
        %dma_start3A_235 = arith.constant 0 : i32
        %dma_start3A_236 = tpu.memref_slice %arg8[%mul3A_226, %dma_start3A_235] : memref<10000x128xbf16, #tpu.memory_space<vmem_shared>> -> memref<80x128xbf16, #tpu.memory_space<vmem_shared>>
        %dma_start3A_237 = arith.constant 0 : i32
        %dma_start3A_238 = arith.constant 0 : i32
        %dma_start3A_239 = tpu.memref_slice %arg7[%run_scoped3A_227, %dma_start3A_237, %dma_start3A_238] : memref<2x512x128xbf16, #tpu.memory_space<vmem>> -> memref<1x80x128xbf16, #tpu.memory_space<vmem>>
        %dma_start3A_240 = tpu.memref_squeeze %dma_start3A_239 : memref<1x80x128xbf16, #tpu.memory_space<vmem>> -> memref<80x128xbf16, #tpu.memory_space<vmem>>
        tpu.enqueue_dma source(%dma_start3A_240 : memref<80x128xbf16, #tpu.memory_space<vmem>>) target(%dma_start3A_236 : memref<80x128xbf16, #tpu.memory_space<vmem_shared>>) target_semaphore(%run_scoped3A_228 : memref<!tpu.dma_semaphore, #tpu.memory_space<semaphore_mem>>)
        %dma_wait3A_241 = arith.constant 0 : i32
        %dma_wait3A_242 = arith.constant 0 : i32
        %dma_wait3A_243 = tpu.memref_slice %arg7[%run_scoped3A_227, %dma_wait3A_241, %dma_wait3A_242] : memref<2x512x128xbf16, #tpu.memory_space<vmem>> -> memref<1x80x128xbf16, #tpu.memory_space<vmem>>
        %dma_wait3A_244 = tpu.memref_squeeze %dma_wait3A_243 : memref<1x80x128xbf16, #tpu.memory_space<vmem>> -> memref<80x128xbf16, #tpu.memory_space<vmem>>
        %dma_wait3A_245 = arith.constant 0 : i32
        %dma_wait3A_246 = tpu.memref_slice %arg8[%mul3A_226, %dma_wait3A_245] : memref<10000x128xbf16, #tpu.memory_space<vmem_shared>> -> memref<80x128xbf16, #tpu.memory_space<vmem_shared>>
        %dma_wait3A_247 = arith.constant 0 : i32
        %dma_wait3A_248 = tpu.memref_slice %arg8[%mul3A_226, %dma_wait3A_247] : memref<10000x128xbf16, #tpu.memory_space<vmem_shared>> -> memref<80x128xbf16, #tpu.memory_space<vmem_shared>>
        %dma_wait3A_249 = arith.constant 0 : i32
        %dma_wait3A_250 = arith.constant 0 : i32
        %dma_wait3A_251 = tpu.memref_slice %arg7[%run_scoped3A_227, %dma_wait3A_249, %dma_wait3A_250] : memref<2x512x128xbf16, #tpu.memory_space<vmem>> -> memref<1x80x128xbf16, #tpu.memory_space<vmem>>
        %dma_wait3A_252 = tpu.memref_squeeze %dma_wait3A_251 : memref<1x80x128xbf16, #tpu.memory_space<vmem>> -> memref<80x128xbf16, #tpu.memory_space<vmem>>
        tpu.wait_dma2 semaphore(%run_scoped3A_228 : memref<!tpu.dma_semaphore, #tpu.memory_space<semaphore_mem>>) src(%dma_wait3A_252 : memref<80x128xbf16, #tpu.memory_space<vmem>>) dst(%dma_wait3A_248 : memref<80x128xbf16, #tpu.memory_space<vmem_shared>>)
        tpu.yield
      }) : () -> ()
    } else {
    }
    %mul3A_40 = arith.constant 8 : i32
    %mul3A_41 = arith.muli %arg1, %mul3A_40 : i32
    %add3A_42 = arith.constant 4 : i32
    %add3A_43 = arith.addi %mul3A_41, %add3A_42 : i32
    %lt3A_44 = arith.constant 125 : i32
    %lt3A_45 = arith.cmpi slt, %add3A_43, %lt3A_44 : i32
    %convert_element_type3A_46 = arith.extui %lt3A_45 : i1 to i32
    %cond3A_47 = arith.constant 0 : i32
    %cond3A_48 = arith.cmpi ne, %convert_element_type3A_46, %cond3A_47 : i32
    scf.if %cond3A_48 {
      %mul3A_225 = arith.constant 80 : i32
      %mul3A_226 = arith.muli %add3A_43, %mul3A_225 : i32
      %run_scoped3A_227 = arith.constant 0 : i32
      "tpu.region"() ({
        %run_scoped3A_228 = tpu.sem_alloc : memref<!tpu.dma_semaphore, #tpu.memory_space<semaphore_mem>>
        %dma_start3A_229 = arith.constant 0 : i32
        %dma_start3A_230 = arith.constant 0 : i32
        %dma_start3A_231 = tpu.memref_slice %arg7[%run_scoped3A_227, %dma_start3A_229, %dma_start3A_230] : memref<2x512x128xbf16, #tpu.memory_space<vmem>> -> memref<1x80x128xbf16, #tpu.memory_space<vmem>>
        %dma_start3A_232 = tpu.memref_squeeze %dma_start3A_231 : memref<1x80x128xbf16, #tpu.memory_space<vmem>> -> memref<80x128xbf16, #tpu.memory_space<vmem>>
        %dma_start3A_233 = arith.constant 0 : i32
        %dma_start3A_234 = tpu.memref_slice %arg8[%mul3A_226, %dma_start3A_233] : memref<10000x128xbf16, #tpu.memory_space<vmem_shared>> -> memref<80x128xbf16, #tpu.memory_space<vmem_shared>>
        %dma_start3A_235 = arith.constant 0 : i32
        %dma_start3A_236 = tpu.memref_slice %arg8[%mul3A_226, %dma_start3A_235] : memref<10000x128xbf16, #tpu.memory_space<vmem_shared>> -> memref<80x128xbf16, #tpu.memory_space<vmem_shared>>
        %dma_start3A_237 = arith.constant 0 : i32
        %dma_start3A_238 = arith.constant 0 : i32
        %dma_start3A_239 = tpu.memref_slice %arg7[%run_scoped3A_227, %dma_start3A_237, %dma_start3A_238] : memref<2x512x128xbf16, #tpu.memory_space<vmem>> -> memref<1x80x128xbf16, #tpu.memory_space<vmem>>
        %dma_start3A_240 = tpu.memref_squeeze %dma_start3A_239 : memref<1x80x128xbf16, #tpu.memory_space<vmem>> -> memref<80x128xbf16, #tpu.memory_space<vmem>>
        tpu.enqueue_dma source(%dma_start3A_240 : memref<80x128xbf16, #tpu.memory_space<vmem>>) target(%dma_start3A_236 : memref<80x128xbf16, #tpu.memory_space<vmem_shared>>) target_semaphore(%run_scoped3A_228 : memref<!tpu.dma_semaphore, #tpu.memory_space<semaphore_mem>>)
        %dma_wait3A_241 = arith.constant 0 : i32
        %dma_wait3A_242 = arith.constant 0 : i32
        %dma_wait3A_243 = tpu.memref_slice %arg7[%run_scoped3A_227, %dma_wait3A_241, %dma_wait3A_242] : memref<2x512x128xbf16, #tpu.memory_space<vmem>> -> memref<1x80x128xbf16, #tpu.memory_space<vmem>>
        %dma_wait3A_244 = tpu.memref_squeeze %dma_wait3A_243 : memref<1x80x128xbf16, #tpu.memory_space<vmem>> -> memref<80x128xbf16, #tpu.memory_space<vmem>>
        %dma_wait3A_245 = arith.constant 0 : i32
        %dma_wait3A_246 = tpu.memref_slice %arg8[%mul3A_226, %dma_wait3A_245] : memref<10000x128xbf16, #tpu.memory_space<vmem_shared>> -> memref<80x128xbf16, #tpu.memory_space<vmem_shared>>
        %dma_wait3A_247 = arith.constant 0 : i32
        %dma_wait3A_248 = tpu.memref_slice %arg8[%mul3A_226, %dma_wait3A_247] : memref<10000x128xbf16, #tpu.memory_space<vmem_shared>> -> memref<80x128xbf16, #tpu.memory_space<vmem_shared>>
        %dma_wait3A_249 = arith.constant 0 : i32
        %dma_wait3A_250 = arith.constant 0 : i32
        %dma_wait3A_251 = tpu.memref_slice %arg7[%run_scoped3A_227, %dma_wait3A_249, %dma_wait3A_250] : memref<2x512x128xbf16, #tpu.memory_space<vmem>> -> memref<1x80x128xbf16, #tpu.memory_space<vmem>>
        %dma_wait3A_252 = tpu.memref_squeeze %dma_wait3A_251 : memref<1x80x128xbf16, #tpu.memory_space<vmem>> -> memref<80x128xbf16, #tpu.memory_space<vmem>>
        tpu.wait_dma2 semaphore(%run_scoped3A_228 : memref<!tpu.dma_semaphore, #tpu.memory_space<semaphore_mem>>) src(%dma_wait3A_252 : memref<80x128xbf16, #tpu.memory_space<vmem>>) dst(%dma_wait3A_248 : memref<80x128xbf16, #tpu.memory_space<vmem_shared>>)
        tpu.yield
      }) : () -> ()
    } else {
    }
    %mul3A_49 = arith.constant 8 : i32
    %mul3A_50 = arith.muli %arg1, %mul3A_49 : i32
    %add3A_51 = arith.constant 5 : i32
    %add3A_52 = arith.addi %mul3A_50, %add3A_51 : i32
    %lt3A_53 = arith.constant 125 : i32
    %lt3A_54 = arith.cmpi slt, %add3A_52, %lt3A_53 : i32
    %convert_element_type3A_55 = arith.extui %lt3A_54 : i1 to i32
    %cond3A_56 = arith.constant 0 : i32
    %cond3A_57 = arith.cmpi ne, %convert_element_type3A_55, %cond3A_56 : i32
    scf.if %cond3A_57 {
      %mul3A_225 = arith.constant 80 : i32
      %mul3A_226 = arith.muli %add3A_52, %mul3A_225 : i32
      %run_scoped3A_227 = arith.constant 0 : i32
      "tpu.region"() ({
        %run_scoped3A_228 = tpu.sem_alloc : memref<!tpu.dma_semaphore, #tpu.memory_space<semaphore_mem>>
        %dma_start3A_229 = arith.constant 0 : i32
        %dma_start3A_230 = arith.constant 0 : i32
        %dma_start3A_231 = tpu.memref_slice %arg7[%run_scoped3A_227, %dma_start3A_229, %dma_start3A_230] : memref<2x512x128xbf16, #tpu.memory_space<vmem>> -> memref<1x80x128xbf16, #tpu.memory_space<vmem>>
        %dma_start3A_232 = tpu.memref_squeeze %dma_start3A_231 : memref<1x80x128xbf16, #tpu.memory_space<vmem>> -> memref<80x128xbf16, #tpu.memory_space<vmem>>
        %dma_start3A_233 = arith.constant 0 : i32
        %dma_start3A_234 = tpu.memref_slice %arg8[%mul3A_226, %dma_start3A_233] : memref<10000x128xbf16, #tpu.memory_space<vmem_shared>> -> memref<80x128xbf16, #tpu.memory_space<vmem_shared>>
        %dma_start3A_235 = arith.constant 0 : i32
        %dma_start3A_236 = tpu.memref_slice %arg8[%mul3A_226, %dma_start3A_235] : memref<10000x128xbf16, #tpu.memory_space<vmem_shared>> -> memref<80x128xbf16, #tpu.memory_space<vmem_shared>>
        %dma_start3A_237 = arith.constant 0 : i32
        %dma_start3A_238 = arith.constant 0 : i32
        %dma_start3A_239 = tpu.memref_slice %arg7[%run_scoped3A_227, %dma_start3A_237, %dma_start3A_238] : memref<2x512x128xbf16, #tpu.memory_space<vmem>> -> memref<1x80x128xbf16, #tpu.memory_space<vmem>>
        %dma_start3A_240 = tpu.memref_squeeze %dma_start3A_239 : memref<1x80x128xbf16, #tpu.memory_space<vmem>> -> memref<80x128xbf16, #tpu.memory_space<vmem>>
        tpu.enqueue_dma source(%dma_start3A_240 : memref<80x128xbf16, #tpu.memory_space<vmem>>) target(%dma_start3A_236 : memref<80x128xbf16, #tpu.memory_space<vmem_shared>>) target_semaphore(%run_scoped3A_228 : memref<!tpu.dma_semaphore, #tpu.memory_space<semaphore_mem>>)
        %dma_wait3A_241 = arith.constant 0 : i32
        %dma_wait3A_242 = arith.constant 0 : i32
        %dma_wait3A_243 = tpu.memref_slice %arg7[%run_scoped3A_227, %dma_wait3A_241, %dma_wait3A_242] : memref<2x512x128xbf16, #tpu.memory_space<vmem>> -> memref<1x80x128xbf16, #tpu.memory_space<vmem>>
        %dma_wait3A_244 = tpu.memref_squeeze %dma_wait3A_243 : memref<1x80x128xbf16, #tpu.memory_space<vmem>> -> memref<80x128xbf16, #tpu.memory_space<vmem>>
        %dma_wait3A_245 = arith.constant 0 : i32
        %dma_wait3A_246 = tpu.memref_slice %arg8[%mul3A_226, %dma_wait3A_245] : memref<10000x128xbf16, #tpu.memory_space<vmem_shared>> -> memref<80x128xbf16, #tpu.memory_space<vmem_shared>>
        %dma_wait3A_247 = arith.constant 0 : i32
        %dma_wait3A_248 = tpu.memref_slice %arg8[%mul3A_226, %dma_wait3A_247] : memref<10000x128xbf16, #tpu.memory_space<vmem_shared>> -> memref<80x128xbf16, #tpu.memory_space<vmem_shared>>
        %dma_wait3A_249 = arith.constant 0 : i32
        %dma_wait3A_250 = arith.constant 0 : i32
        %dma_wait3A_251 = tpu.memref_slice %arg7[%run_scoped3A_227, %dma_wait3A_249, %dma_wait3A_250] : memref<2x512x128xbf16, #tpu.memory_space<vmem>> -> memref<1x80x128xbf16, #tpu.memory_space<vmem>>
        %dma_wait3A_252 = tpu.memref_squeeze %dma_wait3A_251 : memref<1x80x128xbf16, #tpu.memory_space<vmem>> -> memref<80x128xbf16, #tpu.memory_space<vmem>>
        tpu.wait_dma2 semaphore(%run_scoped3A_228 : memref<!tpu.dma_semaphore, #tpu.memory_space<semaphore_mem>>) src(%dma_wait3A_252 : memref<80x128xbf16, #tpu.memory_space<vmem>>) dst(%dma_wait3A_248 : memref<80x128xbf16, #tpu.memory_space<vmem_shared>>)
        tpu.yield
      }) : () -> ()
    } else {
    }
    %mul3A_58 = arith.constant 8 : i32
    %mul3A_59 = arith.muli %arg1, %mul3A_58 : i32
    %add3A_60 = arith.constant 6 : i32
    %add3A_61 = arith.addi %mul3A_59, %add3A_60 : i32
    %lt3A_62 = arith.constant 125 : i32
    %lt3A_63 = arith.cmpi slt, %add3A_61, %lt3A_62 : i32
    %convert_element_type3A_64 = arith.extui %lt3A_63 : i1 to i32
    %cond3A_65 = arith.constant 0 : i32
    %cond3A_66 = arith.cmpi ne, %convert_element_type3A_64, %cond3A_65 : i32
    scf.if %cond3A_66 {
      %mul3A_225 = arith.constant 80 : i32
      %mul3A_226 = arith.muli %add3A_61, %mul3A_225 : i32
      %run_scoped3A_227 = arith.constant 0 : i32
      "tpu.region"() ({
        %run_scoped3A_228 = tpu.sem_alloc : memref<!tpu.dma_semaphore, #tpu.memory_space<semaphore_mem>>
        %dma_start3A_229 = arith.constant 0 : i32
        %dma_start3A_230 = arith.constant 0 : i32
        %dma_start3A_231 = tpu.memref_slice %arg7[%run_scoped3A_227, %dma_start3A_229, %dma_start3A_230] : memref<2x512x128xbf16, #tpu.memory_space<vmem>> -> memref<1x80x128xbf16, #tpu.memory_space<vmem>>
        %dma_start3A_232 = tpu.memref_squeeze %dma_start3A_231 : memref<1x80x128xbf16, #tpu.memory_space<vmem>> -> memref<80x128xbf16, #tpu.memory_space<vmem>>
        %dma_start3A_233 = arith.constant 0 : i32
        %dma_start3A_234 = tpu.memref_slice %arg8[%mul3A_226, %dma_start3A_233] : memref<10000x128xbf16, #tpu.memory_space<vmem_shared>> -> memref<80x128xbf16, #tpu.memory_space<vmem_shared>>
        %dma_start3A_235 = arith.constant 0 : i32
        %dma_start3A_236 = tpu.memref_slice %arg8[%mul3A_226, %dma_start3A_235] : memref<10000x128xbf16, #tpu.memory_space<vmem_shared>> -> memref<80x128xbf16, #tpu.memory_space<vmem_shared>>
        %dma_start3A_237 = arith.constant 0 : i32
        %dma_start3A_238 = arith.constant 0 : i32
        %dma_start3A_239 = tpu.memref_slice %arg7[%run_scoped3A_227, %dma_start3A_237, %dma_start3A_238] : memref<2x512x128xbf16, #tpu.memory_space<vmem>> -> memref<1x80x128xbf16, #tpu.memory_space<vmem>>
        %dma_start3A_240 = tpu.memref_squeeze %dma_start3A_239 : memref<1x80x128xbf16, #tpu.memory_space<vmem>> -> memref<80x128xbf16, #tpu.memory_space<vmem>>
        tpu.enqueue_dma source(%dma_start3A_240 : memref<80x128xbf16, #tpu.memory_space<vmem>>) target(%dma_start3A_236 : memref<80x128xbf16, #tpu.memory_space<vmem_shared>>) target_semaphore(%run_scoped3A_228 : memref<!tpu.dma_semaphore, #tpu.memory_space<semaphore_mem>>)
        %dma_wait3A_241 = arith.constant 0 : i32
        %dma_wait3A_242 = arith.constant 0 : i32
        %dma_wait3A_243 = tpu.memref_slice %arg7[%run_scoped3A_227, %dma_wait3A_241, %dma_wait3A_242] : memref<2x512x128xbf16, #tpu.memory_space<vmem>> -> memref<1x80x128xbf16, #tpu.memory_space<vmem>>
        %dma_wait3A_244 = tpu.memref_squeeze %dma_wait3A_243 : memref<1x80x128xbf16, #tpu.memory_space<vmem>> -> memref<80x128xbf16, #tpu.memory_space<vmem>>
        %dma_wait3A_245 = arith.constant 0 : i32
        %dma_wait3A_246 = tpu.memref_slice %arg8[%mul3A_226, %dma_wait3A_245] : memref<10000x128xbf16, #tpu.memory_space<vmem_shared>> -> memref<80x128xbf16, #tpu.memory_space<vmem_shared>>
        %dma_wait3A_247 = arith.constant 0 : i32
        %dma_wait3A_248 = tpu.memref_slice %arg8[%mul3A_226, %dma_wait3A_247] : memref<10000x128xbf16, #tpu.memory_space<vmem_shared>> -> memref<80x128xbf16, #tpu.memory_space<vmem_shared>>
        %dma_wait3A_249 = arith.constant 0 : i32
        %dma_wait3A_250 = arith.constant 0 : i32
        %dma_wait3A_251 = tpu.memref_slice %arg7[%run_scoped3A_227, %dma_wait3A_249, %dma_wait3A_250] : memref<2x512x128xbf16, #tpu.memory_space<vmem>> -> memref<1x80x128xbf16, #tpu.memory_space<vmem>>
        %dma_wait3A_252 = tpu.memref_squeeze %dma_wait3A_251 : memref<1x80x128xbf16, #tpu.memory_space<vmem>> -> memref<80x128xbf16, #tpu.memory_space<vmem>>
        tpu.wait_dma2 semaphore(%run_scoped3A_228 : memref<!tpu.dma_semaphore, #tpu.memory_space<semaphore_mem>>) src(%dma_wait3A_252 : memref<80x128xbf16, #tpu.memory_space<vmem>>) dst(%dma_wait3A_248 : memref<80x128xbf16, #tpu.memory_space<vmem_shared>>)
        tpu.yield
      }) : () -> ()
    } else {
    }
    %mul3A_67 = arith.constant 8 : i32
    %mul3A_68 = arith.muli %arg1, %mul3A_67 : i32
    %add3A_69 = arith.constant 7 : i32
    %add3A_70 = arith.addi %mul3A_68, %add3A_69 : i32
    %lt3A_71 = arith.constant 125 : i32
    %lt3A_72 = arith.cmpi slt, %add3A_70, %lt3A_71 : i32
    %convert_element_type3A_73 = arith.extui %lt3A_72 : i1 to i32
    %cond3A_74 = arith.constant 0 : i32
    %cond3A_75 = arith.cmpi ne, %convert_element_type3A_73, %cond3A_74 : i32
    scf.if %cond3A_75 {
      %mul3A_225 = arith.constant 80 : i32
      %mul3A_226 = arith.muli %add3A_70, %mul3A_225 : i32
      %run_scoped3A_227 = arith.constant 0 : i32
      "tpu.region"() ({
        %run_scoped3A_228 = tpu.sem_alloc : memref<!tpu.dma_semaphore, #tpu.memory_space<semaphore_mem>>
        %dma_start3A_229 = arith.constant 0 : i32
        %dma_start3A_230 = arith.constant 0 : i32
        %dma_start3A_231 = tpu.memref_slice %arg7[%run_scoped3A_227, %dma_start3A_229, %dma_start3A_230] : memref<2x512x128xbf16, #tpu.memory_space<vmem>> -> memref<1x80x128xbf16, #tpu.memory_space<vmem>>
        %dma_start3A_232 = tpu.memref_squeeze %dma_start3A_231 : memref<1x80x128xbf16, #tpu.memory_space<vmem>> -> memref<80x128xbf16, #tpu.memory_space<vmem>>
        %dma_start3A_233 = arith.constant 0 : i32
        %dma_start3A_234 = tpu.memref_slice %arg8[%mul3A_226, %dma_start3A_233] : memref<10000x128xbf16, #tpu.memory_space<vmem_shared>> -> memref<80x128xbf16, #tpu.memory_space<vmem_shared>>
        %dma_start3A_235 = arith.constant 0 : i32
        %dma_start3A_236 = tpu.memref_slice %arg8[%mul3A_226, %dma_start3A_235] : memref<10000x128xbf16, #tpu.memory_space<vmem_shared>> -> memref<80x128xbf16, #tpu.memory_space<vmem_shared>>
        %dma_start3A_237 = arith.constant 0 : i32
        %dma_start3A_238 = arith.constant 0 : i32
        %dma_start3A_239 = tpu.memref_slice %arg7[%run_scoped3A_227, %dma_start3A_237, %dma_start3A_238] : memref<2x512x128xbf16, #tpu.memory_space<vmem>> -> memref<1x80x128xbf16, #tpu.memory_space<vmem>>
        %dma_start3A_240 = tpu.memref_squeeze %dma_start3A_239 : memref<1x80x128xbf16, #tpu.memory_space<vmem>> -> memref<80x128xbf16, #tpu.memory_space<vmem>>
        tpu.enqueue_dma source(%dma_start3A_240 : memref<80x128xbf16, #tpu.memory_space<vmem>>) target(%dma_start3A_236 : memref<80x128xbf16, #tpu.memory_space<vmem_shared>>) target_semaphore(%run_scoped3A_228 : memref<!tpu.dma_semaphore, #tpu.memory_space<semaphore_mem>>)
        %dma_wait3A_241 = arith.constant 0 : i32
        %dma_wait3A_242 = arith.constant 0 : i32
        %dma_wait3A_243 = tpu.memref_slice %arg7[%run_scoped3A_227, %dma_wait3A_241, %dma_wait3A_242] : memref<2x512x128xbf16, #tpu.memory_space<vmem>> -> memref<1x80x128xbf16, #tpu.memory_space<vmem>>
        %dma_wait3A_244 = tpu.memref_squeeze %dma_wait3A_243 : memref<1x80x128xbf16, #tpu.memory_space<vmem>> -> memref<80x128xbf16, #tpu.memory_space<vmem>>
        %dma_wait3A_245 = arith.constant 0 : i32
        %dma_wait3A_246 = tpu.memref_slice %arg8[%mul3A_226, %dma_wait3A_245] : memref<10000x128xbf16, #tpu.memory_space<vmem_shared>> -> memref<80x128xbf16, #tpu.memory_space<vmem_shared>>
        %dma_wait3A_247 = arith.constant 0 : i32
        %dma_wait3A_248 = tpu.memref_slice %arg8[%mul3A_226, %dma_wait3A_247] : memref<10000x128xbf16, #tpu.memory_space<vmem_shared>> -> memref<80x128xbf16, #tpu.memory_space<vmem_shared>>
        %dma_wait3A_249 = arith.constant 0 : i32
        %dma_wait3A_250 = arith.constant 0 : i32
        %dma_wait3A_251 = tpu.memref_slice %arg7[%run_scoped3A_227, %dma_wait3A_249, %dma_wait3A_250] : memref<2x512x128xbf16, #tpu.memory_space<vmem>> -> memref<1x80x128xbf16, #tpu.memory_space<vmem>>
        %dma_wait3A_252 = tpu.memref_squeeze %dma_wait3A_251 : memref<1x80x128xbf16, #tpu.memory_space<vmem>> -> memref<80x128xbf16, #tpu.memory_space<vmem>>
        tpu.wait_dma2 semaphore(%run_scoped3A_228 : memref<!tpu.dma_semaphore, #tpu.memory_space<semaphore_mem>>) src(%dma_wait3A_252 : memref<80x128xbf16, #tpu.memory_space<vmem>>) dst(%dma_wait3A_248 : memref<80x128xbf16, #tpu.memory_space<vmem_shared>>)
        tpu.yield
      }) : () -> ()
    } else {
    }
    %barrier3A = arith.constant 0 : index
    tpu.barrier barrier_id(%barrier3A)
    %mul3A_76 = arith.constant 19 : i32
    %mul3A_77 = arith.muli %add3A, %mul3A_76 : i32
    %run_scoped3A = arith.constant 0 : i32
    "tpu.region"() ({
      %run_scoped3A_225 = tpu.sem_alloc : memref<!tpu.dma_semaphore, #tpu.memory_space<semaphore_mem>>
      %dma_start3A_226 = arith.constant 0 : i32
      %dma_start3A_227 = arith.constant 0 : i32
      %dma_start3A_228 = tpu.memref_slice %arg5[%dma_start3A_226, %dma_start3A_227] : memref<20x512xi32, #tpu.memory_space<vmem>> -> memref<19x512xi32, #tpu.memory_space<vmem>>
      %dma_start3A_229 = arith.constant 0 : i32
      %dma_start3A_230 = tpu.memref_slice %arg3[%run_scoped3A, %mul3A_77, %dma_start3A_229] : memref<2x625x512xi32, #tpu.memory_space<hbm>> -> memref<1x19x512xi32, #tpu.memory_space<hbm>>
      %dma_start3A_231 = tpu.memref_squeeze %dma_start3A_230 : memref<1x19x512xi32, #tpu.memory_space<hbm>> -> memref<19x512xi32, #tpu.memory_space<hbm>>
      %dma_start3A_232 = arith.constant 0 : i32
      %dma_start3A_233 = arith.constant 0 : i32
      %dma_start3A_234 = tpu.memref_slice %arg5[%dma_start3A_232, %dma_start3A_233] : memref<20x512xi32, #tpu.memory_space<vmem>> -> memref<19x512xi32, #tpu.memory_space<vmem>>
      %dma_start3A_235 = arith.constant 0 : i32
      %dma_start3A_236 = tpu.memref_slice %arg3[%run_scoped3A, %mul3A_77, %dma_start3A_235] : memref<2x625x512xi32, #tpu.memory_space<hbm>> -> memref<1x19x512xi32, #tpu.memory_space<hbm>>
      %dma_start3A_237 = tpu.memref_squeeze %dma_start3A_236 : memref<1x19x512xi32, #tpu.memory_space<hbm>> -> memref<19x512xi32, #tpu.memory_space<hbm>>
      tpu.enqueue_dma source(%dma_start3A_237 : memref<19x512xi32, #tpu.memory_space<hbm>>) target(%dma_start3A_234 : memref<19x512xi32, #tpu.memory_space<vmem>>) target_semaphore(%run_scoped3A_225 : memref<!tpu.dma_semaphore, #tpu.memory_space<semaphore_mem>>)
      %dma_wait3A_238 = arith.constant 0 : i32
      %dma_wait3A_239 = arith.constant 0 : i32
      %dma_wait3A_240 = tpu.memref_slice %arg5[%dma_wait3A_238, %dma_wait3A_239] : memref<20x512xi32, #tpu.memory_space<vmem>> -> memref<19x512xi32, #tpu.memory_space<vmem>>
      %dma_wait3A_241 = arith.constant 0 : i32
      %dma_wait3A_242 = tpu.memref_slice %arg3[%run_scoped3A, %mul3A_77, %dma_wait3A_241] : memref<2x625x512xi32, #tpu.memory_space<hbm>> -> memref<1x19x512xi32, #tpu.memory_space<hbm>>
      %dma_wait3A_243 = tpu.memref_squeeze %dma_wait3A_242 : memref<1x19x512xi32, #tpu.memory_space<hbm>> -> memref<19x512xi32, #tpu.memory_space<hbm>>
      %dma_wait3A_244 = arith.constant 0 : i32
      %dma_wait3A_245 = arith.constant 0 : i32
      %dma_wait3A_246 = tpu.memref_slice %arg5[%dma_wait3A_244, %dma_wait3A_245] : memref<20x512xi32, #tpu.memory_space<vmem>> -> memref<19x512xi32, #tpu.memory_space<vmem>>
      %dma_wait3A_247 = arith.constant 0 : i32
      %dma_wait3A_248 = tpu.memref_slice %arg3[%run_scoped3A, %mul3A_77, %dma_wait3A_247] : memref<2x625x512xi32, #tpu.memory_space<hbm>> -> memref<1x19x512xi32, #tpu.memory_space<hbm>>
      %dma_wait3A_249 = tpu.memref_squeeze %dma_wait3A_248 : memref<1x19x512xi32, #tpu.memory_space<hbm>> -> memref<19x512xi32, #tpu.memory_space<hbm>>
      tpu.wait_dma2 semaphore(%run_scoped3A_225 : memref<!tpu.dma_semaphore, #tpu.memory_space<semaphore_mem>>) src(%dma_wait3A_249 : memref<19x512xi32, #tpu.memory_space<hbm>>) dst(%dma_wait3A_246 : memref<19x512xi32, #tpu.memory_space<vmem>>)
      tpu.yield
    }) : () -> ()
    %mul3A_78 = arith.constant 19 : i32
    %mul3A_79 = arith.muli %add3A, %mul3A_78 : i32
    %run_scoped3A_80 = arith.constant 1 : i32
    "tpu.region"() ({
      %run_scoped3A_225 = tpu.sem_alloc : memref<!tpu.dma_semaphore, #tpu.memory_space<semaphore_mem>>
      %dma_start3A_226 = arith.constant 0 : i32
      %dma_start3A_227 = arith.constant 0 : i32
      %dma_start3A_228 = tpu.memref_slice %arg6[%dma_start3A_226, %dma_start3A_227] : memref<20x512xi32, #tpu.memory_space<vmem>> -> memref<19x512xi32, #tpu.memory_space<vmem>>
      %dma_start3A_229 = arith.constant 0 : i32
      %dma_start3A_230 = tpu.memref_slice %arg3[%run_scoped3A_80, %mul3A_79, %dma_start3A_229] : memref<2x625x512xi32, #tpu.memory_space<hbm>> -> memref<1x19x512xi32, #tpu.memory_space<hbm>>
      %dma_start3A_231 = tpu.memref_squeeze %dma_start3A_230 : memref<1x19x512xi32, #tpu.memory_space<hbm>> -> memref<19x512xi32, #tpu.memory_space<hbm>>
      %dma_start3A_232 = arith.constant 0 : i32
      %dma_start3A_233 = arith.constant 0 : i32
      %dma_start3A_234 = tpu.memref_slice %arg6[%dma_start3A_232, %dma_start3A_233] : memref<20x512xi32, #tpu.memory_space<vmem>> -> memref<19x512xi32, #tpu.memory_space<vmem>>
      %dma_start3A_235 = arith.constant 0 : i32
      %dma_start3A_236 = tpu.memref_slice %arg3[%run_scoped3A_80, %mul3A_79, %dma_start3A_235] : memref<2x625x512xi32, #tpu.memory_space<hbm>> -> memref<1x19x512xi32, #tpu.memory_space<hbm>>
      %dma_start3A_237 = tpu.memref_squeeze %dma_start3A_236 : memref<1x19x512xi32, #tpu.memory_space<hbm>> -> memref<19x512xi32, #tpu.memory_space<hbm>>
      tpu.enqueue_dma source(%dma_start3A_237 : memref<19x512xi32, #tpu.memory_space<hbm>>) target(%dma_start3A_234 : memref<19x512xi32, #tpu.memory_space<vmem>>) target_semaphore(%run_scoped3A_225 : memref<!tpu.dma_semaphore, #tpu.memory_space<semaphore_mem>>)
      %dma_wait3A_238 = arith.constant 0 : i32
      %dma_wait3A_239 = arith.constant 0 : i32
      %dma_wait3A_240 = tpu.memref_slice %arg6[%dma_wait3A_238, %dma_wait3A_239] : memref<20x512xi32, #tpu.memory_space<vmem>> -> memref<19x512xi32, #tpu.memory_space<vmem>>
      %dma_wait3A_241 = arith.constant 0 : i32
      %dma_wait3A_242 = tpu.memref_slice %arg3[%run_scoped3A_80, %mul3A_79, %dma_wait3A_241] : memref<2x625x512xi32, #tpu.memory_space<hbm>> -> memref<1x19x512xi32, #tpu.memory_space<hbm>>
      %dma_wait3A_243 = tpu.memref_squeeze %dma_wait3A_242 : memref<1x19x512xi32, #tpu.memory_space<hbm>> -> memref<19x512xi32, #tpu.memory_space<hbm>>
      %dma_wait3A_244 = arith.constant 0 : i32
      %dma_wait3A_245 = arith.constant 0 : i32
      %dma_wait3A_246 = tpu.memref_slice %arg6[%dma_wait3A_244, %dma_wait3A_245] : memref<20x512xi32, #tpu.memory_space<vmem>> -> memref<19x512xi32, #tpu.memory_space<vmem>>
      %dma_wait3A_247 = arith.constant 0 : i32
      %dma_wait3A_248 = tpu.memref_slice %arg3[%run_scoped3A_80, %mul3A_79, %dma_wait3A_247] : memref<2x625x512xi32, #tpu.memory_space<hbm>> -> memref<1x19x512xi32, #tpu.memory_space<hbm>>
      %dma_wait3A_249 = tpu.memref_squeeze %dma_wait3A_248 : memref<1x19x512xi32, #tpu.memory_space<hbm>> -> memref<19x512xi32, #tpu.memory_space<hbm>>
      tpu.wait_dma2 semaphore(%run_scoped3A_225 : memref<!tpu.dma_semaphore, #tpu.memory_space<semaphore_mem>>) src(%dma_wait3A_249 : memref<19x512xi32, #tpu.memory_space<hbm>>) dst(%dma_wait3A_246 : memref<19x512xi32, #tpu.memory_space<vmem>>)
      tpu.yield
    }) : () -> ()
    %lt3A_81 = arith.constant 17 : i32
    %lt3A_82 = arith.cmpi slt, %add3A, %lt3A_81 : i32
    %convert_element_type3A_83 = arith.extui %lt3A_82 : i1 to i32
    %cond3A_84 = arith.constant 0 : i32
    %cond3A_85 = arith.cmpi ne, %convert_element_type3A_83, %cond3A_84 : i32
    scf.if %cond3A_85 {
      %add3A_225 = arith.constant 608 : i32
      %add3A_226 = arith.addi %add3A_225, %add3A : i32
      %run_scoped3A_227 = arith.constant 0 : i32
      "tpu.region"() ({
        %run_scoped3A_231 = tpu.sem_alloc : memref<!tpu.dma_semaphore, #tpu.memory_space<semaphore_mem>>
        %dma_start3A_232 = arith.constant 19 : i32
        %dma_start3A_233 = arith.constant 0 : i32
        %dma_start3A_234 = tpu.memref_slice %arg5[%dma_start3A_232, %dma_start3A_233] : memref<20x512xi32, #tpu.memory_space<vmem>> -> memref<1x512xi32, #tpu.memory_space<vmem>>
        %dma_start3A_235 = arith.constant 0 : i32
        %dma_start3A_236 = tpu.memref_slice %arg3[%run_scoped3A_227, %add3A_226, %dma_start3A_235] : memref<2x625x512xi32, #tpu.memory_space<hbm>> -> memref<1x1x512xi32, #tpu.memory_space<hbm>>
        %dma_start3A_237 = tpu.memref_squeeze %dma_start3A_236 : memref<1x1x512xi32, #tpu.memory_space<hbm>> -> memref<1x512xi32, #tpu.memory_space<hbm>>
        %dma_start3A_238 = arith.constant 19 : i32
        %dma_start3A_239 = arith.constant 0 : i32
        %dma_start3A_240 = tpu.memref_slice %arg5[%dma_start3A_238, %dma_start3A_239] : memref<20x512xi32, #tpu.memory_space<vmem>> -> memref<1x512xi32, #tpu.memory_space<vmem>>
        %dma_start3A_241 = arith.constant 0 : i32
        %dma_start3A_242 = tpu.memref_slice %arg3[%run_scoped3A_227, %add3A_226, %dma_start3A_241] : memref<2x625x512xi32, #tpu.memory_space<hbm>> -> memref<1x1x512xi32, #tpu.memory_space<hbm>>
        %dma_start3A_243 = tpu.memref_squeeze %dma_start3A_242 : memref<1x1x512xi32, #tpu.memory_space<hbm>> -> memref<1x512xi32, #tpu.memory_space<hbm>>
        tpu.enqueue_dma source(%dma_start3A_243 : memref<1x512xi32, #tpu.memory_space<hbm>>) target(%dma_start3A_240 : memref<1x512xi32, #tpu.memory_space<vmem>>) target_semaphore(%run_scoped3A_231 : memref<!tpu.dma_semaphore, #tpu.memory_space<semaphore_mem>>)
        %dma_wait3A_244 = arith.constant 19 : i32
        %dma_wait3A_245 = arith.constant 0 : i32
        %dma_wait3A_246 = tpu.memref_slice %arg5[%dma_wait3A_244, %dma_wait3A_245] : memref<20x512xi32, #tpu.memory_space<vmem>> -> memref<1x512xi32, #tpu.memory_space<vmem>>
        %dma_wait3A_247 = arith.constant 0 : i32
        %dma_wait3A_248 = tpu.memref_slice %arg3[%run_scoped3A_227, %add3A_226, %dma_wait3A_247] : memref<2x625x512xi32, #tpu.memory_space<hbm>> -> memref<1x1x512xi32, #tpu.memory_space<hbm>>
        %dma_wait3A_249 = tpu.memref_squeeze %dma_wait3A_248 : memref<1x1x512xi32, #tpu.memory_space<hbm>> -> memref<1x512xi32, #tpu.memory_space<hbm>>
        %dma_wait3A_250 = arith.constant 19 : i32
        %dma_wait3A_251 = arith.constant 0 : i32
        %dma_wait3A_252 = tpu.memref_slice %arg5[%dma_wait3A_250, %dma_wait3A_251] : memref<20x512xi32, #tpu.memory_space<vmem>> -> memref<1x512xi32, #tpu.memory_space<vmem>>
        %dma_wait3A_253 = arith.constant 0 : i32
        %dma_wait3A_254 = tpu.memref_slice %arg3[%run_scoped3A_227, %add3A_226, %dma_wait3A_253] : memref<2x625x512xi32, #tpu.memory_space<hbm>> -> memref<1x1x512xi32, #tpu.memory_space<hbm>>
        %dma_wait3A_255 = tpu.memref_squeeze %dma_wait3A_254 : memref<1x1x512xi32, #tpu.memory_space<hbm>> -> memref<1x512xi32, #tpu.memory_space<hbm>>
        tpu.wait_dma2 semaphore(%run_scoped3A_231 : memref<!tpu.dma_semaphore, #tpu.memory_space<semaphore_mem>>) src(%dma_wait3A_255 : memref<1x512xi32, #tpu.memory_space<hbm>>) dst(%dma_wait3A_252 : memref<1x512xi32, #tpu.memory_space<vmem>>)
        tpu.yield
      }) : () -> ()
      %add3A_228 = arith.constant 608 : i32
      %add3A_229 = arith.addi %add3A_228, %add3A : i32
      %run_scoped3A_230 = arith.constant 1 : i32
      "tpu.region"() ({
        %run_scoped3A_231 = tpu.sem_alloc : memref<!tpu.dma_semaphore, #tpu.memory_space<semaphore_mem>>
        %dma_start3A_232 = arith.constant 19 : i32
        %dma_start3A_233 = arith.constant 0 : i32
        %dma_start3A_234 = tpu.memref_slice %arg6[%dma_start3A_232, %dma_start3A_233] : memref<20x512xi32, #tpu.memory_space<vmem>> -> memref<1x512xi32, #tpu.memory_space<vmem>>
        %dma_start3A_235 = arith.constant 0 : i32
        %dma_start3A_236 = tpu.memref_slice %arg3[%run_scoped3A_230, %add3A_229, %dma_start3A_235] : memref<2x625x512xi32, #tpu.memory_space<hbm>> -> memref<1x1x512xi32, #tpu.memory_space<hbm>>
        %dma_start3A_237 = tpu.memref_squeeze %dma_start3A_236 : memref<1x1x512xi32, #tpu.memory_space<hbm>> -> memref<1x512xi32, #tpu.memory_space<hbm>>
        %dma_start3A_238 = arith.constant 19 : i32
        %dma_start3A_239 = arith.constant 0 : i32
        %dma_start3A_240 = tpu.memref_slice %arg6[%dma_start3A_238, %dma_start3A_239] : memref<20x512xi32, #tpu.memory_space<vmem>> -> memref<1x512xi32, #tpu.memory_space<vmem>>
        %dma_start3A_241 = arith.constant 0 : i32
        %dma_start3A_242 = tpu.memref_slice %arg3[%run_scoped3A_230, %add3A_229, %dma_start3A_241] : memref<2x625x512xi32, #tpu.memory_space<hbm>> -> memref<1x1x512xi32, #tpu.memory_space<hbm>>
        %dma_start3A_243 = tpu.memref_squeeze %dma_start3A_242 : memref<1x1x512xi32, #tpu.memory_space<hbm>> -> memref<1x512xi32, #tpu.memory_space<hbm>>
        tpu.enqueue_dma source(%dma_start3A_243 : memref<1x512xi32, #tpu.memory_space<hbm>>) target(%dma_start3A_240 : memref<1x512xi32, #tpu.memory_space<vmem>>) target_semaphore(%run_scoped3A_231 : memref<!tpu.dma_semaphore, #tpu.memory_space<semaphore_mem>>)
        %dma_wait3A_244 = arith.constant 19 : i32
        %dma_wait3A_245 = arith.constant 0 : i32
        %dma_wait3A_246 = tpu.memref_slice %arg6[%dma_wait3A_244, %dma_wait3A_245] : memref<20x512xi32, #tpu.memory_space<vmem>> -> memref<1x512xi32, #tpu.memory_space<vmem>>
        %dma_wait3A_247 = arith.constant 0 : i32
        %dma_wait3A_248 = tpu.memref_slice %arg3[%run_scoped3A_230, %add3A_229, %dma_wait3A_247] : memref<2x625x512xi32, #tpu.memory_space<hbm>> -> memref<1x1x512xi32, #tpu.memory_space<hbm>>
        %dma_wait3A_249 = tpu.memref_squeeze %dma_wait3A_248 : memref<1x1x512xi32, #tpu.memory_space<hbm>> -> memref<1x512xi32, #tpu.memory_space<hbm>>
        %dma_wait3A_250 = arith.constant 19 : i32
        %dma_wait3A_251 = arith.constant 0 : i32
        %dma_wait3A_252 = tpu.memref_slice %arg6[%dma_wait3A_250, %dma_wait3A_251] : memref<20x512xi32, #tpu.memory_space<vmem>> -> memref<1x512xi32, #tpu.memory_space<vmem>>
        %dma_wait3A_253 = arith.constant 0 : i32
        %dma_wait3A_254 = tpu.memref_slice %arg3[%run_scoped3A_230, %add3A_229, %dma_wait3A_253] : memref<2x625x512xi32, #tpu.memory_space<hbm>> -> memref<1x1x512xi32, #tpu.memory_space<hbm>>
        %dma_wait3A_255 = tpu.memref_squeeze %dma_wait3A_254 : memref<1x1x512xi32, #tpu.memory_space<hbm>> -> memref<1x512xi32, #tpu.memory_space<hbm>>
        tpu.wait_dma2 semaphore(%run_scoped3A_231 : memref<!tpu.dma_semaphore, #tpu.memory_space<semaphore_mem>>) src(%dma_wait3A_255 : memref<1x512xi32, #tpu.memory_space<hbm>>) dst(%dma_wait3A_252 : memref<1x512xi32, #tpu.memory_space<vmem>>)
        tpu.yield
      }) : () -> ()
    } else {
    }
    %run_scoped3A_86 = arith.constant 0 : i32
    %run_scoped3A_87 = arith.constant 0 : i32
    "tpu.region"() ({
      %run_scoped3A_225 = tpu.sem_alloc : memref<!tpu.dma_semaphore, #tpu.memory_space<semaphore_mem>>
      %dma_start3A_226 = arith.constant 0 : i32
      %dma_start3A_227 = arith.constant 0 : i32
      %dma_start3A_228 = tpu.memref_slice %arg7[%run_scoped3A_87, %dma_start3A_226, %dma_start3A_227] : memref<2x512x128xbf16, #tpu.memory_space<vmem>> -> memref<1x512x128xbf16, #tpu.memory_space<vmem>>
      %dma_start3A_229 = tpu.memref_squeeze %dma_start3A_228 : memref<1x512x128xbf16, #tpu.memory_space<vmem>> -> memref<512x128xbf16, #tpu.memory_space<vmem>>
      %dma_start3A_230 = arith.constant 0 : i32
      %dma_start3A_231 = tpu.memref_slice %arg5[%run_scoped3A_86, %dma_start3A_230] : memref<20x512xi32, #tpu.memory_space<vmem>> -> memref<1x512xi32, #tpu.memory_space<vmem>>
      %dma_start3A_232 = tpu.memref_squeeze %dma_start3A_231 : memref<1x512xi32, #tpu.memory_space<vmem>> -> memref<512xi32, #tpu.memory_space<vmem>>
      %dma_start3A_233 = arith.constant 0 : i32
      %dma_start3A_234 = arith.constant 0 : i32
      %dma_start3A_235 = tpu.memref_slice %arg2[%dma_start3A_233, %dma_start3A_234] : memref<10000x128xbf16, #tpu.memory_space<hbm>> -> memref<10000x128xbf16, #tpu.memory_space<hbm>>
      tpu.enqueue_indirect_dma source(%dma_start3A_235 : memref<10000x128xbf16, #tpu.memory_space<hbm>>) target(%dma_start3A_229 : memref<512x128xbf16, #tpu.memory_space<vmem>>) offsets(%dma_start3A_232 : memref<512xi32, #tpu.memory_space<vmem>>) semaphore(%run_scoped3A_225 : memref<!tpu.dma_semaphore, #tpu.memory_space<semaphore_mem>>)
      %dma_wait3A_236 = arith.constant 0 : i32
      %dma_wait3A_237 = arith.constant 0 : i32
      %dma_wait3A_238 = tpu.memref_slice %arg7[%run_scoped3A_87, %dma_wait3A_236, %dma_wait3A_237] : memref<2x512x128xbf16, #tpu.memory_space<vmem>> -> memref<1x512x128xbf16, #tpu.memory_space<vmem>>
      %dma_wait3A_239 = tpu.memref_squeeze %dma_wait3A_238 : memref<1x512x128xbf16, #tpu.memory_space<vmem>> -> memref<512x128xbf16, #tpu.memory_space<vmem>>
      %dma_wait3A_240 = arith.constant 0 : i32
      %dma_wait3A_241 = tpu.memref_slice %arg5[%run_scoped3A_86, %dma_wait3A_240] : memref<20x512xi32, #tpu.memory_space<vmem>> -> memref<1x512xi32, #tpu.memory_space<vmem>>
      %dma_wait3A_242 = tpu.memref_squeeze %dma_wait3A_241 : memref<1x512xi32, #tpu.memory_space<vmem>> -> memref<512xi32, #tpu.memory_space<vmem>>
      %dma_wait3A_243 = arith.constant 0 : i32
      %dma_wait3A_244 = arith.constant 0 : i32
      %dma_wait3A_245 = tpu.memref_slice %arg2[%dma_wait3A_243, %dma_wait3A_244] : memref<10000x128xbf16, #tpu.memory_space<hbm>> -> memref<10000x128xbf16, #tpu.memory_space<hbm>>
      tpu.wait_indirect_dma semaphore(%run_scoped3A_225 : memref<!tpu.dma_semaphore, #tpu.memory_space<semaphore_mem>>) src(%dma_wait3A_245 : memref<10000x128xbf16, #tpu.memory_space<hbm>>) dst(%dma_wait3A_239 : memref<512x128xbf16, #tpu.memory_space<vmem>>)
      tpu.yield
    }) : () -> ()
    %scan3A_88 = arith.constant 0 : i32
    %scan3A_89 = arith.constant 0 : i32
    %scan3A_90 = arith.constant 8 : i32
    %scan3A_91 = arith.addi %scan3A_89, %scan3A_90 : i32
    %scan3A_92 = arith.constant 1 : i32
    %scan3A_93 = scf.for %scan3A_225 = %scan3A_89 to %scan3A_91 step %scan3A_92 iter_args(%scan3A_226 = %scan3A_88) -> (i32)  : i32 {
      %mul3A_227 = arith.constant 2 : i32
      %mul3A_228 = arith.muli %mul3A_227, %scan3A_225 : i32
      %add3A_229 = arith.constant 1 : i32
      %add3A_230 = arith.addi %mul3A_228, %add3A_229 : i32
      %dma_start3A_231 = arith.constant 1 : i32
      %dma_start3A_232 = arith.constant 0 : i32
      %dma_start3A_233 = arith.constant 0 : i32
      %dma_start3A_234 = tpu.memref_slice %arg7[%dma_start3A_231, %dma_start3A_232, %dma_start3A_233] : memref<2x512x128xbf16, #tpu.memory_space<vmem>> -> memref<1x512x128xbf16, #tpu.memory_space<vmem>>
      %dma_start3A_235 = tpu.memref_squeeze %dma_start3A_234 : memref<1x512x128xbf16, #tpu.memory_space<vmem>> -> memref<512x128xbf16, #tpu.memory_space<vmem>>
      %dma_start3A_236 = arith.constant 0 : i32
      %dma_start3A_237 = tpu.memref_slice %arg5[%add3A_230, %dma_start3A_236] : memref<20x512xi32, #tpu.memory_space<vmem>> -> memref<1x512xi32, #tpu.memory_space<vmem>>
      %dma_start3A_238 = tpu.memref_squeeze %dma_start3A_237 : memref<1x512xi32, #tpu.memory_space<vmem>> -> memref<512xi32, #tpu.memory_space<vmem>>
      %dma_start3A_239 = arith.constant 0 : i32
      %dma_start3A_240 = arith.constant 0 : i32
      %dma_start3A_241 = tpu.memref_slice %arg2[%dma_start3A_239, %dma_start3A_240] : memref<10000x128xbf16, #tpu.memory_space<hbm>> -> memref<10000x128xbf16, #tpu.memory_space<hbm>>
      tpu.enqueue_indirect_dma source(%dma_start3A_241 : memref<10000x128xbf16, #tpu.memory_space<hbm>>) target(%dma_start3A_235 : memref<512x128xbf16, #tpu.memory_space<vmem>>) offsets(%dma_start3A_238 : memref<512xi32, #tpu.memory_space<vmem>>) semaphore(%arg10 : memref<!tpu.dma_semaphore, #tpu.memory_space<semaphore_mem>>)
      %run_scoped3A_242 = arith.constant 0 : i32
      "tpu.region"() ({
        %run_scoped3A_282 = tpu.sem_alloc : memref<!tpu.dma_semaphore, #tpu.memory_space<semaphore_mem>>
        %dma_start3A_283 = arith.constant 0 : i32
        %dma_start3A_284 = arith.constant 0 : i32
        %dma_start3A_285 = tpu.memref_slice %arg7[%run_scoped3A_242, %dma_start3A_283, %dma_start3A_284] : memref<2x512x128xbf16, #tpu.memory_space<vmem>> -> memref<1x512x128xbf16, #tpu.memory_space<vmem>>
        %dma_start3A_286 = tpu.memref_squeeze %dma_start3A_285 : memref<1x512x128xbf16, #tpu.memory_space<vmem>> -> memref<512x128xbf16, #tpu.memory_space<vmem>>
        %dma_start3A_287 = arith.constant 0 : i32
        %dma_start3A_288 = tpu.memref_slice %arg6[%mul3A_228, %dma_start3A_287] : memref<20x512xi32, #tpu.memory_space<vmem>> -> memref<1x512xi32, #tpu.memory_space<vmem>>
        %dma_start3A_289 = tpu.memref_squeeze %dma_start3A_288 : memref<1x512xi32, #tpu.memory_space<vmem>> -> memref<512xi32, #tpu.memory_space<vmem>>
        %dma_start3A_290 = arith.constant 0 : i32
        %dma_start3A_291 = arith.constant 0 : i32
        %dma_start3A_292 = tpu.memref_slice %arg8[%dma_start3A_290, %dma_start3A_291] : memref<10000x128xbf16, #tpu.memory_space<vmem_shared>> -> memref<10000x128xbf16, #tpu.memory_space<vmem_shared>>
        tpu.enqueue_indirect_dma source(%dma_start3A_286 : memref<512x128xbf16, #tpu.memory_space<vmem>>) target(%dma_start3A_292 : memref<10000x128xbf16, #tpu.memory_space<vmem_shared>>) offsets(%dma_start3A_289 : memref<512xi32, #tpu.memory_space<vmem>>) semaphore(%run_scoped3A_282 : memref<!tpu.dma_semaphore, #tpu.memory_space<semaphore_mem>>) {add = true}
        %dma_wait3A_293 = arith.constant 0 : i32
        %dma_wait3A_294 = arith.constant 0 : i32
        %dma_wait3A_295 = tpu.memref_slice %arg7[%run_scoped3A_242, %dma_wait3A_293, %dma_wait3A_294] : memref<2x512x128xbf16, #tpu.memory_space<vmem>> -> memref<1x512x128xbf16, #tpu.memory_space<vmem>>
        %dma_wait3A_296 = tpu.memref_squeeze %dma_wait3A_295 : memref<1x512x128xbf16, #tpu.memory_space<vmem>> -> memref<512x128xbf16, #tpu.memory_space<vmem>>
        %dma_wait3A_297 = arith.constant 0 : i32
        %dma_wait3A_298 = tpu.memref_slice %arg6[%mul3A_228, %dma_wait3A_297] : memref<20x512xi32, #tpu.memory_space<vmem>> -> memref<1x512xi32, #tpu.memory_space<vmem>>
        %dma_wait3A_299 = tpu.memref_squeeze %dma_wait3A_298 : memref<1x512xi32, #tpu.memory_space<vmem>> -> memref<512xi32, #tpu.memory_space<vmem>>
        %dma_wait3A_300 = arith.constant 0 : i32
        %dma_wait3A_301 = arith.constant 0 : i32
        %dma_wait3A_302 = tpu.memref_slice %arg8[%dma_wait3A_300, %dma_wait3A_301] : memref<10000x128xbf16, #tpu.memory_space<vmem_shared>> -> memref<10000x128xbf16, #tpu.memory_space<vmem_shared>>
        tpu.wait_indirect_dma semaphore(%run_scoped3A_282 : memref<!tpu.dma_semaphore, #tpu.memory_space<semaphore_mem>>) src(%dma_wait3A_296 : memref<512x128xbf16, #tpu.memory_space<vmem>>) dst(%dma_wait3A_302 : memref<10000x128xbf16, #tpu.memory_space<vmem_shared>>)
        tpu.yield
      }) : () -> ()
      %dma_wait3A_243 = arith.constant 1 : i32
      %dma_wait3A_244 = arith.constant 0 : i32
      %dma_wait3A_245 = arith.constant 0 : i32
      %dma_wait3A_246 = tpu.memref_slice %arg7[%dma_wait3A_243, %dma_wait3A_244, %dma_wait3A_245] : memref<2x512x128xbf16, #tpu.memory_space<vmem>> -> memref<1x512x128xbf16, #tpu.memory_space<vmem>>
      %dma_wait3A_247 = tpu.memref_squeeze %dma_wait3A_246 : memref<1x512x128xbf16, #tpu.memory_space<vmem>> -> memref<512x128xbf16, #tpu.memory_space<vmem>>
      %dma_wait3A_248 = arith.constant 0 : i32
      %dma_wait3A_249 = tpu.memref_slice %arg5[%add3A_230, %dma_wait3A_248] : memref<20x512xi32, #tpu.memory_space<vmem>> -> memref<1x512xi32, #tpu.memory_space<vmem>>
      %dma_wait3A_250 = tpu.memref_squeeze %dma_wait3A_249 : memref<1x512xi32, #tpu.memory_space<vmem>> -> memref<512xi32, #tpu.memory_space<vmem>>
      %dma_wait3A_251 = arith.constant 0 : i32
      %dma_wait3A_252 = arith.constant 0 : i32
      %dma_wait3A_253 = tpu.memref_slice %arg2[%dma_wait3A_251, %dma_wait3A_252] : memref<10000x128xbf16, #tpu.memory_space<hbm>> -> memref<10000x128xbf16, #tpu.memory_space<hbm>>
      tpu.wait_indirect_dma semaphore(%arg10 : memref<!tpu.dma_semaphore, #tpu.memory_space<semaphore_mem>>) src(%dma_wait3A_253 : memref<10000x128xbf16, #tpu.memory_space<hbm>>) dst(%dma_wait3A_247 : memref<512x128xbf16, #tpu.memory_space<vmem>>)
      %add3A_254 = arith.constant 2 : i32
      %add3A_255 = arith.addi %mul3A_228, %add3A_254 : i32
      %dma_start3A_256 = arith.constant 0 : i32
      %dma_start3A_257 = arith.constant 0 : i32
      %dma_start3A_258 = arith.constant 0 : i32
      %dma_start3A_259 = tpu.memref_slice %arg7[%dma_start3A_256, %dma_start3A_257, %dma_start3A_258] : memref<2x512x128xbf16, #tpu.memory_space<vmem>> -> memref<1x512x128xbf16, #tpu.memory_space<vmem>>
      %dma_start3A_260 = tpu.memref_squeeze %dma_start3A_259 : memref<1x512x128xbf16, #tpu.memory_space<vmem>> -> memref<512x128xbf16, #tpu.memory_space<vmem>>
      %dma_start3A_261 = arith.constant 0 : i32
      %dma_start3A_262 = tpu.memref_slice %arg5[%add3A_255, %dma_start3A_261] : memref<20x512xi32, #tpu.memory_space<vmem>> -> memref<1x512xi32, #tpu.memory_space<vmem>>
      %dma_start3A_263 = tpu.memref_squeeze %dma_start3A_262 : memref<1x512xi32, #tpu.memory_space<vmem>> -> memref<512xi32, #tpu.memory_space<vmem>>
      %dma_start3A_264 = arith.constant 0 : i32
      %dma_start3A_265 = arith.constant 0 : i32
      %dma_start3A_266 = tpu.memref_slice %arg2[%dma_start3A_264, %dma_start3A_265] : memref<10000x128xbf16, #tpu.memory_space<hbm>> -> memref<10000x128xbf16, #tpu.memory_space<hbm>>
      tpu.enqueue_indirect_dma source(%dma_start3A_266 : memref<10000x128xbf16, #tpu.memory_space<hbm>>) target(%dma_start3A_260 : memref<512x128xbf16, #tpu.memory_space<vmem>>) offsets(%dma_start3A_263 : memref<512xi32, #tpu.memory_space<vmem>>) semaphore(%arg9 : memref<!tpu.dma_semaphore, #tpu.memory_space<semaphore_mem>>)
      %add3A_267 = arith.constant 1 : i32
      %add3A_268 = arith.addi %mul3A_228, %add3A_267 : i32
      %run_scoped3A_269 = arith.constant 1 : i32
      "tpu.region"() ({
        %run_scoped3A_282 = tpu.sem_alloc : memref<!tpu.dma_semaphore, #tpu.memory_space<semaphore_mem>>
        %dma_start3A_283 = arith.constant 0 : i32
        %dma_start3A_284 = arith.constant 0 : i32
        %dma_start3A_285 = tpu.memref_slice %arg7[%run_scoped3A_269, %dma_start3A_283, %dma_start3A_284] : memref<2x512x128xbf16, #tpu.memory_space<vmem>> -> memref<1x512x128xbf16, #tpu.memory_space<vmem>>
        %dma_start3A_286 = tpu.memref_squeeze %dma_start3A_285 : memref<1x512x128xbf16, #tpu.memory_space<vmem>> -> memref<512x128xbf16, #tpu.memory_space<vmem>>
        %dma_start3A_287 = arith.constant 0 : i32
        %dma_start3A_288 = tpu.memref_slice %arg6[%add3A_268, %dma_start3A_287] : memref<20x512xi32, #tpu.memory_space<vmem>> -> memref<1x512xi32, #tpu.memory_space<vmem>>
        %dma_start3A_289 = tpu.memref_squeeze %dma_start3A_288 : memref<1x512xi32, #tpu.memory_space<vmem>> -> memref<512xi32, #tpu.memory_space<vmem>>
        %dma_start3A_290 = arith.constant 0 : i32
        %dma_start3A_291 = arith.constant 0 : i32
        %dma_start3A_292 = tpu.memref_slice %arg8[%dma_start3A_290, %dma_start3A_291] : memref<10000x128xbf16, #tpu.memory_space<vmem_shared>> -> memref<10000x128xbf16, #tpu.memory_space<vmem_shared>>
        tpu.enqueue_indirect_dma source(%dma_start3A_286 : memref<512x128xbf16, #tpu.memory_space<vmem>>) target(%dma_start3A_292 : memref<10000x128xbf16, #tpu.memory_space<vmem_shared>>) offsets(%dma_start3A_289 : memref<512xi32, #tpu.memory_space<vmem>>) semaphore(%run_scoped3A_282 : memref<!tpu.dma_semaphore, #tpu.memory_space<semaphore_mem>>) {add = true}
        %dma_wait3A_293 = arith.constant 0 : i32
        %dma_wait3A_294 = arith.constant 0 : i32
        %dma_wait3A_295 = tpu.memref_slice %arg7[%run_scoped3A_269, %dma_wait3A_293, %dma_wait3A_294] : memref<2x512x128xbf16, #tpu.memory_space<vmem>> -> memref<1x512x128xbf16, #tpu.memory_space<vmem>>
        %dma_wait3A_296 = tpu.memref_squeeze %dma_wait3A_295 : memref<1x512x128xbf16, #tpu.memory_space<vmem>> -> memref<512x128xbf16, #tpu.memory_space<vmem>>
        %dma_wait3A_297 = arith.constant 0 : i32
        %dma_wait3A_298 = tpu.memref_slice %arg6[%add3A_268, %dma_wait3A_297] : memref<20x512xi32, #tpu.memory_space<vmem>> -> memref<1x512xi32, #tpu.memory_space<vmem>>
        %dma_wait3A_299 = tpu.memref_squeeze %dma_wait3A_298 : memref<1x512xi32, #tpu.memory_space<vmem>> -> memref<512xi32, #tpu.memory_space<vmem>>
        %dma_wait3A_300 = arith.constant 0 : i32
        %dma_wait3A_301 = arith.constant 0 : i32
        %dma_wait3A_302 = tpu.memref_slice %arg8[%dma_wait3A_300, %dma_wait3A_301] : memref<10000x128xbf16, #tpu.memory_space<vmem_shared>> -> memref<10000x128xbf16, #tpu.memory_space<vmem_shared>>
        tpu.wait_indirect_dma semaphore(%run_scoped3A_282 : memref<!tpu.dma_semaphore, #tpu.memory_space<semaphore_mem>>) src(%dma_wait3A_296 : memref<512x128xbf16, #tpu.memory_space<vmem>>) dst(%dma_wait3A_302 : memref<10000x128xbf16, #tpu.memory_space<vmem_shared>>)
        tpu.yield
      }) : () -> ()
      %dma_wait3A_270 = arith.constant 0 : i32
      %dma_wait3A_271 = arith.constant 0 : i32
      %dma_wait3A_272 = arith.constant 0 : i32
      %dma_wait3A_273 = tpu.memref_slice %arg7[%dma_wait3A_270, %dma_wait3A_271, %dma_wait3A_272] : memref<2x512x128xbf16, #tpu.memory_space<vmem>> -> memref<1x512x128xbf16, #tpu.memory_space<vmem>>
      %dma_wait3A_274 = tpu.memref_squeeze %dma_wait3A_273 : memref<1x512x128xbf16, #tpu.memory_space<vmem>> -> memref<512x128xbf16, #tpu.memory_space<vmem>>
      %dma_wait3A_275 = arith.constant 0 : i32
      %dma_wait3A_276 = tpu.memref_slice %arg5[%add3A_255, %dma_wait3A_275] : memref<20x512xi32, #tpu.memory_space<vmem>> -> memref<1x512xi32, #tpu.memory_space<vmem>>
      %dma_wait3A_277 = tpu.memref_squeeze %dma_wait3A_276 : memref<1x512xi32, #tpu.memory_space<vmem>> -> memref<512xi32, #tpu.memory_space<vmem>>
      %dma_wait3A_278 = arith.constant 0 : i32
      %dma_wait3A_279 = arith.constant 0 : i32
      %dma_wait3A_280 = tpu.memref_slice %arg2[%dma_wait3A_278, %dma_wait3A_279] : memref<10000x128xbf16, #tpu.memory_space<hbm>> -> memref<10000x128xbf16, #tpu.memory_space<hbm>>
      tpu.wait_indirect_dma semaphore(%arg9 : memref<!tpu.dma_semaphore, #tpu.memory_space<semaphore_mem>>) src(%dma_wait3A_280 : memref<10000x128xbf16, #tpu.memory_space<hbm>>) dst(%dma_wait3A_274 : memref<512x128xbf16, #tpu.memory_space<vmem>>)
      %scan3A_281 = arith.constant 0 : i32
      scf.yield %scan3A_281 : i32
    }
    %scan3A_94 = arith.constant 8 : i32
    %dma_start3A = arith.constant 17 : i32
    %dma_start3A_95 = arith.constant 1 : i32
    %dma_start3A_96 = arith.constant 0 : i32
    %dma_start3A_97 = arith.constant 0 : i32
    %dma_start3A_98 = tpu.memref_slice %arg7[%dma_start3A_95, %dma_start3A_96, %dma_start3A_97] : memref<2x512x128xbf16, #tpu.memory_space<vmem>> -> memref<1x512x128xbf16, #tpu.memory_space<vmem>>
    %dma_start3A_99 = tpu.memref_squeeze %dma_start3A_98 : memref<1x512x128xbf16, #tpu.memory_space<vmem>> -> memref<512x128xbf16, #tpu.memory_space<vmem>>
    %dma_start3A_100 = arith.constant 0 : i32
    %dma_start3A_101 = tpu.memref_slice %arg5[%dma_start3A, %dma_start3A_100] : memref<20x512xi32, #tpu.memory_space<vmem>> -> memref<1x512xi32, #tpu.memory_space<vmem>>
    %dma_start3A_102 = tpu.memref_squeeze %dma_start3A_101 : memref<1x512xi32, #tpu.memory_space<vmem>> -> memref<512xi32, #tpu.memory_space<vmem>>
    %dma_start3A_103 = arith.constant 0 : i32
    %dma_start3A_104 = arith.constant 0 : i32
    %dma_start3A_105 = tpu.memref_slice %arg2[%dma_start3A_103, %dma_start3A_104] : memref<10000x128xbf16, #tpu.memory_space<hbm>> -> memref<10000x128xbf16, #tpu.memory_space<hbm>>
    tpu.enqueue_indirect_dma source(%dma_start3A_105 : memref<10000x128xbf16, #tpu.memory_space<hbm>>) target(%dma_start3A_99 : memref<512x128xbf16, #tpu.memory_space<vmem>>) offsets(%dma_start3A_102 : memref<512xi32, #tpu.memory_space<vmem>>) semaphore(%arg10 : memref<!tpu.dma_semaphore, #tpu.memory_space<semaphore_mem>>)
    %run_scoped3A_106 = arith.constant 0 : i32
    %run_scoped3A_107 = arith.constant 16 : i32
    "tpu.region"() ({
      %run_scoped3A_225 = tpu.sem_alloc : memref<!tpu.dma_semaphore, #tpu.memory_space<semaphore_mem>>
      %dma_start3A_226 = arith.constant 0 : i32
      %dma_start3A_227 = arith.constant 0 : i32
      %dma_start3A_228 = tpu.memref_slice %arg7[%run_scoped3A_106, %dma_start3A_226, %dma_start3A_227] : memref<2x512x128xbf16, #tpu.memory_space<vmem>> -> memref<1x512x128xbf16, #tpu.memory_space<vmem>>
      %dma_start3A_229 = tpu.memref_squeeze %dma_start3A_228 : memref<1x512x128xbf16, #tpu.memory_space<vmem>> -> memref<512x128xbf16, #tpu.memory_space<vmem>>
      %dma_start3A_230 = arith.constant 0 : i32
      %dma_start3A_231 = tpu.memref_slice %arg6[%run_scoped3A_107, %dma_start3A_230] : memref<20x512xi32, #tpu.memory_space<vmem>> -> memref<1x512xi32, #tpu.memory_space<vmem>>
      %dma_start3A_232 = tpu.memref_squeeze %dma_start3A_231 : memref<1x512xi32, #tpu.memory_space<vmem>> -> memref<512xi32, #tpu.memory_space<vmem>>
      %dma_start3A_233 = arith.constant 0 : i32
      %dma_start3A_234 = arith.constant 0 : i32
      %dma_start3A_235 = tpu.memref_slice %arg8[%dma_start3A_233, %dma_start3A_234] : memref<10000x128xbf16, #tpu.memory_space<vmem_shared>> -> memref<10000x128xbf16, #tpu.memory_space<vmem_shared>>
      tpu.enqueue_indirect_dma source(%dma_start3A_229 : memref<512x128xbf16, #tpu.memory_space<vmem>>) target(%dma_start3A_235 : memref<10000x128xbf16, #tpu.memory_space<vmem_shared>>) offsets(%dma_start3A_232 : memref<512xi32, #tpu.memory_space<vmem>>) semaphore(%run_scoped3A_225 : memref<!tpu.dma_semaphore, #tpu.memory_space<semaphore_mem>>) {add = true}
      %dma_wait3A_236 = arith.constant 0 : i32
      %dma_wait3A_237 = arith.constant 0 : i32
      %dma_wait3A_238 = tpu.memref_slice %arg7[%run_scoped3A_106, %dma_wait3A_236, %dma_wait3A_237] : memref<2x512x128xbf16, #tpu.memory_space<vmem>> -> memref<1x512x128xbf16, #tpu.memory_space<vmem>>
      %dma_wait3A_239 = tpu.memref_squeeze %dma_wait3A_238 : memref<1x512x128xbf16, #tpu.memory_space<vmem>> -> memref<512x128xbf16, #tpu.memory_space<vmem>>
      %dma_wait3A_240 = arith.constant 0 : i32
      %dma_wait3A_241 = tpu.memref_slice %arg6[%run_scoped3A_107, %dma_wait3A_240] : memref<20x512xi32, #tpu.memory_space<vmem>> -> memref<1x512xi32, #tpu.memory_space<vmem>>
      %dma_wait3A_242 = tpu.memref_squeeze %dma_wait3A_241 : memref<1x512xi32, #tpu.memory_space<vmem>> -> memref<512xi32, #tpu.memory_space<vmem>>
      %dma_wait3A_243 = arith.constant 0 : i32
      %dma_wait3A_244 = arith.constant 0 : i32
      %dma_wait3A_245 = tpu.memref_slice %arg8[%dma_wait3A_243, %dma_wait3A_244] : memref<10000x128xbf16, #tpu.memory_space<vmem_shared>> -> memref<10000x128xbf16, #tpu.memory_space<vmem_shared>>
      tpu.wait_indirect_dma semaphore(%run_scoped3A_225 : memref<!tpu.dma_semaphore, #tpu.memory_space<semaphore_mem>>) src(%dma_wait3A_239 : memref<512x128xbf16, #tpu.memory_space<vmem>>) dst(%dma_wait3A_245 : memref<10000x128xbf16, #tpu.memory_space<vmem_shared>>)
      tpu.yield
    }) : () -> ()
    %dma_wait3A = arith.constant 17 : i32
    %dma_wait3A_108 = arith.constant 1 : i32
    %dma_wait3A_109 = arith.constant 0 : i32
    %dma_wait3A_110 = arith.constant 0 : i32
    %dma_wait3A_111 = tpu.memref_slice %arg7[%dma_wait3A_108, %dma_wait3A_109, %dma_wait3A_110] : memref<2x512x128xbf16, #tpu.memory_space<vmem>> -> memref<1x512x128xbf16, #tpu.memory_space<vmem>>
    %dma_wait3A_112 = tpu.memref_squeeze %dma_wait3A_111 : memref<1x512x128xbf16, #tpu.memory_space<vmem>> -> memref<512x128xbf16, #tpu.memory_space<vmem>>
    %dma_wait3A_113 = arith.constant 0 : i32
    %dma_wait3A_114 = tpu.memref_slice %arg5[%dma_wait3A, %dma_wait3A_113] : memref<20x512xi32, #tpu.memory_space<vmem>> -> memref<1x512xi32, #tpu.memory_space<vmem>>
    %dma_wait3A_115 = tpu.memref_squeeze %dma_wait3A_114 : memref<1x512xi32, #tpu.memory_space<vmem>> -> memref<512xi32, #tpu.memory_space<vmem>>
    %dma_wait3A_116 = arith.constant 0 : i32
    %dma_wait3A_117 = arith.constant 0 : i32
    %dma_wait3A_118 = tpu.memref_slice %arg2[%dma_wait3A_116, %dma_wait3A_117] : memref<10000x128xbf16, #tpu.memory_space<hbm>> -> memref<10000x128xbf16, #tpu.memory_space<hbm>>
    tpu.wait_indirect_dma semaphore(%arg10 : memref<!tpu.dma_semaphore, #tpu.memory_space<semaphore_mem>>) src(%dma_wait3A_118 : memref<10000x128xbf16, #tpu.memory_space<hbm>>) dst(%dma_wait3A_112 : memref<512x128xbf16, #tpu.memory_space<vmem>>)
    %dma_start3A_119 = arith.constant 18 : i32
    %dma_start3A_120 = arith.constant 0 : i32
    %dma_start3A_121 = arith.constant 0 : i32
    %dma_start3A_122 = arith.constant 0 : i32
    %dma_start3A_123 = tpu.memref_slice %arg7[%dma_start3A_120, %dma_start3A_121, %dma_start3A_122] : memref<2x512x128xbf16, #tpu.memory_space<vmem>> -> memref<1x512x128xbf16, #tpu.memory_space<vmem>>
    %dma_start3A_124 = tpu.memref_squeeze %dma_start3A_123 : memref<1x512x128xbf16, #tpu.memory_space<vmem>> -> memref<512x128xbf16, #tpu.memory_space<vmem>>
    %dma_start3A_125 = arith.constant 0 : i32
    %dma_start3A_126 = tpu.memref_slice %arg5[%dma_start3A_119, %dma_start3A_125] : memref<20x512xi32, #tpu.memory_space<vmem>> -> memref<1x512xi32, #tpu.memory_space<vmem>>
    %dma_start3A_127 = tpu.memref_squeeze %dma_start3A_126 : memref<1x512xi32, #tpu.memory_space<vmem>> -> memref<512xi32, #tpu.memory_space<vmem>>
    %dma_start3A_128 = arith.constant 0 : i32
    %dma_start3A_129 = arith.constant 0 : i32
    %dma_start3A_130 = tpu.memref_slice %arg2[%dma_start3A_128, %dma_start3A_129] : memref<10000x128xbf16, #tpu.memory_space<hbm>> -> memref<10000x128xbf16, #tpu.memory_space<hbm>>
    tpu.enqueue_indirect_dma source(%dma_start3A_130 : memref<10000x128xbf16, #tpu.memory_space<hbm>>) target(%dma_start3A_124 : memref<512x128xbf16, #tpu.memory_space<vmem>>) offsets(%dma_start3A_127 : memref<512xi32, #tpu.memory_space<vmem>>) semaphore(%arg9 : memref<!tpu.dma_semaphore, #tpu.memory_space<semaphore_mem>>)
    %run_scoped3A_131 = arith.constant 1 : i32
    %run_scoped3A_132 = arith.constant 17 : i32
    "tpu.region"() ({
      %run_scoped3A_225 = tpu.sem_alloc : memref<!tpu.dma_semaphore, #tpu.memory_space<semaphore_mem>>
      %dma_start3A_226 = arith.constant 0 : i32
      %dma_start3A_227 = arith.constant 0 : i32
      %dma_start3A_228 = tpu.memref_slice %arg7[%run_scoped3A_131, %dma_start3A_226, %dma_start3A_227] : memref<2x512x128xbf16, #tpu.memory_space<vmem>> -> memref<1x512x128xbf16, #tpu.memory_space<vmem>>
      %dma_start3A_229 = tpu.memref_squeeze %dma_start3A_228 : memref<1x512x128xbf16, #tpu.memory_space<vmem>> -> memref<512x128xbf16, #tpu.memory_space<vmem>>
      %dma_start3A_230 = arith.constant 0 : i32
      %dma_start3A_231 = tpu.memref_slice %arg6[%run_scoped3A_132, %dma_start3A_230] : memref<20x512xi32, #tpu.memory_space<vmem>> -> memref<1x512xi32, #tpu.memory_space<vmem>>
      %dma_start3A_232 = tpu.memref_squeeze %dma_start3A_231 : memref<1x512xi32, #tpu.memory_space<vmem>> -> memref<512xi32, #tpu.memory_space<vmem>>
      %dma_start3A_233 = arith.constant 0 : i32
      %dma_start3A_234 = arith.constant 0 : i32
      %dma_start3A_235 = tpu.memref_slice %arg8[%dma_start3A_233, %dma_start3A_234] : memref<10000x128xbf16, #tpu.memory_space<vmem_shared>> -> memref<10000x128xbf16, #tpu.memory_space<vmem_shared>>
      tpu.enqueue_indirect_dma source(%dma_start3A_229 : memref<512x128xbf16, #tpu.memory_space<vmem>>) target(%dma_start3A_235 : memref<10000x128xbf16, #tpu.memory_space<vmem_shared>>) offsets(%dma_start3A_232 : memref<512xi32, #tpu.memory_space<vmem>>) semaphore(%run_scoped3A_225 : memref<!tpu.dma_semaphore, #tpu.memory_space<semaphore_mem>>) {add = true}
      %dma_wait3A_236 = arith.constant 0 : i32
      %dma_wait3A_237 = arith.constant 0 : i32
      %dma_wait3A_238 = tpu.memref_slice %arg7[%run_scoped3A_131, %dma_wait3A_236, %dma_wait3A_237] : memref<2x512x128xbf16, #tpu.memory_space<vmem>> -> memref<1x512x128xbf16, #tpu.memory_space<vmem>>
      %dma_wait3A_239 = tpu.memref_squeeze %dma_wait3A_238 : memref<1x512x128xbf16, #tpu.memory_space<vmem>> -> memref<512x128xbf16, #tpu.memory_space<vmem>>
      %dma_wait3A_240 = arith.constant 0 : i32
      %dma_wait3A_241 = tpu.memref_slice %arg6[%run_scoped3A_132, %dma_wait3A_240] : memref<20x512xi32, #tpu.memory_space<vmem>> -> memref<1x512xi32, #tpu.memory_space<vmem>>
      %dma_wait3A_242 = tpu.memref_squeeze %dma_wait3A_241 : memref<1x512xi32, #tpu.memory_space<vmem>> -> memref<512xi32, #tpu.memory_space<vmem>>
      %dma_wait3A_243 = arith.constant 0 : i32
      %dma_wait3A_244 = arith.constant 0 : i32
      %dma_wait3A_245 = tpu.memref_slice %arg8[%dma_wait3A_243, %dma_wait3A_244] : memref<10000x128xbf16, #tpu.memory_space<vmem_shared>> -> memref<10000x128xbf16, #tpu.memory_space<vmem_shared>>
      tpu.wait_indirect_dma semaphore(%run_scoped3A_225 : memref<!tpu.dma_semaphore, #tpu.memory_space<semaphore_mem>>) src(%dma_wait3A_239 : memref<512x128xbf16, #tpu.memory_space<vmem>>) dst(%dma_wait3A_245 : memref<10000x128xbf16, #tpu.memory_space<vmem_shared>>)
      tpu.yield
    }) : () -> ()
    %dma_wait3A_133 = arith.constant 18 : i32
    %dma_wait3A_134 = arith.constant 0 : i32
    %dma_wait3A_135 = arith.constant 0 : i32
    %dma_wait3A_136 = arith.constant 0 : i32
    %dma_wait3A_137 = tpu.memref_slice %arg7[%dma_wait3A_134, %dma_wait3A_135, %dma_wait3A_136] : memref<2x512x128xbf16, #tpu.memory_space<vmem>> -> memref<1x512x128xbf16, #tpu.memory_space<vmem>>
    %dma_wait3A_138 = tpu.memref_squeeze %dma_wait3A_137 : memref<1x512x128xbf16, #tpu.memory_space<vmem>> -> memref<512x128xbf16, #tpu.memory_space<vmem>>
    %dma_wait3A_139 = arith.constant 0 : i32
    %dma_wait3A_140 = tpu.memref_slice %arg5[%dma_wait3A_133, %dma_wait3A_139] : memref<20x512xi32, #tpu.memory_space<vmem>> -> memref<1x512xi32, #tpu.memory_space<vmem>>
    %dma_wait3A_141 = tpu.memref_squeeze %dma_wait3A_140 : memref<1x512xi32, #tpu.memory_space<vmem>> -> memref<512xi32, #tpu.memory_space<vmem>>
    %dma_wait3A_142 = arith.constant 0 : i32
    %dma_wait3A_143 = arith.constant 0 : i32
    %dma_wait3A_144 = tpu.memref_slice %arg2[%dma_wait3A_142, %dma_wait3A_143] : memref<10000x128xbf16, #tpu.memory_space<hbm>> -> memref<10000x128xbf16, #tpu.memory_space<hbm>>
    tpu.wait_indirect_dma semaphore(%arg9 : memref<!tpu.dma_semaphore, #tpu.memory_space<semaphore_mem>>) src(%dma_wait3A_144 : memref<10000x128xbf16, #tpu.memory_space<hbm>>) dst(%dma_wait3A_138 : memref<512x128xbf16, #tpu.memory_space<vmem>>)
    %run_scoped3A_145 = arith.constant 0 : i32
    %run_scoped3A_146 = arith.constant 18 : i32
    "tpu.region"() ({
      %run_scoped3A_225 = tpu.sem_alloc : memref<!tpu.dma_semaphore, #tpu.memory_space<semaphore_mem>>
      %dma_start3A_226 = arith.constant 0 : i32
      %dma_start3A_227 = arith.constant 0 : i32
      %dma_start3A_228 = tpu.memref_slice %arg7[%run_scoped3A_145, %dma_start3A_226, %dma_start3A_227] : memref<2x512x128xbf16, #tpu.memory_space<vmem>> -> memref<1x512x128xbf16, #tpu.memory_space<vmem>>
      %dma_start3A_229 = tpu.memref_squeeze %dma_start3A_228 : memref<1x512x128xbf16, #tpu.memory_space<vmem>> -> memref<512x128xbf16, #tpu.memory_space<vmem>>
      %dma_start3A_230 = arith.constant 0 : i32
      %dma_start3A_231 = tpu.memref_slice %arg6[%run_scoped3A_146, %dma_start3A_230] : memref<20x512xi32, #tpu.memory_space<vmem>> -> memref<1x512xi32, #tpu.memory_space<vmem>>
      %dma_start3A_232 = tpu.memref_squeeze %dma_start3A_231 : memref<1x512xi32, #tpu.memory_space<vmem>> -> memref<512xi32, #tpu.memory_space<vmem>>
      %dma_start3A_233 = arith.constant 0 : i32
      %dma_start3A_234 = arith.constant 0 : i32
      %dma_start3A_235 = tpu.memref_slice %arg8[%dma_start3A_233, %dma_start3A_234] : memref<10000x128xbf16, #tpu.memory_space<vmem_shared>> -> memref<10000x128xbf16, #tpu.memory_space<vmem_shared>>
      tpu.enqueue_indirect_dma source(%dma_start3A_229 : memref<512x128xbf16, #tpu.memory_space<vmem>>) target(%dma_start3A_235 : memref<10000x128xbf16, #tpu.memory_space<vmem_shared>>) offsets(%dma_start3A_232 : memref<512xi32, #tpu.memory_space<vmem>>) semaphore(%run_scoped3A_225 : memref<!tpu.dma_semaphore, #tpu.memory_space<semaphore_mem>>) {add = true}
      %dma_wait3A_236 = arith.constant 0 : i32
      %dma_wait3A_237 = arith.constant 0 : i32
      %dma_wait3A_238 = tpu.memref_slice %arg7[%run_scoped3A_145, %dma_wait3A_236, %dma_wait3A_237] : memref<2x512x128xbf16, #tpu.memory_space<vmem>> -> memref<1x512x128xbf16, #tpu.memory_space<vmem>>
      %dma_wait3A_239 = tpu.memref_squeeze %dma_wait3A_238 : memref<1x512x128xbf16, #tpu.memory_space<vmem>> -> memref<512x128xbf16, #tpu.memory_space<vmem>>
      %dma_wait3A_240 = arith.constant 0 : i32
      %dma_wait3A_241 = tpu.memref_slice %arg6[%run_scoped3A_146, %dma_wait3A_240] : memref<20x512xi32, #tpu.memory_space<vmem>> -> memref<1x512xi32, #tpu.memory_space<vmem>>
      %dma_wait3A_242 = tpu.memref_squeeze %dma_wait3A_241 : memref<1x512xi32, #tpu.memory_space<vmem>> -> memref<512xi32, #tpu.memory_space<vmem>>
      %dma_wait3A_243 = arith.constant 0 : i32
      %dma_wait3A_244 = arith.constant 0 : i32
      %dma_wait3A_245 = tpu.memref_slice %arg8[%dma_wait3A_243, %dma_wait3A_244] : memref<10000x128xbf16, #tpu.memory_space<vmem_shared>> -> memref<10000x128xbf16, #tpu.memory_space<vmem_shared>>
      tpu.wait_indirect_dma semaphore(%run_scoped3A_225 : memref<!tpu.dma_semaphore, #tpu.memory_space<semaphore_mem>>) src(%dma_wait3A_239 : memref<512x128xbf16, #tpu.memory_space<vmem>>) dst(%dma_wait3A_245 : memref<10000x128xbf16, #tpu.memory_space<vmem_shared>>)
      tpu.yield
    }) : () -> ()
    %lt3A_147 = arith.constant 17 : i32
    %lt3A_148 = arith.cmpi slt, %add3A, %lt3A_147 : i32
    %convert_element_type3A_149 = arith.extui %lt3A_148 : i1 to i32
    %cond3A_150 = arith.constant 0 : i32
    %cond3A_151 = arith.cmpi ne, %convert_element_type3A_149, %cond3A_150 : i32
    scf.if %cond3A_151 {
      %run_scoped3A_225 = arith.constant 19 : i32
      %run_scoped3A_226 = arith.constant 0 : i32
      "tpu.region"() ({
        %run_scoped3A_229 = tpu.sem_alloc : memref<!tpu.dma_semaphore, #tpu.memory_space<semaphore_mem>>
        %dma_start3A_230 = arith.constant 0 : i32
        %dma_start3A_231 = arith.constant 0 : i32
        %dma_start3A_232 = tpu.memref_slice %arg7[%run_scoped3A_226, %dma_start3A_230, %dma_start3A_231] : memref<2x512x128xbf16, #tpu.memory_space<vmem>> -> memref<1x512x128xbf16, #tpu.memory_space<vmem>>
        %dma_start3A_233 = tpu.memref_squeeze %dma_start3A_232 : memref<1x512x128xbf16, #tpu.memory_space<vmem>> -> memref<512x128xbf16, #tpu.memory_space<vmem>>
        %dma_start3A_234 = arith.constant 0 : i32
        %dma_start3A_235 = tpu.memref_slice %arg5[%run_scoped3A_225, %dma_start3A_234] : memref<20x512xi32, #tpu.memory_space<vmem>> -> memref<1x512xi32, #tpu.memory_space<vmem>>
        %dma_start3A_236 = tpu.memref_squeeze %dma_start3A_235 : memref<1x512xi32, #tpu.memory_space<vmem>> -> memref<512xi32, #tpu.memory_space<vmem>>
        %dma_start3A_237 = arith.constant 0 : i32
        %dma_start3A_238 = arith.constant 0 : i32
        %dma_start3A_239 = tpu.memref_slice %arg2[%dma_start3A_237, %dma_start3A_238] : memref<10000x128xbf16, #tpu.memory_space<hbm>> -> memref<10000x128xbf16, #tpu.memory_space<hbm>>
        tpu.enqueue_indirect_dma source(%dma_start3A_239 : memref<10000x128xbf16, #tpu.memory_space<hbm>>) target(%dma_start3A_233 : memref<512x128xbf16, #tpu.memory_space<vmem>>) offsets(%dma_start3A_236 : memref<512xi32, #tpu.memory_space<vmem>>) semaphore(%run_scoped3A_229 : memref<!tpu.dma_semaphore, #tpu.memory_space<semaphore_mem>>)
        %dma_wait3A_240 = arith.constant 0 : i32
        %dma_wait3A_241 = arith.constant 0 : i32
        %dma_wait3A_242 = tpu.memref_slice %arg7[%run_scoped3A_226, %dma_wait3A_240, %dma_wait3A_241] : memref<2x512x128xbf16, #tpu.memory_space<vmem>> -> memref<1x512x128xbf16, #tpu.memory_space<vmem>>
        %dma_wait3A_243 = tpu.memref_squeeze %dma_wait3A_242 : memref<1x512x128xbf16, #tpu.memory_space<vmem>> -> memref<512x128xbf16, #tpu.memory_space<vmem>>
        %dma_wait3A_244 = arith.constant 0 : i32
        %dma_wait3A_245 = tpu.memref_slice %arg5[%run_scoped3A_225, %dma_wait3A_244] : memref<20x512xi32, #tpu.memory_space<vmem>> -> memref<1x512xi32, #tpu.memory_space<vmem>>
        %dma_wait3A_246 = tpu.memref_squeeze %dma_wait3A_245 : memref<1x512xi32, #tpu.memory_space<vmem>> -> memref<512xi32, #tpu.memory_space<vmem>>
        %dma_wait3A_247 = arith.constant 0 : i32
        %dma_wait3A_248 = arith.constant 0 : i32
        %dma_wait3A_249 = tpu.memref_slice %arg2[%dma_wait3A_247, %dma_wait3A_248] : memref<10000x128xbf16, #tpu.memory_space<hbm>> -> memref<10000x128xbf16, #tpu.memory_space<hbm>>
        tpu.wait_indirect_dma semaphore(%run_scoped3A_229 : memref<!tpu.dma_semaphore, #tpu.memory_space<semaphore_mem>>) src(%dma_wait3A_249 : memref<10000x128xbf16, #tpu.memory_space<hbm>>) dst(%dma_wait3A_243 : memref<512x128xbf16, #tpu.memory_space<vmem>>)
        tpu.yield
      }) : () -> ()
      %run_scoped3A_227 = arith.constant 0 : i32
      %run_scoped3A_228 = arith.constant 19 : i32
      "tpu.region"() ({
        %run_scoped3A_229 = tpu.sem_alloc : memref<!tpu.dma_semaphore, #tpu.memory_space<semaphore_mem>>
        %dma_start3A_230 = arith.constant 0 : i32
        %dma_start3A_231 = arith.constant 0 : i32
        %dma_start3A_232 = tpu.memref_slice %arg7[%run_scoped3A_227, %dma_start3A_230, %dma_start3A_231] : memref<2x512x128xbf16, #tpu.memory_space<vmem>> -> memref<1x512x128xbf16, #tpu.memory_space<vmem>>
        %dma_start3A_233 = tpu.memref_squeeze %dma_start3A_232 : memref<1x512x128xbf16, #tpu.memory_space<vmem>> -> memref<512x128xbf16, #tpu.memory_space<vmem>>
        %dma_start3A_234 = arith.constant 0 : i32
        %dma_start3A_235 = tpu.memref_slice %arg6[%run_scoped3A_228, %dma_start3A_234] : memref<20x512xi32, #tpu.memory_space<vmem>> -> memref<1x512xi32, #tpu.memory_space<vmem>>
        %dma_start3A_236 = tpu.memref_squeeze %dma_start3A_235 : memref<1x512xi32, #tpu.memory_space<vmem>> -> memref<512xi32, #tpu.memory_space<vmem>>
        %dma_start3A_237 = arith.constant 0 : i32
        %dma_start3A_238 = arith.constant 0 : i32
        %dma_start3A_239 = tpu.memref_slice %arg8[%dma_start3A_237, %dma_start3A_238] : memref<10000x128xbf16, #tpu.memory_space<vmem_shared>> -> memref<10000x128xbf16, #tpu.memory_space<vmem_shared>>
        tpu.enqueue_indirect_dma source(%dma_start3A_233 : memref<512x128xbf16, #tpu.memory_space<vmem>>) target(%dma_start3A_239 : memref<10000x128xbf16, #tpu.memory_space<vmem_shared>>) offsets(%dma_start3A_236 : memref<512xi32, #tpu.memory_space<vmem>>) semaphore(%run_scoped3A_229 : memref<!tpu.dma_semaphore, #tpu.memory_space<semaphore_mem>>) {add = true}
        %dma_wait3A_240 = arith.constant 0 : i32
        %dma_wait3A_241 = arith.constant 0 : i32
        %dma_wait3A_242 = tpu.memref_slice %arg7[%run_scoped3A_227, %dma_wait3A_240, %dma_wait3A_241] : memref<2x512x128xbf16, #tpu.memory_space<vmem>> -> memref<1x512x128xbf16, #tpu.memory_space<vmem>>
        %dma_wait3A_243 = tpu.memref_squeeze %dma_wait3A_242 : memref<1x512x128xbf16, #tpu.memory_space<vmem>> -> memref<512x128xbf16, #tpu.memory_space<vmem>>
        %dma_wait3A_244 = arith.constant 0 : i32
        %dma_wait3A_245 = tpu.memref_slice %arg6[%run_scoped3A_228, %dma_wait3A_244] : memref<20x512xi32, #tpu.memory_space<vmem>> -> memref<1x512xi32, #tpu.memory_space<vmem>>
        %dma_wait3A_246 = tpu.memref_squeeze %dma_wait3A_245 : memref<1x512xi32, #tpu.memory_space<vmem>> -> memref<512xi32, #tpu.memory_space<vmem>>
        %dma_wait3A_247 = arith.constant 0 : i32
        %dma_wait3A_248 = arith.constant 0 : i32
        %dma_wait3A_249 = tpu.memref_slice %arg8[%dma_wait3A_247, %dma_wait3A_248] : memref<10000x128xbf16, #tpu.memory_space<vmem_shared>> -> memref<10000x128xbf16, #tpu.memory_space<vmem_shared>>
        tpu.wait_indirect_dma semaphore(%run_scoped3A_229 : memref<!tpu.dma_semaphore, #tpu.memory_space<semaphore_mem>>) src(%dma_wait3A_243 : memref<512x128xbf16, #tpu.memory_space<vmem>>) dst(%dma_wait3A_249 : memref<10000x128xbf16, #tpu.memory_space<vmem_shared>>)
        tpu.yield
      }) : () -> ()
    } else {
    }
    %barrier3A_152 = arith.constant 0 : index
    tpu.barrier barrier_id(%barrier3A_152)
    %mul3A_153 = arith.constant 8 : i32
    %mul3A_154 = arith.muli %arg1, %mul3A_153 : i32
    %add3A_155 = arith.constant 0 : i32
    %add3A_156 = arith.addi %mul3A_154, %add3A_155 : i32
    %lt3A_157 = arith.constant 125 : i32
    %lt3A_158 = arith.cmpi slt, %add3A_156, %lt3A_157 : i32
    %convert_element_type3A_159 = arith.extui %lt3A_158 : i1 to i32
    %cond3A_160 = arith.constant 0 : i32
    %cond3A_161 = arith.cmpi ne, %convert_element_type3A_159, %cond3A_160 : i32
    scf.if %cond3A_161 {
      %mul3A_225 = arith.constant 80 : i32
      %mul3A_226 = arith.muli %add3A_156, %mul3A_225 : i32
      %mul3A_227 = arith.constant 80 : i32
      %mul3A_228 = arith.muli %add3A_156, %mul3A_227 : i32
      %mul3A_229 = arith.constant 128 : i32
      %mul3A_230 = arith.muli %arg0, %mul3A_229 : i32
      "tpu.region"() ({
        %run_scoped3A_231 = tpu.sem_alloc : memref<!tpu.dma_semaphore, #tpu.memory_space<semaphore_mem>>
        %dma_start3A_232 = tpu.memref_slice %arg4[%mul3A_228, %mul3A_230] : memref<10000x256xbf16, #tpu.memory_space<hbm>> -> memref<80x128xbf16, #tpu.memory_space<hbm>>
        %dma_start3A_233 = arith.constant 0 : i32
        %dma_start3A_234 = tpu.memref_slice %arg8[%mul3A_226, %dma_start3A_233] : memref<10000x128xbf16, #tpu.memory_space<vmem_shared>> -> memref<80x128xbf16, #tpu.memory_space<vmem_shared>>
        tpu.enqueue_dma source(%dma_start3A_234 : memref<80x128xbf16, #tpu.memory_space<vmem_shared>>) target(%dma_start3A_232 : memref<80x128xbf16, #tpu.memory_space<hbm>>) target_semaphore(%run_scoped3A_231 : memref<!tpu.dma_semaphore, #tpu.memory_space<semaphore_mem>>)
        %dma_wait3A_235 = tpu.memref_slice %arg4[%mul3A_228, %mul3A_230] : memref<10000x256xbf16, #tpu.memory_space<hbm>> -> memref<80x128xbf16, #tpu.memory_space<hbm>>
        %dma_wait3A_236 = arith.constant 0 : i32
        %dma_wait3A_237 = tpu.memref_slice %arg8[%mul3A_226, %dma_wait3A_236] : memref<10000x128xbf16, #tpu.memory_space<vmem_shared>> -> memref<80x128xbf16, #tpu.memory_space<vmem_shared>>
        tpu.wait_dma2 semaphore(%run_scoped3A_231 : memref<!tpu.dma_semaphore, #tpu.memory_space<semaphore_mem>>) src(%dma_wait3A_237 : memref<80x128xbf16, #tpu.memory_space<vmem_shared>>) dst(%dma_wait3A_235 : memref<80x128xbf16, #tpu.memory_space<hbm>>)
        tpu.yield
      }) : () -> ()
    } else {
    }
    %mul3A_162 = arith.constant 8 : i32
    %mul3A_163 = arith.muli %arg1, %mul3A_162 : i32
    %add3A_164 = arith.constant 1 : i32
    %add3A_165 = arith.addi %mul3A_163, %add3A_164 : i32
    %lt3A_166 = arith.constant 125 : i32
    %lt3A_167 = arith.cmpi slt, %add3A_165, %lt3A_166 : i32
    %convert_element_type3A_168 = arith.extui %lt3A_167 : i1 to i32
    %cond3A_169 = arith.constant 0 : i32
    %cond3A_170 = arith.cmpi ne, %convert_element_type3A_168, %cond3A_169 : i32
    scf.if %cond3A_170 {
      %mul3A_225 = arith.constant 80 : i32
      %mul3A_226 = arith.muli %add3A_165, %mul3A_225 : i32
      %mul3A_227 = arith.constant 80 : i32
      %mul3A_228 = arith.muli %add3A_165, %mul3A_227 : i32
      %mul3A_229 = arith.constant 128 : i32
      %mul3A_230 = arith.muli %arg0, %mul3A_229 : i32
      "tpu.region"() ({
        %run_scoped3A_231 = tpu.sem_alloc : memref<!tpu.dma_semaphore, #tpu.memory_space<semaphore_mem>>
        %dma_start3A_232 = tpu.memref_slice %arg4[%mul3A_228, %mul3A_230] : memref<10000x256xbf16, #tpu.memory_space<hbm>> -> memref<80x128xbf16, #tpu.memory_space<hbm>>
        %dma_start3A_233 = arith.constant 0 : i32
        %dma_start3A_234 = tpu.memref_slice %arg8[%mul3A_226, %dma_start3A_233] : memref<10000x128xbf16, #tpu.memory_space<vmem_shared>> -> memref<80x128xbf16, #tpu.memory_space<vmem_shared>>
        tpu.enqueue_dma source(%dma_start3A_234 : memref<80x128xbf16, #tpu.memory_space<vmem_shared>>) target(%dma_start3A_232 : memref<80x128xbf16, #tpu.memory_space<hbm>>) target_semaphore(%run_scoped3A_231 : memref<!tpu.dma_semaphore, #tpu.memory_space<semaphore_mem>>)
        %dma_wait3A_235 = tpu.memref_slice %arg4[%mul3A_228, %mul3A_230] : memref<10000x256xbf16, #tpu.memory_space<hbm>> -> memref<80x128xbf16, #tpu.memory_space<hbm>>
        %dma_wait3A_236 = arith.constant 0 : i32
        %dma_wait3A_237 = tpu.memref_slice %arg8[%mul3A_226, %dma_wait3A_236] : memref<10000x128xbf16, #tpu.memory_space<vmem_shared>> -> memref<80x128xbf16, #tpu.memory_space<vmem_shared>>
        tpu.wait_dma2 semaphore(%run_scoped3A_231 : memref<!tpu.dma_semaphore, #tpu.memory_space<semaphore_mem>>) src(%dma_wait3A_237 : memref<80x128xbf16, #tpu.memory_space<vmem_shared>>) dst(%dma_wait3A_235 : memref<80x128xbf16, #tpu.memory_space<hbm>>)
        tpu.yield
      }) : () -> ()
    } else {
    }
    %mul3A_171 = arith.constant 8 : i32
    %mul3A_172 = arith.muli %arg1, %mul3A_171 : i32
    %add3A_173 = arith.constant 2 : i32
    %add3A_174 = arith.addi %mul3A_172, %add3A_173 : i32
    %lt3A_175 = arith.constant 125 : i32
    %lt3A_176 = arith.cmpi slt, %add3A_174, %lt3A_175 : i32
    %convert_element_type3A_177 = arith.extui %lt3A_176 : i1 to i32
    %cond3A_178 = arith.constant 0 : i32
    %cond3A_179 = arith.cmpi ne, %convert_element_type3A_177, %cond3A_178 : i32
    scf.if %cond3A_179 {
      %mul3A_225 = arith.constant 80 : i32
      %mul3A_226 = arith.muli %add3A_174, %mul3A_225 : i32
      %mul3A_227 = arith.constant 80 : i32
      %mul3A_228 = arith.muli %add3A_174, %mul3A_227 : i32
      %mul3A_229 = arith.constant 128 : i32
      %mul3A_230 = arith.muli %arg0, %mul3A_229 : i32
      "tpu.region"() ({
        %run_scoped3A_231 = tpu.sem_alloc : memref<!tpu.dma_semaphore, #tpu.memory_space<semaphore_mem>>
        %dma_start3A_232 = tpu.memref_slice %arg4[%mul3A_228, %mul3A_230] : memref<10000x256xbf16, #tpu.memory_space<hbm>> -> memref<80x128xbf16, #tpu.memory_space<hbm>>
        %dma_start3A_233 = arith.constant 0 : i32
        %dma_start3A_234 = tpu.memref_slice %arg8[%mul3A_226, %dma_start3A_233] : memref<10000x128xbf16, #tpu.memory_space<vmem_shared>> -> memref<80x128xbf16, #tpu.memory_space<vmem_shared>>
        tpu.enqueue_dma source(%dma_start3A_234 : memref<80x128xbf16, #tpu.memory_space<vmem_shared>>) target(%dma_start3A_232 : memref<80x128xbf16, #tpu.memory_space<hbm>>) target_semaphore(%run_scoped3A_231 : memref<!tpu.dma_semaphore, #tpu.memory_space<semaphore_mem>>)
        %dma_wait3A_235 = tpu.memref_slice %arg4[%mul3A_228, %mul3A_230] : memref<10000x256xbf16, #tpu.memory_space<hbm>> -> memref<80x128xbf16, #tpu.memory_space<hbm>>
        %dma_wait3A_236 = arith.constant 0 : i32
        %dma_wait3A_237 = tpu.memref_slice %arg8[%mul3A_226, %dma_wait3A_236] : memref<10000x128xbf16, #tpu.memory_space<vmem_shared>> -> memref<80x128xbf16, #tpu.memory_space<vmem_shared>>
        tpu.wait_dma2 semaphore(%run_scoped3A_231 : memref<!tpu.dma_semaphore, #tpu.memory_space<semaphore_mem>>) src(%dma_wait3A_237 : memref<80x128xbf16, #tpu.memory_space<vmem_shared>>) dst(%dma_wait3A_235 : memref<80x128xbf16, #tpu.memory_space<hbm>>)
        tpu.yield
      }) : () -> ()
    } else {
    }
    %mul3A_180 = arith.constant 8 : i32
    %mul3A_181 = arith.muli %arg1, %mul3A_180 : i32
    %add3A_182 = arith.constant 3 : i32
    %add3A_183 = arith.addi %mul3A_181, %add3A_182 : i32
    %lt3A_184 = arith.constant 125 : i32
    %lt3A_185 = arith.cmpi slt, %add3A_183, %lt3A_184 : i32
    %convert_element_type3A_186 = arith.extui %lt3A_185 : i1 to i32
    %cond3A_187 = arith.constant 0 : i32
    %cond3A_188 = arith.cmpi ne, %convert_element_type3A_186, %cond3A_187 : i32
    scf.if %cond3A_188 {
      %mul3A_225 = arith.constant 80 : i32
      %mul3A_226 = arith.muli %add3A_183, %mul3A_225 : i32
      %mul3A_227 = arith.constant 80 : i32
      %mul3A_228 = arith.muli %add3A_183, %mul3A_227 : i32
      %mul3A_229 = arith.constant 128 : i32
      %mul3A_230 = arith.muli %arg0, %mul3A_229 : i32
      "tpu.region"() ({
        %run_scoped3A_231 = tpu.sem_alloc : memref<!tpu.dma_semaphore, #tpu.memory_space<semaphore_mem>>
        %dma_start3A_232 = tpu.memref_slice %arg4[%mul3A_228, %mul3A_230] : memref<10000x256xbf16, #tpu.memory_space<hbm>> -> memref<80x128xbf16, #tpu.memory_space<hbm>>
        %dma_start3A_233 = arith.constant 0 : i32
        %dma_start3A_234 = tpu.memref_slice %arg8[%mul3A_226, %dma_start3A_233] : memref<10000x128xbf16, #tpu.memory_space<vmem_shared>> -> memref<80x128xbf16, #tpu.memory_space<vmem_shared>>
        tpu.enqueue_dma source(%dma_start3A_234 : memref<80x128xbf16, #tpu.memory_space<vmem_shared>>) target(%dma_start3A_232 : memref<80x128xbf16, #tpu.memory_space<hbm>>) target_semaphore(%run_scoped3A_231 : memref<!tpu.dma_semaphore, #tpu.memory_space<semaphore_mem>>)
        %dma_wait3A_235 = tpu.memref_slice %arg4[%mul3A_228, %mul3A_230] : memref<10000x256xbf16, #tpu.memory_space<hbm>> -> memref<80x128xbf16, #tpu.memory_space<hbm>>
        %dma_wait3A_236 = arith.constant 0 : i32
        %dma_wait3A_237 = tpu.memref_slice %arg8[%mul3A_226, %dma_wait3A_236] : memref<10000x128xbf16, #tpu.memory_space<vmem_shared>> -> memref<80x128xbf16, #tpu.memory_space<vmem_shared>>
        tpu.wait_dma2 semaphore(%run_scoped3A_231 : memref<!tpu.dma_semaphore, #tpu.memory_space<semaphore_mem>>) src(%dma_wait3A_237 : memref<80x128xbf16, #tpu.memory_space<vmem_shared>>) dst(%dma_wait3A_235 : memref<80x128xbf16, #tpu.memory_space<hbm>>)
        tpu.yield
      }) : () -> ()
    } else {
    }
    %mul3A_189 = arith.constant 8 : i32
    %mul3A_190 = arith.muli %arg1, %mul3A_189 : i32
    %add3A_191 = arith.constant 4 : i32
    %add3A_192 = arith.addi %mul3A_190, %add3A_191 : i32
    %lt3A_193 = arith.constant 125 : i32
    %lt3A_194 = arith.cmpi slt, %add3A_192, %lt3A_193 : i32
    %convert_element_type3A_195 = arith.extui %lt3A_194 : i1 to i32
    %cond3A_196 = arith.constant 0 : i32
    %cond3A_197 = arith.cmpi ne, %convert_element_type3A_195, %cond3A_196 : i32
    scf.if %cond3A_197 {
      %mul3A_225 = arith.constant 80 : i32
      %mul3A_226 = arith.muli %add3A_192, %mul3A_225 : i32
      %mul3A_227 = arith.constant 80 : i32
      %mul3A_228 = arith.muli %add3A_192, %mul3A_227 : i32
      %mul3A_229 = arith.constant 128 : i32
      %mul3A_230 = arith.muli %arg0, %mul3A_229 : i32
      "tpu.region"() ({
        %run_scoped3A_231 = tpu.sem_alloc : memref<!tpu.dma_semaphore, #tpu.memory_space<semaphore_mem>>
        %dma_start3A_232 = tpu.memref_slice %arg4[%mul3A_228, %mul3A_230] : memref<10000x256xbf16, #tpu.memory_space<hbm>> -> memref<80x128xbf16, #tpu.memory_space<hbm>>
        %dma_start3A_233 = arith.constant 0 : i32
        %dma_start3A_234 = tpu.memref_slice %arg8[%mul3A_226, %dma_start3A_233] : memref<10000x128xbf16, #tpu.memory_space<vmem_shared>> -> memref<80x128xbf16, #tpu.memory_space<vmem_shared>>
        tpu.enqueue_dma source(%dma_start3A_234 : memref<80x128xbf16, #tpu.memory_space<vmem_shared>>) target(%dma_start3A_232 : memref<80x128xbf16, #tpu.memory_space<hbm>>) target_semaphore(%run_scoped3A_231 : memref<!tpu.dma_semaphore, #tpu.memory_space<semaphore_mem>>)
        %dma_wait3A_235 = tpu.memref_slice %arg4[%mul3A_228, %mul3A_230] : memref<10000x256xbf16, #tpu.memory_space<hbm>> -> memref<80x128xbf16, #tpu.memory_space<hbm>>
        %dma_wait3A_236 = arith.constant 0 : i32
        %dma_wait3A_237 = tpu.memref_slice %arg8[%mul3A_226, %dma_wait3A_236] : memref<10000x128xbf16, #tpu.memory_space<vmem_shared>> -> memref<80x128xbf16, #tpu.memory_space<vmem_shared>>
        tpu.wait_dma2 semaphore(%run_scoped3A_231 : memref<!tpu.dma_semaphore, #tpu.memory_space<semaphore_mem>>) src(%dma_wait3A_237 : memref<80x128xbf16, #tpu.memory_space<vmem_shared>>) dst(%dma_wait3A_235 : memref<80x128xbf16, #tpu.memory_space<hbm>>)
        tpu.yield
      }) : () -> ()
    } else {
    }
    %mul3A_198 = arith.constant 8 : i32
    %mul3A_199 = arith.muli %arg1, %mul3A_198 : i32
    %add3A_200 = arith.constant 5 : i32
    %add3A_201 = arith.addi %mul3A_199, %add3A_200 : i32
    %lt3A_202 = arith.constant 125 : i32
    %lt3A_203 = arith.cmpi slt, %add3A_201, %lt3A_202 : i32
    %convert_element_type3A_204 = arith.extui %lt3A_203 : i1 to i32
    %cond3A_205 = arith.constant 0 : i32
    %cond3A_206 = arith.cmpi ne, %convert_element_type3A_204, %cond3A_205 : i32
    scf.if %cond3A_206 {
      %mul3A_225 = arith.constant 80 : i32
      %mul3A_226 = arith.muli %add3A_201, %mul3A_225 : i32
      %mul3A_227 = arith.constant 80 : i32
      %mul3A_228 = arith.muli %add3A_201, %mul3A_227 : i32
      %mul3A_229 = arith.constant 128 : i32
      %mul3A_230 = arith.muli %arg0, %mul3A_229 : i32
      "tpu.region"() ({
        %run_scoped3A_231 = tpu.sem_alloc : memref<!tpu.dma_semaphore, #tpu.memory_space<semaphore_mem>>
        %dma_start3A_232 = tpu.memref_slice %arg4[%mul3A_228, %mul3A_230] : memref<10000x256xbf16, #tpu.memory_space<hbm>> -> memref<80x128xbf16, #tpu.memory_space<hbm>>
        %dma_start3A_233 = arith.constant 0 : i32
        %dma_start3A_234 = tpu.memref_slice %arg8[%mul3A_226, %dma_start3A_233] : memref<10000x128xbf16, #tpu.memory_space<vmem_shared>> -> memref<80x128xbf16, #tpu.memory_space<vmem_shared>>
        tpu.enqueue_dma source(%dma_start3A_234 : memref<80x128xbf16, #tpu.memory_space<vmem_shared>>) target(%dma_start3A_232 : memref<80x128xbf16, #tpu.memory_space<hbm>>) target_semaphore(%run_scoped3A_231 : memref<!tpu.dma_semaphore, #tpu.memory_space<semaphore_mem>>)
        %dma_wait3A_235 = tpu.memref_slice %arg4[%mul3A_228, %mul3A_230] : memref<10000x256xbf16, #tpu.memory_space<hbm>> -> memref<80x128xbf16, #tpu.memory_space<hbm>>
        %dma_wait3A_236 = arith.constant 0 : i32
        %dma_wait3A_237 = tpu.memref_slice %arg8[%mul3A_226, %dma_wait3A_236] : memref<10000x128xbf16, #tpu.memory_space<vmem_shared>> -> memref<80x128xbf16, #tpu.memory_space<vmem_shared>>
        tpu.wait_dma2 semaphore(%run_scoped3A_231 : memref<!tpu.dma_semaphore, #tpu.memory_space<semaphore_mem>>) src(%dma_wait3A_237 : memref<80x128xbf16, #tpu.memory_space<vmem_shared>>) dst(%dma_wait3A_235 : memref<80x128xbf16, #tpu.memory_space<hbm>>)
        tpu.yield
      }) : () -> ()
    } else {
    }
    %mul3A_207 = arith.constant 8 : i32
    %mul3A_208 = arith.muli %arg1, %mul3A_207 : i32
    %add3A_209 = arith.constant 6 : i32
    %add3A_210 = arith.addi %mul3A_208, %add3A_209 : i32
    %lt3A_211 = arith.constant 125 : i32
    %lt3A_212 = arith.cmpi slt, %add3A_210, %lt3A_211 : i32
    %convert_element_type3A_213 = arith.extui %lt3A_212 : i1 to i32
    %cond3A_214 = arith.constant 0 : i32
    %cond3A_215 = arith.cmpi ne, %convert_element_type3A_213, %cond3A_214 : i32
    scf.if %cond3A_215 {
      %mul3A_225 = arith.constant 80 : i32
      %mul3A_226 = arith.muli %add3A_210, %mul3A_225 : i32
      %mul3A_227 = arith.constant 80 : i32
      %mul3A_228 = arith.muli %add3A_210, %mul3A_227 : i32
      %mul3A_229 = arith.constant 128 : i32
      %mul3A_230 = arith.muli %arg0, %mul3A_229 : i32
      "tpu.region"() ({
        %run_scoped3A_231 = tpu.sem_alloc : memref<!tpu.dma_semaphore, #tpu.memory_space<semaphore_mem>>
        %dma_start3A_232 = tpu.memref_slice %arg4[%mul3A_228, %mul3A_230] : memref<10000x256xbf16, #tpu.memory_space<hbm>> -> memref<80x128xbf16, #tpu.memory_space<hbm>>
        %dma_start3A_233 = arith.constant 0 : i32
        %dma_start3A_234 = tpu.memref_slice %arg8[%mul3A_226, %dma_start3A_233] : memref<10000x128xbf16, #tpu.memory_space<vmem_shared>> -> memref<80x128xbf16, #tpu.memory_space<vmem_shared>>
        tpu.enqueue_dma source(%dma_start3A_234 : memref<80x128xbf16, #tpu.memory_space<vmem_shared>>) target(%dma_start3A_232 : memref<80x128xbf16, #tpu.memory_space<hbm>>) target_semaphore(%run_scoped3A_231 : memref<!tpu.dma_semaphore, #tpu.memory_space<semaphore_mem>>)
        %dma_wait3A_235 = tpu.memref_slice %arg4[%mul3A_228, %mul3A_230] : memref<10000x256xbf16, #tpu.memory_space<hbm>> -> memref<80x128xbf16, #tpu.memory_space<hbm>>
        %dma_wait3A_236 = arith.constant 0 : i32
        %dma_wait3A_237 = tpu.memref_slice %arg8[%mul3A_226, %dma_wait3A_236] : memref<10000x128xbf16, #tpu.memory_space<vmem_shared>> -> memref<80x128xbf16, #tpu.memory_space<vmem_shared>>
        tpu.wait_dma2 semaphore(%run_scoped3A_231 : memref<!tpu.dma_semaphore, #tpu.memory_space<semaphore_mem>>) src(%dma_wait3A_237 : memref<80x128xbf16, #tpu.memory_space<vmem_shared>>) dst(%dma_wait3A_235 : memref<80x128xbf16, #tpu.memory_space<hbm>>)
        tpu.yield
      }) : () -> ()
    } else {
    }
    %mul3A_216 = arith.constant 8 : i32
    %mul3A_217 = arith.muli %arg1, %mul3A_216 : i32
    %add3A_218 = arith.constant 7 : i32
    %add3A_219 = arith.addi %mul3A_217, %add3A_218 : i32
    %lt3A_220 = arith.constant 125 : i32
    %lt3A_221 = arith.cmpi slt, %add3A_219, %lt3A_220 : i32
    %convert_element_type3A_222 = arith.extui %lt3A_221 : i1 to i32
    %cond3A_223 = arith.constant 0 : i32
    %cond3A_224 = arith.cmpi ne, %convert_element_type3A_222, %cond3A_223 : i32
    scf.if %cond3A_224 {
      %mul3A_225 = arith.constant 80 : i32
      %mul3A_226 = arith.muli %add3A_219, %mul3A_225 : i32
      %mul3A_227 = arith.constant 80 : i32
      %mul3A_228 = arith.muli %add3A_219, %mul3A_227 : i32
      %mul3A_229 = arith.constant 128 : i32
      %mul3A_230 = arith.muli %arg0, %mul3A_229 : i32
      "tpu.region"() ({
        %run_scoped3A_231 = tpu.sem_alloc : memref<!tpu.dma_semaphore, #tpu.memory_space<semaphore_mem>>
        %dma_start3A_232 = tpu.memref_slice %arg4[%mul3A_228, %mul3A_230] : memref<10000x256xbf16, #tpu.memory_space<hbm>> -> memref<80x128xbf16, #tpu.memory_space<hbm>>
        %dma_start3A_233 = arith.constant 0 : i32
        %dma_start3A_234 = tpu.memref_slice %arg8[%mul3A_226, %dma_start3A_233] : memref<10000x128xbf16, #tpu.memory_space<vmem_shared>> -> memref<80x128xbf16, #tpu.memory_space<vmem_shared>>
        tpu.enqueue_dma source(%dma_start3A_234 : memref<80x128xbf16, #tpu.memory_space<vmem_shared>>) target(%dma_start3A_232 : memref<80x128xbf16, #tpu.memory_space<hbm>>) target_semaphore(%run_scoped3A_231 : memref<!tpu.dma_semaphore, #tpu.memory_space<semaphore_mem>>)
        %dma_wait3A_235 = tpu.memref_slice %arg4[%mul3A_228, %mul3A_230] : memref<10000x256xbf16, #tpu.memory_space<hbm>> -> memref<80x128xbf16, #tpu.memory_space<hbm>>
        %dma_wait3A_236 = arith.constant 0 : i32
        %dma_wait3A_237 = tpu.memref_slice %arg8[%mul3A_226, %dma_wait3A_236] : memref<10000x128xbf16, #tpu.memory_space<vmem_shared>> -> memref<80x128xbf16, #tpu.memory_space<vmem_shared>>
        tpu.wait_dma2 semaphore(%run_scoped3A_231 : memref<!tpu.dma_semaphore, #tpu.memory_space<semaphore_mem>>) src(%dma_wait3A_237 : memref<80x128xbf16, #tpu.memory_space<vmem_shared>>) dst(%dma_wait3A_235 : memref<80x128xbf16, #tpu.memory_space<hbm>>)
        tpu.yield
      }) : () -> ()
    } else {
    }
    return
  }
}

module attributes {stable_mosaic.version = 14 : i64} {
  func.func @_dense_body(%arg0: i32, %arg1: memref<1000x128xf32, #tpu.memory_space<vmem>>, %arg2: memref<128x128xf32, #tpu.memory_space<vmem>>, %arg3: memref<2x1000x1xf32, #tpu.memory_space<vmem>>, %arg4: memref<1000x128xbf16, #tpu.memory_space<vmem>>) attributes {dimension_semantics = [#tpu.dimension_semantics<arbitrary>], iteration_bounds = array<i64: 10>, scalar_prefetch = 0 : i64, scratch_operands = 0 : i64, tpu.core_type = #tpu.core_type<tc>, window_params = [{transform_indices = @transform_0, window_bounds = array<i64: 1000, 128>}, {pipeline_mode = #tpu.pipeline_mode<synchronous>, transform_indices = @transform_1, window_bounds = array<i64: 128, 128>}, {transform_indices = @transform_2, window_bounds = array<i64: 2, 1000, 1>}, {transform_indices = @transform_3, window_bounds = array<i64: 1000, 128>}]} {
    %get3A = arith.constant 0 : index
    %get3A_0 = arith.constant 0 : index
    %get3A_1 = arith.constant 0 : index
    %get3A_2 = vector.load %arg3[%get3A, %get3A_0, %get3A_1] : memref<2x1000x1xf32, #tpu.memory_space<vmem>>, vector<1x1000x1xf32>
    %get3A_3 = vector.shape_cast %get3A_2 : vector<1x1000x1xf32> to vector<1000x1xf32>
    %add3A = arith.constant 1.000000e+00 : f32
    %add3A_4 = vector.broadcast %add3A : f32 to vector<1000x1xf32>
    %add3A_5 = arith.addf %add3A_4, %get3A_3 : vector<1000x1xf32>
    %get3A_6 = arith.constant 1 : index
    %get3A_7 = arith.constant 0 : index
    %get3A_8 = arith.constant 0 : index
    %get3A_9 = vector.load %arg3[%get3A_6, %get3A_7, %get3A_8] : memref<2x1000x1xf32, #tpu.memory_space<vmem>>, vector<1x1000x1xf32>
    %get3A_10 = vector.shape_cast %get3A_9 : vector<1x1000x1xf32> to vector<1000x1xf32>
    %add3A_11 = arith.addf %add3A_5, %get3A_10 : vector<1000x1xf32>
    %rsqrt3A = math.rsqrt %add3A_11 : vector<1000x1xf32>
    %get3A_12 = arith.constant 0 : index
    %get3A_13 = arith.constant 0 : index
    %get3A_14 = vector.load %arg1[%get3A_12, %get3A_13] : memref<1000x128xf32, #tpu.memory_space<vmem>>, vector<1000x128xf32>
    %get3A_15 = arith.constant 0 : index
    %get3A_16 = arith.constant 0 : index
    %get3A_17 = vector.load %arg2[%get3A_15, %get3A_16] : memref<128x128xf32, #tpu.memory_space<vmem>>, vector<128x128xf32>
    %dot_general3A = arith.constant dense<0.000000e+00> : vector<1000x128xf32>
    %dot_general3A_18 = tpu.matmul %get3A_14, %get3A_17, %dot_general3A {dimension_numbers = #tpu.dot_dimension_numbers<[1], [0], [0], [1], [0, 0, 1, 1], [], []>, transpose_lhs_hint = false} : vector<1000x128xf32>, vector<128x128xf32>, vector<1000x128xf32> -> vector<1000x128xf32>
    %mul3A = vector.broadcast %rsqrt3A : vector<1000x1xf32> to vector<1000x128xf32>
    %mul3A_19 = arith.mulf %dot_general3A_18, %mul3A : vector<1000x128xf32>
    %convert_element_type3A = arith.truncf %mul3A_19 : vector<1000x128xf32> to vector<1000x128xbf16>
    %swap3A = arith.constant 0 : index
    %swap3A_20 = arith.constant 0 : index
    %swap3A_21 = vector.load %arg4[%swap3A, %swap3A_20] : memref<1000x128xbf16, #tpu.memory_space<vmem>>, vector<1000x128xbf16>
    tpu.vector_store %arg4[%swap3A, %swap3A_20], %convert_element_type3A {strides = array<i32>} : memref<1000x128xbf16, #tpu.memory_space<vmem>>, vector<1000x128xbf16>,
    return
  }
  func.func @transform_0(%arg0: i32) -> (i32, i32) {
    %c0_i32 = arith.constant 0 : i32
    %c0_i32_0 = arith.constant 0 : i32
    return %arg0, %c0_i32 : i32, i32
  }
  func.func @transform_1(%arg0: i32) -> (i32, i32) {
    %c0_i32 = arith.constant 0 : i32
    %c0_i32_0 = arith.constant 0 : i32
    %c0_i32_1 = arith.constant 0 : i32
    return %c0_i32, %c0_i32_0 : i32, i32
  }
  func.func @transform_2(%arg0: i32) -> (i32, i32, i32) {
    %c0_i32 = arith.constant 0 : i32
    %c0_i32_0 = arith.constant 0 : i32
    %c0_i32_1 = arith.constant 0 : i32
    return %c0_i32, %arg0, %c0_i32_0 : i32, i32, i32
  }
  func.func @transform_3(%arg0: i32) -> (i32, i32) {
    %c0_i32 = arith.constant 0 : i32
    %c0_i32_0 = arith.constant 0 : i32
    return %arg0, %c0_i32 : i32, i32
  }
}

module attributes {stable_mosaic.version = 14 : i64} {
  func.func @_combine_body(%arg0: i32, %arg1: memref<1000x256xbf16, #tpu.memory_space<vmem>>, %arg2: memref<1000x128xbf16, #tpu.memory_space<vmem>>, %arg3: memref<2x1000x1xf32, #tpu.memory_space<vmem>>, %arg4: memref<128xf32, #tpu.memory_space<vmem>>, %arg5: memref<1000x128xf32, #tpu.memory_space<vmem>>) attributes {dimension_semantics = [#tpu.dimension_semantics<arbitrary>], iteration_bounds = array<i64: 10>, scalar_prefetch = 0 : i64, scratch_operands = 0 : i64, tpu.core_type = #tpu.core_type<tc>, window_params = [{transform_indices = @transform_0, window_bounds = array<i64: 1000, 256>}, {transform_indices = @transform_1, window_bounds = array<i64: 1000, 128>}, {transform_indices = @transform_2, window_bounds = array<i64: 2, 1000, 1>}, {pipeline_mode = #tpu.pipeline_mode<synchronous>, transform_indices = @transform_3, window_bounds = array<i64: 128>}, {transform_indices = @transform_4, window_bounds = array<i64: 1000, 128>}]} {
    %get3A = arith.constant 0 : index
    %get3A_0 = arith.constant 0 : index
    %get3A_1 = arith.constant 0 : index
    %get3A_2 = vector.load %arg3[%get3A, %get3A_0, %get3A_1] : memref<2x1000x1xf32, #tpu.memory_space<vmem>>, vector<1x1000x1xf32>
    %get3A_3 = vector.shape_cast %get3A_2 : vector<1x1000x1xf32> to vector<1000x1xf32>
    %add3A = arith.constant 1.000000e+00 : f32
    %add3A_4 = vector.broadcast %add3A : f32 to vector<1000x1xf32>
    %add3A_5 = arith.addf %add3A_4, %get3A_3 : vector<1000x1xf32>
    %get3A_6 = arith.constant 1 : index
    %get3A_7 = arith.constant 0 : index
    %get3A_8 = arith.constant 0 : index
    %get3A_9 = vector.load %arg3[%get3A_6, %get3A_7, %get3A_8] : memref<2x1000x1xf32, #tpu.memory_space<vmem>>, vector<1x1000x1xf32>
    %get3A_10 = vector.shape_cast %get3A_9 : vector<1x1000x1xf32> to vector<1000x1xf32>
    %add3A_11 = arith.addf %add3A_5, %get3A_10 : vector<1000x1xf32>
    %rsqrt3A = math.rsqrt %add3A_11 : vector<1000x1xf32>
    %get3A_12 = arith.constant 0 : index
    %get3A_13 = arith.constant 0 : index
    %get3A_14 = vector.load %arg1[%get3A_12, %get3A_13] : memref<1000x256xbf16, #tpu.memory_space<vmem>>, vector<1000x128xbf16>
    %convert_element_type3A = arith.extf %get3A_14 : vector<1000x128xbf16> to vector<1000x128xf32>
    %get3A_15 = arith.constant 0 : index
    %get3A_16 = arith.constant 128 : index
    %get3A_17 = vector.load %arg1[%get3A_15, %get3A_16] : memref<1000x256xbf16, #tpu.memory_space<vmem>>, vector<1000x128xbf16>
    %convert_element_type3A_18 = arith.extf %get3A_17 : vector<1000x128xbf16> to vector<1000x128xf32>
    %add3A_19 = arith.addf %convert_element_type3A, %convert_element_type3A_18 : vector<1000x128xf32>
    %get3A_20 = arith.constant 0 : index
    %get3A_21 = arith.constant 0 : index
    %get3A_22 = vector.load %arg2[%get3A_20, %get3A_21] : memref<1000x128xbf16, #tpu.memory_space<vmem>>, vector<1000x128xbf16>
    %convert_element_type3A_23 = arith.extf %get3A_22 : vector<1000x128xbf16> to vector<1000x128xf32>
    %add3A_24 = arith.addf %add3A_19, %convert_element_type3A_23 : vector<1000x128xf32>
    %mul3A = vector.broadcast %rsqrt3A : vector<1000x1xf32> to vector<1000x128xf32>
    %mul3A_25 = arith.mulf %mul3A, %add3A_24 : vector<1000x128xf32>
    %get3A_26 = arith.constant 0 : index
    %get3A_27 = vector.load %arg4[%get3A_26] : memref<128xf32, #tpu.memory_space<vmem>>, vector<128xf32>
    %broadcast_in_dim3A = vector.shape_cast %get3A_27 : vector<128xf32> to vector<1x128xf32>
    %add3A_28 = vector.broadcast %broadcast_in_dim3A : vector<1x128xf32> to vector<1000x128xf32>
    %add3A_29 = arith.addf %mul3A_25, %add3A_28 : vector<1000x128xf32>
    %swap3A = arith.constant 0 : index
    %swap3A_30 = arith.constant 0 : index
    %swap3A_31 = vector.load %arg5[%swap3A, %swap3A_30] : memref<1000x128xf32, #tpu.memory_space<vmem>>, vector<1000x128xf32>
    tpu.vector_store %arg5[%swap3A, %swap3A_30], %add3A_29 {strides = array<i32>} : memref<1000x128xf32, #tpu.memory_space<vmem>>, vector<1000x128xf32>,
    return
  }
  func.func @transform_0(%arg0: i32) -> (i32, i32) {
    %c0_i32 = arith.constant 0 : i32
    %c0_i32_0 = arith.constant 0 : i32
    return %arg0, %c0_i32 : i32, i32
  }
  func.func @transform_1(%arg0: i32) -> (i32, i32) {
    %c0_i32 = arith.constant 0 : i32
    %c0_i32_0 = arith.constant 0 : i32
    return %arg0, %c0_i32 : i32, i32
  }
  func.func @transform_2(%arg0: i32) -> (i32, i32, i32) {
    %c0_i32 = arith.constant 0 : i32
    %c0_i32_0 = arith.constant 0 : i32
    %c0_i32_1 = arith.constant 0 : i32
    return %c0_i32, %arg0, %c0_i32_0 : i32, i32, i32
  }
  func.func @transform_3(%arg0: i32) -> i32 {
    %c0_i32 = arith.constant 0 : i32
    %c0_i32_0 = arith.constant 0 : i32
    return %c0_i32 : i32
  }
  func.func @transform_4(%arg0: i32) -> (i32, i32) {
    %c0_i32 = arith.constant 0 : i32
    %c0_i32_0 = arith.constant 0 : i32
    return %arg0, %c0_i32 : i32, i32
  }
}

</mosaic_0001>

<sc_bundles>
// kernel: kernel.6.cloned.1.call-start
scs
__scs_entry_jumppad:
0x0: {  	(pc) =	sbr.rel $0x88, $3  }
0x1: {  	(tag) =	ssettag $0x0;
	lr =	simm.s32 $0x1  }
0x2: {  	[smem:$0x3F9D] =	sst lr;
	_ =	strace $0xD0000000  }
0x3: {  	_ = 	snop  }
0x4: {  	_ = 	snop  }
0x5: {  	_ = 	snop  }
0x6: {  	_ = 	snop  }
0x7: {  	_ = 	snop  }
__scs_overlays_trampoline_lowered:
0x8: {  	[smem:$0x3FAC] =	sst s0  }
0x9: {  	[smem:$0x3FAD] =	sst s1  }
0xa: {  	[smem:$0x3FAE] =	sst s2  }
0xb: {  	[smem:$0x3FAF] =	sst s3  }
0xc: {  	[smem:$0x3FB0] =	sst s4  }
0xd: {  	[smem:$0x3FB1] =	sst s5  }
0xe: {  	[smem:$0x3FB2] =	sst s6  }
0xf: {  	[smem:$0x3FB3] =	sst s7  }
0x10: {  	[smem:$0x3FB4] =	sst s8  }
0x11: {  	[smem:$0x3FB5] =	sst s9;
	s0 =	simm.s32 @!p0 $0x0  }
0x12: {  	s1 =	sld [smem:$0x3F9B];
	s0 =	simm.s32 @p0 $0x1  }
0x13: {  	[smem:$0x3FB6] =	sst s0;
	s0 =	simm.s32 @!p1 $0x0  }
0x14: {  	s2 =	sld [smem:$0x3F9A];
	s0 =	simm.s32 @p1 $0x1  }
0x15: {  	[smem:$0x3FB7] =	sst s0;
	s0 =	simm.s32 @!p2 $0x0  }
0x16: {  	s3 =	sld [smem:$0x3FDB];
	s0 =	simm.s32 @p2 $0x1  }
0x17: {  	s4 =	simm.s32 $0x1BF5;
	[smem:$0x3FB9] =	sst s0  }
0x18: {  	s0 =	sld [smem:$0x3F9C];
	_ =	swait.ge [sflag:s4], $0x0  }
0x19: {  	s7 =	sld [smem:$0x3F9D]  }
0x1a: {  	s8 =	sadd.s32 $0xFFFFE003, lr  }
0x1b: {  	s9 =	sadd.s32 $0xFFFFFEF7, lr;
	s5 =	simm.s32 $0xFFFFFFFF;
	p2 =	slt.u32 s8, $0xFFFFF086  }
0x1c: {  	p1 =	slt.u32 s9, $0xF7A;
	s5 =	simm.s32 @!p2 $0x0  }
0x1d: {  	s5 =	simm.s32 @p1 $0x1;
	p0 =	seq.s32 s7, s2  }
0x1e: {  	s7 =	smul.u32 @!p0 $0xF7A, s2;
	p2 =	seq.s32 @!p0 s5, $0x0  }
0x1f: {  	s9 =	smul.u32 $0xF7A, s1;
	s8 =	simm.s32 @!p0 $0x1BF5;
	p2 =	por !p2, p0  }
0x20: {  	[sflag:s8] =	ssyncset.s32 @!p0 $0xFFFFF086;
	s6 =	sadd.s32 @!p0 s3, s7;
	s7 =	simm.s32 @!p0 $0x108  }
0x21: {  	s3 =	sadd.s32 s3, s9;
	s6 =	sadd.s32 @!p0 $0x88, s6;
	s7 =	simm.s32 @p2 $0x1082  }
0x22: {  	[simem:s7], [sflag:s8] =	dma.local @!p0 [hbm:s6], $0xF7A  }
0x23: {  	s9 =	sor.u32 $0xD0000000, s2;
	s6 =	simm.s32 $0x108;
	_ =	swait.ge @!p0 [sflag:s8], $0x0  }
0x24: {  	s3 =	sadd.s32 $0x88, s3;
	s6 =	simm.s32 @!p1 $0x1082;
	[sflag:s4] =	ssyncset.s32 $0xFFFFF086  }
0x25: {  	[simem:s6], [sflag:s4] =	dma.local [hbm:s3], $0xF7A  }
0x26: {  	[smem:$0x3F9D] =	sst s1;
	(tag) =	ssettag s2;
	_ =	strace s9  }
0x27: {  	s1 =	sld [smem:$0x3FAD]  }
0x28: {  	s2 =	sld [smem:$0x3FAE]  }
0x29: {  	s4 =	sld [smem:$0x3FB0]  }
0x2a: {  	p0 =	seq.s32 s5, $0x0;
	s5 =	sld [smem:$0x3FB1]  }
0x2b: {  	s6 =	sld [smem:$0x3FB2]  }
0x2c: {  	s7 =	sld [smem:$0x3FB3]  }
0x2d: {  	s3 =	simm.s32 $0x108;
	s8 =	sld [smem:$0x3FB4]  }
0x2e: {  	s3 =	simm.s32 @!p0 $0x1082;
	s9 =	sld [smem:$0x3FB5]  }
0x2f: {  	lr =	sadd.s32 s0, s3;
	s0 =	sld [smem:$0x3FAC]  }
0x30: {  	s3 =	sld [smem:$0x3FAF]  }
0x31: {  	[smem:$0x3FB8] =	sst s10  }
0x32: {  	s10 =	sld [smem:$0x3FB6];
	_ =	sdelay $0x3  }
0x33: {  	p0 =	seq.s32 s10, $0x1;
	s10 =	sld [smem:$0x3FB8];
	_ =	sdelay $0x3  }
0x34: {  	[smem:$0x3FB8] =	sst s10  }
0x35: {  	s10 =	sld [smem:$0x3FB7];
	_ =	sdelay $0x3  }
0x36: {  	p1 =	seq.s32 s10, $0x1;
	s10 =	sld [smem:$0x3FB8];
	_ =	sdelay $0x3  }
0x37: {  	[smem:$0x3FB8] =	sst s10  }
0x38: {  	s10 =	sld [smem:$0x3FB9]  }
0x39: {  	_ = 	snop;
	(pc) =	sbr.ind lr, $3  }
0x3a: {  	_ = 	snop  }
0x3b: {  	_ = 	snop  }
0x3c: {  	p2 =	seq.s32 s10, $0x1;
	s10 =	sld [smem:$0x3FB8]  }
0x3d: {  	_ =	shalt  }
0x3e: {  	_ =	shalt  }
0x3f: {  	_ =	shalt  }
0x40: {  	_ =	shalt  }
0x41: {  	_ =	shalt  }
0x42: {  	_ =	shalt  }
0x43: {  	_ =	shalt  }
0x44: {  	_ =	shalt  }
0x45: {  	_ =	shalt  }
0x46: {  	_ =	shalt  }
0x47: {  	_ =	shalt  }
0x48: {  	_ =	shalt  }
0x49: {  	_ =	shalt  }
0x4a: {  	_ =	shalt  }
0x4b: {  	_ =	shalt  }
0x4c: {  	_ =	shalt  }
0x4d: {  	_ =	shalt  }
0x4e: {  	_ =	shalt  }
0x4f: {  	_ =	shalt  }
0x50: {  	_ =	shalt  }
0x51: {  	_ =	shalt  }
0x52: {  	_ =	shalt  }
0x53: {  	_ =	shalt  }
0x54: {  	_ =	shalt  }
0x55: {  	_ =	shalt  }
0x56: {  	_ =	shalt  }
0x57: {  	_ =	shalt  }
0x58: {  	_ =	shalt  }
0x59: {  	_ =	shalt  }
0x5a: {  	_ =	shalt  }
0x5b: {  	_ =	shalt  }
0x5c: {  	_ =	shalt  }
0x5d: {  	_ =	shalt  }
0x5e: {  	_ =	shalt  }
0x5f: {  	_ =	shalt  }
0x60: {  	_ =	shalt  }
0x61: {  	_ =	shalt  }
0x62: {  	_ =	shalt  }
0x63: {  	_ =	shalt  }
0x64: {  	_ =	shalt  }
0x65: {  	_ =	shalt  }
0x66: {  	_ =	shalt  }
0x67: {  	_ =	shalt  }
0x68: {  	_ =	shalt  }
0x69: {  	_ =	shalt  }
0x6a: {  	_ =	shalt  }
0x6b: {  	_ =	shalt  }
0x6c: {  	_ =	shalt  }
0x6d: {  	_ =	shalt  }
0x6e: {  	_ =	shalt  }
0x6f: {  	_ =	shalt  }
0x70: {  	_ =	shalt  }
0x71: {  	_ =	shalt  }
0x72: {  	_ =	shalt  }
0x73: {  	_ =	shalt  }
0x74: {  	_ =	shalt  }
0x75: {  	_ =	shalt  }
0x76: {  	_ =	shalt  }
0x77: {  	_ =	shalt  }
0x78: {  	_ =	shalt  }
0x79: {  	_ =	shalt  }
0x7a: {  	_ =	shalt  }
0x7b: {  	_ =	shalt  }
0x7c: {  	_ =	shalt  }
0x7d: {  	_ =	shalt  }
0x7e: {  	_ =	shalt  }
0x7f: {  	_ =	shalt  }
0x80: {  	_ =	shalt  }
0x81: {  	_ =	shalt  }
0x82: {  	_ =	shalt  }
0x83: {  	_ =	shalt  }
0x84: {  	_ =	shalt  }
0x85: {  	_ =	shalt  }
0x86: {  	_ =	shalt  }
0x87: {  	_ =	shalt  }
.Lfunc_end0:
.L_simem_size_0:
called_computation_lowered:
.L_overlay_start_0:
0x88: {  	s2 =	sld [smem:$0x3FD9]  }
0x89: {  	s3 =	sld [smem:$0x3FFE];
	_ =	sdelay $0x1  }
0x8a: {  	s1 =	srdreg.scid  }
0x8b: {  	s0 =	sand.u32 $0x1, s1  }
0x8c: {  	s17 =	sshll.u32 s0, $0xA;
	s2 =	sadd.s32 s3, s2  }
0x8d: {  	s2 =	sadd.s32 s2, s17  }
0x8e: {  	[smem:$0x3FC4] =	sst s2  }
0x8f: {  	_ = 	snop  }
0x90: {  	s2 =	sld [smem:$0x3FD0];
	(tm) =	ssettm $0x1  }
0x91: {  	s18 =	sld [smem:$0x3FFB];
	_ =	sdelay $0x3  }
0x92: {  	_ =	strace s18  }
0x93: {  	s3 =	sld [smem:$0x3FFC];
	_ =	sdelay $0x3  }
0x94: {  	_ =	strace s3  }
0x95: {  	s3 =	sld [smem:$0x3FFD];
	_ =	sdelay $0x3  }
0x96: {  	_ =	strace s3  }
0x97: {  	_ =	strace $0x8FFFFFFF  }
0x98: {  	s19 =	sld [smem:$0x3FDB];
	_ =	sdelay $0x1  }
0x99: {  	s4 =	simm.s32 $_scs_section_size  }
0x9a: {  	s5 =	simm.s32 $_size__tile_overlayer_lowered;
	s6 =	simm.s32 $_tile_overlayer_lowered  }
0x9b: {  	s22 =	simm.s32 $0x1BFF;
	s21 =	sshll.u32 s6, $0x1;
	s3 =	sadd.s32 s4, s19  }
0x9c: {  	s7 =	simm.s32 $0x0;
	s20 =	sshll.u32 s5, $0x1;
	s5 =	sadd.s32 s21, s3  }
0x9d: {  	[timem:s7], [sflag:s22] =	dma.local [hbm:s5], s20  }
0x9e: {  	_ =	swait.ge [sflag:s22], s20  }
0x9f: {  	s4 =	ssub.s32 $0x0, s20;
	[sflag:s22] =	ssyncset.done $0x0  }
0xa0: {  	[sflag:s22] =	ssyncadd.s32 s4;
	_ =	sdelay $0x1  }
0xa1: {  	s23 =	simm.s32 $0x1B8B  }
0xa2: {  	_ =	swait.ge [sflag:s23], $0x1  }
0xa3: {  	[sflag:s23] =	ssyncset.done $0x0  }
0xa4: {  	s25 =	simm.s32 $0x1B8E;
	s24 =	sld [smem:$0x3FFE];
	[sflag:s23] =	ssyncadd.s32 $0xFFFFFFFF  }
0xa5: {  	s26 =	simm.s32 $execute0_lowered;
	[smem:$0x3FD2] =	sst s25  }
0xa6: {  	s5 =	sshll.u32 s26, $0x1;
	_ =	strace $0x80000046;
	[dreg:$0x1] =	wrdreg $0xFFFFFFFF  }
0xa7: {  	s28 =	simm.s32 $_size_execute0_lowered;
	s3 =	sadd.s32 s3, s5;
	[dreg:$0x0] =	wrdreg $0x0  }
0xa8: {  	s5 =	sshll.u32 s28, $0x1;
	[dreg:$0x2] =	wrdreg s3  }
0xa9: {  	[dreg:$0x3] =	wrdreg s5  }
0xaa: {  	[dreg:$0x4] =	wrdreg $0xC0  }
0xab: {  	_ =	task [dreg:s7], $0x5FFFF  }
0xac: {  	[dreg:$0x1] =	wrdreg $0xFFFFFFFF  }
0xad: {  	[dreg:$0x0] =	wrdreg $0x60  }
0xae: {  	[dreg:$0x2] =	wrdreg s24  }
0xaf: {  	[dreg:$0x3] =	wrdreg s2  }
0xb0: {  	[dreg:$0x4] =	wrdreg $0x2E000  }
0xb1: {  	[dreg:$0x5] =	wrdreg $0x9  }
0xb2: {  	_ =	task.clear_ibuf [dreg:s7], $0x6FFFF;
	_ =	strace $0x90000046  }
0xb3: {  	s29 =	simm.s32 $0x9;
	_ =	strace $0x80000048  }
0xb4: {  	_ =	swait.ge [sflag:s29], $0x1  }
0xb5: {  	[sflag:s29] =	ssyncadd.s32 $0xFFFFFFFF  }
0xb6: {  	_ =	strace $0x90000048  }
0xb7: {  	_ =	sfence  }
0xb8: {  	s30 =	sld [smem:$0x0];
	_ =	sdelay $0x2  }
0xb9: {  	s31 =	sshll.u32 s1, $0xD;
	s1 =	sshrl.u32 s1, $0x2  }
0xba: {  	s3 =	sand.u32 $0x4000, s31;
	s1 =	sadd.s32 s1, s30  }
0xbb: {  	s0 =	sor.u32 s3, s0;
	s1 =	sshll.u32 s1, $0x11  }
0xbc: {  	s0 =	sor.u32 s1, s0  }
0xbd: {  	s0 =	sadd.s32 $0x8F2B, s0  }
0xbe: {  	[sflag:s0] =	ssyncadd.remote.s32 $0x1  }
0xbf: {  	_ =	sfence.sel $0xFFFF  }
0xc0: {  	[dreg:$0x0] =	wrdreg $0xFFFFFFFF;
	(pc) =	sbr.abs _section_cstart, $3  }
0xc1: {  	[dreg:$0x1] =	wrdreg $0xFFFFFFFF  }
0xc2: {  	_ =	task.clear_ibuf [dreg:s7], $0x2FFFF;
	_ =	strace $0x9FFFFFFF  }
0xc3: {  	(tm) =	ssettm $0x7FFFFFFF  }
tec
execute0_lowered:
.L_overlay_start_1:
0x0: {  	(tag) =	ssettag $0x1  }
0x1: {  	s0 =	rddreg [dreg:$0x0]  }
0x2: {  	s1 =	rddreg [dreg:$0x1]  }
0x3: {  	s2 =	rddreg [dreg:$0x2]  }
0x4: {  	s4 =	srdreg.scid;
	s12 =	stileid.u32  }
0x5: {  	s3 =	simm.s32 $0x0;
	s15 =	simm.s32 $0xA00;
	s16 =	simm.s32 $0xC00  }
0x6: {  	s17 =	simm.s32 $0xE00;
	s18 =	simm.s32 $0x1000;
	s19 =	simm.s32 $0x1200  }
0x7: {  	s20 =	simm.s32 $0x1400;
	s28 =	simm.s32 $0x2000;
	s29 =	simm.s32 $0x2200  }
0x8: {  	s30 =	simm.s32 $0x2400;
	s31 =	simm.s32 $0x0;
	s4 =	sand.u32 $0x1, s4  }
0x9: {  	s5 =	sshll.u32 s12, $0x1;
	[smem:$0x7FF] =	sst s3;
	s21 =	smul.u32 $0xFA0, s12  }
0xa: {  	s0 =	sadd.s32 $0x1400, s0;
	s11 =	smul.u32 $0x3E8, s12;
	p0 =	sgt.u32 s12, $0x9  }
0xb: {  	s9 =	sor.u32 s4, s5;
	s6 =	ssub.s32 $0x2, s4;
	s10 =	smul.u32 $0x2710, s4  }
0xc: {  	_ =	strace $0x80000047;
	s7 =	smul.u32 $0x2600, s9;
	s8 =	sshrl.u32 s6, $0x1  }
0xd: {  	s22 =	sshrl.u32 s21, $0x2;
	s24 =	sshll.u32 s9, $0x6;
	p1 =	sgt.u32 s9, $0x10  }
0xe: {  	s9 =	simm.s32 $0x1;
	s21 =	simm.s32 $0x1600;
	s8 =	ssub.s32 s6, s8  }
0xf: {  	s4 =	sadd.s32 s22, s2;
	s25 =	sadd.s32 s11, s10;
	s10 =	simm.s32 $0x200  }
0x10: {  	s22 =	simm.s32 $0x1800;
	s23 =	sshrl.u32 s7, $0x3;
	s26 =	sshrl.u32 s25, $0x3  }
0x11: {  	s8 =	smax.u32 s8, $0x1;
	s5 =	sadd.s32 s0, s23;
	s0 =	sadd.s32 s24, s0  }
0x12: {  	s7 =	sadd.s32 s1, s26;
	s23 =	simm.s32 $0x1A00;
	s24 =	simm.s32 $0x1C00  }
0x13: {  	s26 =	simm.s32 $0x1E00;
	s6 =	sadd.s32 $0x13440, s0;
	s0 =	sadd.s32 s11, s2  }
0x14: {  	v0 =	vimm.f32 $0.0e+00;
	v1 =	vimm.f32 $1.000000000e+00;
	s5 =	sadd.s32 $0x9C40, s5;
	s11 =	simm.s32 $0x2800;
	s25 =	sshrl.u32 @!p0 s0, $0x3  }
.LBB2_1:
0x15: {  	s0 =	simm.s32 $0x40;
	s1 =	simm.s32 $0x0  }
.LBB2_2:
0x16: {  	p2 =	sne.s32 s0, $0xFC0;
	[tilespmem:s1+$0x2A00] =	vst v0;
	s1 =	smov.u32 s0;
	s0 =	sadd.s32 $0x40, s0  }
.Ltmp0:
0x17: {  	(pc) =	sbr.rel @p2 .LBB2_2-.Ltmp0, $2  }
0x18: {  	_ =	sdelay $0x2  }
0x19: {  	s1 =	sshra.s32 s1, $0x2  }
0x1a: {  	[tilespmem:s1+$0x2A00] =	vst v0  }
0x1b: {  	[tilespmem:$0x2800] =	vst v1  }
0x1c: {  	[tilespmem:$0x2810] =	vst v1  }
0x1d: {  	[tilespmem:$0x2820] =	vst v1  }
0x1e: {  	[tilespmem:$0x2830] =	vst v1  }
0x1f: {  	[tilespmem:$0x2840] =	vst v1  }
0x20: {  	[tilespmem:$0x2850] =	vst v1  }
0x21: {  	[tilespmem:$0x2860] =	vst v1  }
0x22: {  	[tilespmem:$0x2870] =	vst v1  }
0x23: {  	[tilespmem:$0x2880] =	vst v1  }
0x24: {  	[tilespmem:$0x2890] =	vst v1  }
0x25: {  	[tilespmem:$0x28A0] =	vst v1  }
0x26: {  	[tilespmem:$0x28B0] =	vst v1  }
0x27: {  	[tilespmem:$0x28C0] =	vst v1  }
0x28: {  	[tilespmem:$0x28D0] =	vst v1  }
0x29: {  	[tilespmem:$0x28E0] =	vst v1  }
0x2a: {  	[tilespmem:$0x28F0] =	vst v1  }
0x2b: {  	[tilespmem:$0x2900] =	vst v1  }
0x2c: {  	[tilespmem:$0x2910] =	vst v1  }
0x2d: {  	[tilespmem:$0x2920] =	vst v1  }
0x2e: {  	[tilespmem:$0x2930] =	vst v1  }
0x2f: {  	[tilespmem:$0x2940] =	vst v1  }
0x30: {  	[tilespmem:$0x2950] =	vst v1  }
0x31: {  	[tilespmem:$0x2960] =	vst v1  }
0x32: {  	[tilespmem:$0x2970] =	vst v1  }
0x33: {  	[tilespmem:$0x2980] =	vst v1  }
0x34: {  	[tilespmem:$0x2990] =	vst v1  }
0x35: {  	[tilespmem:$0x29A0] =	vst v1  }
0x36: {  	[tilespmem:$0x29B0] =	vst v1  }
0x37: {  	[tilespmem:$0x29C0] =	vst v1  }
0x38: {  	[tilespmem:$0x29D0] =	vst v1  }
0x39: {  	[tilespmem:$0x29E0] =	vst v1  }
0x3a: {  	s0 =	simm.s32 @!p0 $0x2A00;
	[tilespmem:$0x29F0] =	vst v1  }
0x3b: {  	[spmem:s4] =	stream.linear.scatter @!p0 [tilespmem:s0], [sflag:$0x1], $0x3E8, $0x38;
	[tilespmem:$0x3078] =	vst v63  }
0x3c: {  	s0 =	simm.s32 @!p0 $0x1  }
0x3d: {  	_ =	swait.ge @!p0 [sflag:s0], $0x3E8  }
0x3e: {  	[sflag:s0] =	ssyncset.done @!p0 $0x0  }
0x3f: {  	[sflag:s0] =	ssyncadd.s32 @!p0 $0xFFFFFC18  }
0x40: {  	[bflag:$0x0] =	sbarrier.arrive $0xFFFF  }
0x41: {  	[tilespmem:s3], [sflag:$0x1] =	stream.linear.gather [hbm4b:s5+s3], $0x2600, $0x38;
	[tilespmem:$0x3078] =	vst v63  }
0x42: {  	_ =	swait.ge [sflag:s9], $0x2600  }
0x43: {  	[sflag:s9] =	ssyncset.done $0x0  }
0x44: {  	s1 =	simm.s32 @!p1 $0x0;
	s12 =	simm.s32 @!p1 $0x2600;
	[sflag:s9] =	ssyncadd.s32 $0xFFFFDA00  }
0x45: {  	[tilespmem:s12], [sflag:$0x1] =	stream.linear.gather @!p1 [hbm4b:s6+s1], $0x200, $0x38;
	[tilespmem:$0x3078] =	vst v63  }
0x46: {  	s1 =	simm.s32 @!p1 $0x1  }
0x47: {  	_ =	swait.ge @!p1 [sflag:s1], $0x200  }
0x48: {  	[sflag:s1] =	ssyncset.done @!p1 $0x0  }
0x49: {  	[sflag:s1] =	ssyncadd.s32 @!p1 $0xFFFFFE00  }
0x4a: {  	[spmem:s2] =	stream.indirect.scatter.add.f32 [tilespmem:s11], [sflag:$0x1], $0x1, s3, s10, $0xb8;
	[tilespmem:$0x3078] =	vst v63  }
0x4b: {  	_ =	swait.ge [sflag:s9], $0x200  }
0x4c: {  	[sflag:s9] =	ssyncset.done $0x0  }
0x4d: {  	[sflag:s9] =	ssyncadd.s32 $0xFFFFFE00  }
0x4e: {  	[spmem:s2] =	stream.indirect.scatter.add.f32 [tilespmem:s11], [sflag:$0x1], $0x1, s10, s10, $0xb8;
	[tilespmem:$0x3078] =	vst v63  }
0x4f: {  	_ =	swait.ge [sflag:s9], $0x200  }
0x50: {  	[sflag:s9] =	ssyncset.done $0x0  }
0x51: {  	s13 =	simm.s32 $0x400;
	[sflag:s9] =	ssyncadd.s32 $0xFFFFFE00  }
0x52: {  	[spmem:s2] =	stream.indirect.scatter.add.f32 [tilespmem:s11], [sflag:$0x1], $0x1, s13, s10, $0xb8;
	[tilespmem:$0x3078] =	vst v63  }
0x53: {  	_ =	swait.ge [sflag:s9], $0x200  }
0x54: {  	[sflag:s9] =	ssyncset.done $0x0  }
0x55: {  	s14 =	simm.s32 $0x600;
	[sflag:s9] =	ssyncadd.s32 $0xFFFFFE00  }
0x56: {  	[spmem:s2] =	stream.indirect.scatter.add.f32 [tilespmem:s11], [sflag:$0x1], $0x1, s14, s10, $0xb8;
	[tilespmem:$0x3078] =	vst v63  }
0x57: {  	_ =	swait.ge [sflag:s9], $0x200  }
0x58: {  	[sflag:s9] =	ssyncset.done $0x0  }
0x59: {  	s14 =	simm.s32 $0x800;
	[sflag:s9] =	ssyncadd.s32 $0xFFFFFE00  }
0x5a: {  	[spmem:s2] =	stream.indirect.scatter.add.f32 [tilespmem:s11], [sflag:$0x1], $0x1, s14, s10, $0xb8;
	[tilespmem:$0x3078] =	vst v63  }
0x5b: {  	_ =	swait.ge [sflag:s9], $0x200  }
0x5c: {  	[sflag:s9] =	ssyncset.done $0x0  }
0x5d: {  	[sflag:s9] =	ssyncadd.s32 $0xFFFFFE00  }
0x5e: {  	[spmem:s2] =	stream.indirect.scatter.add.f32 [tilespmem:s11], [sflag:$0x1], $0x1, s15, s10, $0xb8;
	[tilespmem:$0x3078] =	vst v63  }
0x5f: {  	_ =	swait.ge [sflag:s9], $0x200  }
0x60: {  	[sflag:s9] =	ssyncset.done $0x0  }
0x61: {  	[sflag:s9] =	ssyncadd.s32 $0xFFFFFE00  }
0x62: {  	[spmem:s2] =	stream.indirect.scatter.add.f32 [tilespmem:s11], [sflag:$0x1], $0x1, s16, s10, $0xb8;
	[tilespmem:$0x3078] =	vst v63  }
0x63: {  	_ =	swait.ge [sflag:s9], $0x200  }
0x64: {  	[sflag:s9] =	ssyncset.done $0x0  }
0x65: {  	[sflag:s9] =	ssyncadd.s32 $0xFFFFFE00  }
0x66: {  	[spmem:s2] =	stream.indirect.scatter.add.f32 [tilespmem:s11], [sflag:$0x1], $0x1, s17, s10, $0xb8;
	[tilespmem:$0x3078] =	vst v63  }
0x67: {  	_ =	swait.ge [sflag:s9], $0x200  }
0x68: {  	[sflag:s9] =	ssyncset.done $0x0  }
0x69: {  	[sflag:s9] =	ssyncadd.s32 $0xFFFFFE00  }
0x6a: {  	[spmem:s2] =	stream.indirect.scatter.add.f32 [tilespmem:s11], [sflag:$0x1], $0x1, s18, s10, $0xb8;
	[tilespmem:$0x3078] =	vst v63  }
0x6b: {  	_ =	swait.ge [sflag:s9], $0x200  }
0x6c: {  	[sflag:s9] =	ssyncset.done $0x0  }
0x6d: {  	[sflag:s9] =	ssyncadd.s32 $0xFFFFFE00  }
0x6e: {  	[spmem:s2] =	stream.indirect.scatter.add.f32 [tilespmem:s11], [sflag:$0x1], $0x1, s19, s10, $0xb8;
	[tilespmem:$0x3078] =	vst v63  }
0x6f: {  	_ =	swait.ge [sflag:s9], $0x200  }
0x70: {  	[sflag:s9] =	ssyncset.done $0x0  }
0x71: {  	[sflag:s9] =	ssyncadd.s32 $0xFFFFFE00  }
0x72: {  	[spmem:s2] =	stream.indirect.scatter.add.f32 [tilespmem:s11], [sflag:$0x1], $0x1, s20, s10, $0xb8;
	[tilespmem:$0x3078] =	vst v63  }
0x73: {  	_ =	swait.ge [sflag:s9], $0x200  }
0x74: {  	[sflag:s9] =	ssyncset.done $0x0  }
0x75: {  	[sflag:s9] =	ssyncadd.s32 $0xFFFFFE00  }
0x76: {  	[spmem:s2] =	stream.indirect.scatter.add.f32 [tilespmem:s11], [sflag:$0x1], $0x1, s21, s10, $0xb8;
	[tilespmem:$0x3078] =	vst v63  }
0x77: {  	_ =	swait.ge [sflag:s9], $0x200  }
0x78: {  	[sflag:s9] =	ssyncset.done $0x0  }
0x79: {  	[sflag:s9] =	ssyncadd.s32 $0xFFFFFE00  }
0x7a: {  	[spmem:s2] =	stream.indirect.scatter.add.f32 [tilespmem:s11], [sflag:$0x1], $0x1, s22, s10, $0xb8;
	[tilespmem:$0x3078] =	vst v63  }
0x7b: {  	_ =	swait.ge [sflag:s9], $0x200  }
0x7c: {  	[sflag:s9] =	ssyncset.done $0x0  }
0x7d: {  	[sflag:s9] =	ssyncadd.s32 $0xFFFFFE00  }
0x7e: {  	[spmem:s2] =	stream.indirect.scatter.add.f32 [tilespmem:s11], [sflag:$0x1], $0x1, s23, s10, $0xb8;
	[tilespmem:$0x3078] =	vst v63  }
0x7f: {  	_ =	swait.ge [sflag:s9], $0x200  }
0x80: {  	[sflag:s9] =	ssyncset.done $0x0  }
0x81: {  	[sflag:s9] =	ssyncadd.s32 $0xFFFFFE00  }
0x82: {  	[spmem:s2] =	stream.indirect.scatter.add.f32 [tilespmem:s11], [sflag:$0x1], $0x1, s24, s10, $0xb8;
	[tilespmem:$0x3078] =	vst v63  }
0x83: {  	_ =	swait.ge [sflag:s9], $0x200  }
0x84: {  	[sflag:s9] =	ssyncset.done $0x0  }
0x85: {  	[sflag:s9] =	ssyncadd.s32 $0xFFFFFE00  }
0x86: {  	[spmem:s2] =	stream.indirect.scatter.add.f32 [tilespmem:s11], [sflag:$0x1], $0x1, s26, s10, $0xb8;
	[tilespmem:$0x3078] =	vst v63  }
0x87: {  	_ =	swait.ge [sflag:s9], $0x200  }
0x88: {  	[sflag:s9] =	ssyncset.done $0x0  }
0x89: {  	[sflag:s9] =	ssyncadd.s32 $0xFFFFFE00  }
0x8a: {  	[spmem:s2] =	stream.indirect.scatter.add.f32 [tilespmem:s11], [sflag:$0x1], $0x1, s28, s10, $0xb8;
	[tilespmem:$0x3078] =	vst v63  }
0x8b: {  	_ =	swait.ge [sflag:s9], $0x200  }
0x8c: {  	[sflag:s9] =	ssyncset.done $0x0  }
0x8d: {  	[sflag:s9] =	ssyncadd.s32 $0xFFFFFE00  }
0x8e: {  	[spmem:s2] =	stream.indirect.scatter.add.f32 [tilespmem:s11], [sflag:$0x1], $0x1, s29, s10, $0xb8;
	[tilespmem:$0x3078] =	vst v63  }
0x8f: {  	_ =	swait.ge [sflag:s9], $0x200  }
0x90: {  	[sflag:s9] =	ssyncset.done $0x0  }
0x91: {  	[sflag:s9] =	ssyncadd.s32 $0xFFFFFE00  }
0x92: {  	[spmem:s2] =	stream.indirect.scatter.add.f32 [tilespmem:s11], [sflag:$0x1], $0x1, s30, s10, $0xb8;
	[tilespmem:$0x3078] =	vst v63  }
0x93: {  	_ =	swait.ge [sflag:s9], $0x200  }
0x94: {  	[sflag:s9] =	ssyncset.done $0x0  }
0x95: {  	s13 =	simm.s32 @!p1 $0x200;
	s14 =	simm.s32 @!p1 $0x2800;
	[sflag:s9] =	ssyncadd.s32 $0xFFFFFE00  }
0x96: {  	[spmem:s2] =	stream.indirect.scatter.add.f32 @!p1 [tilespmem:s14], [sflag:$0x1], $0x1, s12, s13, $0xb8;
	[tilespmem:$0x3078] =	vst v63  }
0x97: {  	_ =	swait.ge @!p1 [sflag:s1], $0x200  }
0x98: {  	[sflag:s1] =	ssyncset.done @!p1 $0x0  }
0x99: {  	s31 =	sadd.s32 $0x1, s31;
	[sflag:s1] =	ssyncadd.s32 @!p1 $0xFFFFFE00;
	s1 =	stileid.u32  }
0x9a: {  	p2 =	sne.s32 s31, s8;
	s1 =	sshll.u32 @!p0 s1, $0x6  }
.Ltmp1:
0x9b: {  	[bflag:$0x0] =	sbarrier.arrive $0xFFFF;
	s1 =	sor.u32 @!p0 $0x1C01, s1;
	(pc) =	sbr.rel @p2 .LBB2_1-.Ltmp1, $4  }
0x9c: {  	[hbm:s7], [sflag:s1] =	dma.local @!p0 [spmem:s25], $0x7D  }
0x9d: {  	_ =	swait.ge @!p0 [sflag:s0], $0x7D  }
0x9e: {  	[sflag:s0] =	ssyncset.done @!p0 $0x0  }
0x9f: {  	[sflag:s0] =	ssyncadd.s32 @!p0 $0xFFFFFF83  }
0xa0: {  	_ =	sfence.sel $0x180000  }
0xa1: {  	[bflag:$0x0] =	sbarrier.arrive $0xFFFF  }
0xa2: {  	_ =	strace $0x90000047  }
0xa3: {  	s0 =	stileid.u32;
	[bflag:$0x2] =	sbarrier.arrive $0xFFFF  }
0xa4: {  	p0 =	sne.s32 s0, $0x0;
	s0 =	rddreg [dreg:$0x3]  }
0xa5: {  	s0 =	sadd.s32 @!p0 $0x100000, s0  }
0xa6: {  	[sflag:s0] =	ssyncadd.tile.s32 @!p0 $0x1;
	_ =	shalt  }
.Lfunc_end2:
_tile_overlayer_lowered:
.L_overlay_start_2:
0xa7: {  	(tag) =	ssettag $0x2  }
0xa8: {  	s0 =	rddreg [dreg:$0x0];
	s2 =	stileid.u32  }
0xa9: {  	s1 =	rddreg [dreg:$0x1];
	p0 =	sne.s32 s2, $0x0  }
0xaa: {  	s3 =	rddreg [dreg:$0x2];
	[bflag:$0x3] =	sbarrier.arrive $0xFFFF;
	s2 =	simm.s32 @!p0 $0x1C01  }
0xab: {  	[timem:s3], [sflag:s2] =	dma.local @!p0 [hbm:s0], s1  }
0xac: {  	s0 =	simm.s32 @!p0 $0x1  }
0xad: {  	_ =	swait.ge @!p0 [sflag:s0], s1  }
0xae: {  	s1 =	ssub.s32 @!p0 $0x0, s1;
	[sflag:s0] =	ssyncset.done @!p0 $0x0  }
0xaf: {  	[sflag:s0] =	ssyncadd.s32 @!p0 s1  }
0xb0: {  	[bflag:$0x3] =	sbarrier.arrive $0xFFFF  }
0xb1: {  	_ =	shalt  }

// kernel: kernel.9.cloned.1.call-start
scs
__scs_entry_jumppad:
0x0: {  	(pc) =	sbr.rel $0x88, $3  }
0x1: {  	(tag) =	ssettag $0x0;
	lr =	simm.s32 $0x1  }
0x2: {  	[smem:$0x3F9D] =	sst lr;
	_ =	strace $0xD0000000  }
0x3: {  	_ = 	snop  }
0x4: {  	_ = 	snop  }
0x5: {  	_ = 	snop  }
0x6: {  	_ = 	snop  }
0x7: {  	_ = 	snop  }
__scs_overlays_trampoline_lowered:
0x8: {  	[smem:$0x3FAC] =	sst s0  }
0x9: {  	[smem:$0x3FAD] =	sst s1  }
0xa: {  	[smem:$0x3FAE] =	sst s2  }
0xb: {  	[smem:$0x3FAF] =	sst s3  }
0xc: {  	[smem:$0x3FB0] =	sst s4  }
0xd: {  	[smem:$0x3FB1] =	sst s5  }
0xe: {  	[smem:$0x3FB2] =	sst s6  }
0xf: {  	[smem:$0x3FB3] =	sst s7  }
0x10: {  	[smem:$0x3FB4] =	sst s8  }
0x11: {  	[smem:$0x3FB5] =	sst s9;
	s0 =	simm.s32 @!p0 $0x0  }
0x12: {  	s1 =	sld [smem:$0x3F9B];
	s0 =	simm.s32 @p0 $0x1  }
0x13: {  	[smem:$0x3FB6] =	sst s0;
	s0 =	simm.s32 @!p1 $0x0  }
0x14: {  	s2 =	sld [smem:$0x3F9A];
	s0 =	simm.s32 @p1 $0x1  }
0x15: {  	[smem:$0x3FB7] =	sst s0;
	s0 =	simm.s32 @!p2 $0x0  }
0x16: {  	s3 =	sld [smem:$0x3FDB];
	s0 =	simm.s32 @p2 $0x1  }
0x17: {  	s4 =	simm.s32 $0x1BF5;
	[smem:$0x3FB9] =	sst s0  }
0x18: {  	s0 =	sld [smem:$0x3F9C];
	_ =	swait.ge [sflag:s4], $0x0  }
0x19: {  	s7 =	sld [smem:$0x3F9D]  }
0x1a: {  	s8 =	sadd.s32 $0xFFFFE003, lr  }
0x1b: {  	s9 =	sadd.s32 $0xFFFFFEF7, lr;
	s5 =	simm.s32 $0xFFFFFFFF;
	p2 =	slt.u32 s8, $0xFFFFF086  }
0x1c: {  	p1 =	slt.u32 s9, $0xF7A;
	s5 =	simm.s32 @!p2 $0x0  }
0x1d: {  	s5 =	simm.s32 @p1 $0x1;
	p0 =	seq.s32 s7, s2  }
0x1e: {  	s7 =	smul.u32 @!p0 $0xF7A, s2;
	p2 =	seq.s32 @!p0 s5, $0x0  }
0x1f: {  	s9 =	smul.u32 $0xF7A, s1;
	s8 =	simm.s32 @!p0 $0x1BF5;
	p2 =	por !p2, p0  }
0x20: {  	[sflag:s8] =	ssyncset.s32 @!p0 $0xFFFFF086;
	s6 =	sadd.s32 @!p0 s3, s7;
	s7 =	simm.s32 @!p0 $0x108  }
0x21: {  	s3 =	sadd.s32 s3, s9;
	s6 =	sadd.s32 @!p0 $0x88, s6;
	s7 =	simm.s32 @p2 $0x1082  }
0x22: {  	[simem:s7], [sflag:s8] =	dma.local @!p0 [hbm:s6], $0xF7A  }
0x23: {  	s9 =	sor.u32 $0xD0000000, s2;
	s6 =	simm.s32 $0x108;
	_ =	swait.ge @!p0 [sflag:s8], $0x0  }
0x24: {  	s3 =	sadd.s32 $0x88, s3;
	s6 =	simm.s32 @!p1 $0x1082;
	[sflag:s4] =	ssyncset.s32 $0xFFFFF086  }
0x25: {  	[simem:s6], [sflag:s4] =	dma.local [hbm:s3], $0xF7A  }
0x26: {  	[smem:$0x3F9D] =	sst s1;
	(tag) =	ssettag s2;
	_ =	strace s9  }
0x27: {  	s1 =	sld [smem:$0x3FAD]  }
0x28: {  	s2 =	sld [smem:$0x3FAE]  }
0x29: {  	s4 =	sld [smem:$0x3FB0]  }
0x2a: {  	p0 =	seq.s32 s5, $0x0;
	s5 =	sld [smem:$0x3FB1]  }
0x2b: {  	s6 =	sld [smem:$0x3FB2]  }
0x2c: {  	s7 =	sld [smem:$0x3FB3]  }
0x2d: {  	s3 =	simm.s32 $0x108;
	s8 =	sld [smem:$0x3FB4]  }
0x2e: {  	s3 =	simm.s32 @!p0 $0x1082;
	s9 =	sld [smem:$0x3FB5]  }
0x2f: {  	lr =	sadd.s32 s0, s3;
	s0 =	sld [smem:$0x3FAC]  }
0x30: {  	s3 =	sld [smem:$0x3FAF]  }
0x31: {  	[smem:$0x3FB8] =	sst s10  }
0x32: {  	s10 =	sld [smem:$0x3FB6];
	_ =	sdelay $0x3  }
0x33: {  	p0 =	seq.s32 s10, $0x1;
	s10 =	sld [smem:$0x3FB8];
	_ =	sdelay $0x3  }
0x34: {  	[smem:$0x3FB8] =	sst s10  }
0x35: {  	s10 =	sld [smem:$0x3FB7];
	_ =	sdelay $0x3  }
0x36: {  	p1 =	seq.s32 s10, $0x1;
	s10 =	sld [smem:$0x3FB8];
	_ =	sdelay $0x3  }
0x37: {  	[smem:$0x3FB8] =	sst s10  }
0x38: {  	s10 =	sld [smem:$0x3FB9]  }
0x39: {  	_ = 	snop;
	(pc) =	sbr.ind lr, $3  }
0x3a: {  	_ = 	snop  }
0x3b: {  	_ = 	snop  }
0x3c: {  	p2 =	seq.s32 s10, $0x1;
	s10 =	sld [smem:$0x3FB8]  }
0x3d: {  	_ =	shalt  }
0x3e: {  	_ =	shalt  }
0x3f: {  	_ =	shalt  }
0x40: {  	_ =	shalt  }
0x41: {  	_ =	shalt  }
0x42: {  	_ =	shalt  }
0x43: {  	_ =	shalt  }
0x44: {  	_ =	shalt  }
0x45: {  	_ =	shalt  }
0x46: {  	_ =	shalt  }
0x47: {  	_ =	shalt  }
0x48: {  	_ =	shalt  }
0x49: {  	_ =	shalt  }
0x4a: {  	_ =	shalt  }
0x4b: {  	_ =	shalt  }
0x4c: {  	_ =	shalt  }
0x4d: {  	_ =	shalt  }
0x4e: {  	_ =	shalt  }
0x4f: {  	_ =	shalt  }
0x50: {  	_ =	shalt  }
0x51: {  	_ =	shalt  }
0x52: {  	_ =	shalt  }
0x53: {  	_ =	shalt  }
0x54: {  	_ =	shalt  }
0x55: {  	_ =	shalt  }
0x56: {  	_ =	shalt  }
0x57: {  	_ =	shalt  }
0x58: {  	_ =	shalt  }
0x59: {  	_ =	shalt  }
0x5a: {  	_ =	shalt  }
0x5b: {  	_ =	shalt  }
0x5c: {  	_ =	shalt  }
0x5d: {  	_ =	shalt  }
0x5e: {  	_ =	shalt  }
0x5f: {  	_ =	shalt  }
0x60: {  	_ =	shalt  }
0x61: {  	_ =	shalt  }
0x62: {  	_ =	shalt  }
0x63: {  	_ =	shalt  }
0x64: {  	_ =	shalt  }
0x65: {  	_ =	shalt  }
0x66: {  	_ =	shalt  }
0x67: {  	_ =	shalt  }
0x68: {  	_ =	shalt  }
0x69: {  	_ =	shalt  }
0x6a: {  	_ =	shalt  }
0x6b: {  	_ =	shalt  }
0x6c: {  	_ =	shalt  }
0x6d: {  	_ =	shalt  }
0x6e: {  	_ =	shalt  }
0x6f: {  	_ =	shalt  }
0x70: {  	_ =	shalt  }
0x71: {  	_ =	shalt  }
0x72: {  	_ =	shalt  }
0x73: {  	_ =	shalt  }
0x74: {  	_ =	shalt  }
0x75: {  	_ =	shalt  }
0x76: {  	_ =	shalt  }
0x77: {  	_ =	shalt  }
0x78: {  	_ =	shalt  }
0x79: {  	_ =	shalt  }
0x7a: {  	_ =	shalt  }
0x7b: {  	_ =	shalt  }
0x7c: {  	_ =	shalt  }
0x7d: {  	_ =	shalt  }
0x7e: {  	_ =	shalt  }
0x7f: {  	_ =	shalt  }
0x80: {  	_ =	shalt  }
0x81: {  	_ =	shalt  }
0x82: {  	_ =	shalt  }
0x83: {  	_ =	shalt  }
0x84: {  	_ =	shalt  }
0x85: {  	_ =	shalt  }
0x86: {  	_ =	shalt  }
0x87: {  	_ =	shalt  }
.Lfunc_end0:
.L_simem_size_0:
called_computation.1_lowered:
.L_overlay_start_0:
0x88: {  	s2 =	sld [smem:$0x3FD9]  }
0x89: {  	s3 =	sld [smem:$0x3FFE];
	_ =	sdelay $0x1  }
0x8a: {  	s1 =	srdreg.scid  }
0x8b: {  	s0 =	sand.u32 $0x1, s1  }
0x8c: {  	s17 =	sshll.u32 s0, $0xA;
	s2 =	sadd.s32 s3, s2  }
0x8d: {  	s2 =	sadd.s32 s2, s17  }
0x8e: {  	[smem:$0x3FC4] =	sst s2  }
0x8f: {  	_ = 	snop  }
0x90: {  	s2 =	sld [smem:$0x3FD0];
	(tm) =	ssettm $0x1  }
0x91: {  	s18 =	sld [smem:$0x3FFB];
	_ =	sdelay $0x3  }
0x92: {  	_ =	strace s18  }
0x93: {  	s3 =	sld [smem:$0x3FFC];
	_ =	sdelay $0x3  }
0x94: {  	_ =	strace s3  }
0x95: {  	s3 =	sld [smem:$0x3FFD];
	_ =	sdelay $0x3  }
0x96: {  	_ =	strace s3  }
0x97: {  	_ =	strace $0x8FFFFFFF  }
0x98: {  	s19 =	sld [smem:$0x3FDB];
	_ =	sdelay $0x1  }
0x99: {  	s4 =	simm.s32 $_scs_section_size  }
0x9a: {  	s5 =	simm.s32 $_size__tile_overlayer_lowered;
	s6 =	simm.s32 $_tile_overlayer_lowered  }
0x9b: {  	s22 =	simm.s32 $0x1BFF;
	s21 =	sshll.u32 s6, $0x1;
	s3 =	sadd.s32 s4, s19  }
0x9c: {  	s7 =	simm.s32 $0x0;
	s20 =	sshll.u32 s5, $0x1;
	s5 =	sadd.s32 s21, s3  }
0x9d: {  	[timem:s7], [sflag:s22] =	dma.local [hbm:s5], s20  }
0x9e: {  	_ =	swait.ge [sflag:s22], s20  }
0x9f: {  	s4 =	ssub.s32 $0x0, s20;
	[sflag:s22] =	ssyncset.done $0x0  }
0xa0: {  	[sflag:s22] =	ssyncadd.s32 s4;
	_ =	sdelay $0x1  }
0xa1: {  	s23 =	simm.s32 $0x1B8B  }
0xa2: {  	_ =	swait.ge [sflag:s23], $0x1  }
0xa3: {  	[sflag:s23] =	ssyncset.done $0x0  }
0xa4: {  	s25 =	simm.s32 $0x1B8E;
	s24 =	sld [smem:$0x3FFE];
	[sflag:s23] =	ssyncadd.s32 $0xFFFFFFFF  }
0xa5: {  	s26 =	simm.s32 $execute0_lowered;
	[smem:$0x3FD2] =	sst s25  }
0xa6: {  	s5 =	sshll.u32 s26, $0x1;
	_ =	strace $0x80000049;
	[dreg:$0x1] =	wrdreg $0xFFFFFFFF  }
0xa7: {  	s28 =	simm.s32 $_size_execute0_lowered;
	s3 =	sadd.s32 s3, s5;
	[dreg:$0x0] =	wrdreg $0x0  }
0xa8: {  	s5 =	sshll.u32 s28, $0x1;
	[dreg:$0x2] =	wrdreg s3  }
0xa9: {  	[dreg:$0x3] =	wrdreg s5  }
0xaa: {  	[dreg:$0x4] =	wrdreg $0xC0  }
0xab: {  	_ =	task [dreg:s7], $0x5FFFF  }
0xac: {  	[dreg:$0x1] =	wrdreg $0xFFFFFFFF  }
0xad: {  	[dreg:$0x0] =	wrdreg $0x60  }
0xae: {  	[dreg:$0x2] =	wrdreg s24  }
0xaf: {  	[dreg:$0x3] =	wrdreg s2  }
0xb0: {  	[dreg:$0x4] =	wrdreg $0x150000  }
0xb1: {  	[dreg:$0x5] =	wrdreg $0x9  }
0xb2: {  	_ =	task.clear_ibuf [dreg:s7], $0x6FFFF;
	_ =	strace $0x90000049  }
0xb3: {  	s29 =	simm.s32 $0x9;
	_ =	strace $0x8000004B  }
0xb4: {  	_ =	swait.ge [sflag:s29], $0x1  }
0xb5: {  	[sflag:s29] =	ssyncadd.s32 $0xFFFFFFFF  }
0xb6: {  	_ =	strace $0x9000004B  }
0xb7: {  	_ =	sfence  }
0xb8: {  	s30 =	sld [smem:$0x0];
	_ =	sdelay $0x2  }
0xb9: {  	s31 =	sshll.u32 s1, $0xD;
	s1 =	sshrl.u32 s1, $0x2  }
0xba: {  	s3 =	sand.u32 $0x4000, s31;
	s1 =	sadd.s32 s1, s30  }
0xbb: {  	s0 =	sor.u32 s3, s0;
	s1 =	sshll.u32 s1, $0x11  }
0xbc: {  	s0 =	sor.u32 s1, s0  }
0xbd: {  	s0 =	sadd.s32 $0x8F2B, s0  }
0xbe: {  	[sflag:s0] =	ssyncadd.remote.s32 $0x1  }
0xbf: {  	_ =	sfence.sel $0xFFFF  }
0xc0: {  	[dreg:$0x0] =	wrdreg $0xFFFFFFFF;
	(pc) =	sbr.abs _section_cstart, $3  }
0xc1: {  	[dreg:$0x1] =	wrdreg $0xFFFFFFFF  }
0xc2: {  	_ =	task.clear_ibuf [dreg:s7], $0x2FFFF;
	_ =	strace $0x9FFFFFFF  }
0xc3: {  	(tm) =	ssettm $0x7FFFFFFF  }
tec
execute0_lowered:
.L_overlay_start_1:
0x0: {  	(tag) =	ssettag $0x1  }
0x1: {  	s3 =	rddreg [dreg:$0x0]  }
0x2: {  	s1 =	srdreg.scid;
	s4 =	rddreg [dreg:$0x1]  }
0x3: {  	s0 =	simm.s32 $0x0;
	s23 =	stileid.u32;
	s28 =	simm.s32 $0x3  }
0x4: {  	s30 =	simm.s32 $0x200;
	s31 =	simm.s32 $0xD000;
	s5 =	sand.u32 $0x1, s1  }
0x5: {  	[smem:$0x7FF] =	sst s0;
	s6 =	sadd.s32 $0x1400, s3;
	s7 =	sshll.u32 s23, $0x1  }
0x6: {  	s8 =	sshll.u32 s23, $0x3;
	s9 =	smul.u32 $0x28000, s23;
	s22 =	sshllo.u32 s23, $0x3  }
0x7: {  	p3 =	seq.s32 s23, $0xF;
	s1 =	ssub.s32 $0x2, s5;
	s20 =	smul.u32 $0x5000, s22  }
0x8: {  	p1 =	sgt.u32 s22, $0x7C;
	s2 =	sshrl.u32 s1, $0x1;
	s11 =	sadd.s32 $0xA000, s9  }
0x9: {  	s17 =	sadd.s32 $0xF000, s9;
	s18 =	sadd.s32 $0x14000, s9;
	s19 =	sadd.s32 $0x19000, s9  }
0xa: {  	s1 =	ssub.s32 s1, s2;
	s2 =	sor.u32 s5, s7;
	s7 =	sor.u32 $0x6, s8  }
0xb: {  	s8 =	sor.u32 $0x5000, s9;
	s5 =	sshll.u32 s5, $0x7;
	s12 =	smul.u32 $0x5000, s7  }
0xc: {  	s10 =	smul.u32 $0x2600, s2;
	s13 =	sshll.u32 s2, $0x6;
	s25 =	sor.u32 s5, s9  }
0xd: {  	s26 =	sor.u32 s5, s8;
	s14 =	sor.u32 s5, s11;
	s21 =	sor.u32 s5, s17  }
0xe: {  	p0 =	sgt.u32 s7, $0x7C;
	s7 =	sshrl.u32 s11, $0x2;
	s11 =	sshrl.u32 s19, $0x2  }
0xf: {  	p2 =	sgt.u32 s2, $0x10;
	s15 =	sshrl.u32 s14, $0x4;
	s10 =	sshrl.u32 s10, $0x3  }
0x10: {  	s16 =	sadd.s32 s4, s15;
	s24 =	sadd.s32 s6, s10;
	s6 =	sadd.s32 s13, s6  }
0x11: {  	s10 =	sshrl.u32 s25, $0x4;
	s13 =	sshrl.u32 s26, $0x4;
	[dreg:$0x6] =	wrdreg s16  }
0x12: {  	s25 =	sor.u32 s5, s18;
	s26 =	sor.u32 s5, s19;
	s10 =	sadd.s32 s4, s10  }
0x13: {  	s15 =	sshrl.u32 s25, $0x4;
	s16 =	sshrl.u32 s26, $0x4;
	s25 =	sor.u32 s5, s12  }
0x14: {  	s5 =	sor.u32 s5, s20;
	s12 =	sshrl.u32 s12, $0x2;
	s29 =	smov.u32 s24  }
0x15: {  	s24 =	sadd.s32 $0x9C40, s24;
	[dreg:$0x4] =	wrdreg s10;
	s10 =	sadd.s32 s4, s13  }
0x16: {  	s26 =	sshrl.u32 s25, $0x4;
	s5 =	sshrl.u32 s5, $0x4;
	s25 =	sadd.s32 $0x9800, s6  }
0x17: {  	[dreg:$0x5] =	wrdreg s10;
	s10 =	sshrl.u32 s21, $0x4;
	s21 =	sadd.s32 s4, s16  }
0x18: {  	s13 =	sadd.s32 s4, s26;
	s26 =	sadd.s32 $0x13440, s6;
	[dreg:$0x9] =	wrdreg s21  }
0x19: {  	s10 =	sadd.s32 s4, s10;
	[dreg:$0xa] =	wrdreg s13;
	s13 =	sadd.s32 $0x14E00, s3  }
0x1a: {  	s21 =	sshrl.u32 s20, $0x2;
	[dreg:$0x7] =	wrdreg s10;
	s10 =	sadd.s32 s4, s15  }
0x1b: {  	s3 =	simm.s32 $0x10;
	s4 =	sadd.s32 s4, s5;
	[dreg:$0x8] =	wrdreg s10  }
0x1c: {  	s5 =	sshrl.u32 s8, $0x2;
	s8 =	sshrl.u32 s17, $0x2;
	s10 =	rddreg [dreg:$0x2]  }
0x1d: {  	[dreg:$0xb] =	wrdreg s4;
	s4 =	sshrl.u32 s9, $0x2;
	s9 =	sshrl.u32 s18, $0x2  }
0x1e: {  	_ =	strace $0x8000004A;
	s14 =	sadd.s32 s4, s10;
	s15 =	sadd.s32 s5, s10  }
0x1f: {  	s16 =	sadd.s32 s7, s10;
	s17 =	sadd.s32 s8, s10;
	[dreg:$0xc] =	wrdreg s24  }
0x20: {  	s18 =	sadd.s32 s9, s10;
	s19 =	sadd.s32 s11, s10;
	[dreg:$0xd] =	wrdreg s25  }
0x21: {  	s20 =	sadd.s32 s12, s10;
	s21 =	sadd.s32 s21, s10;
	[dreg:$0xe] =	wrdreg s26  }
0x22: {  	s25 =	smax.u32 s1, $0x1;
	s26 =	simm.s32 $0x5000;
	s9 =	simm.s32 $0x2  }
0x23: {  	v0 =	vimm.bf16 $0.0e+00;
	s1 =	simm.s32 $0x1;
	s4 =	simm.s32 $0x8;
	s5 =	simm.s32 $0x0  }
.LBB2_1:
0x24: {  	s2 =	sand.u32 $0x1FF00, s0;
	s6 =	sand.u32 $0x60, s0  }
0x25: {  	s2 =	sshrl.u32 s2, $0x2;
	s6 =	sshrl.u32 s6, $0x1  }
0x26: {  	s6 =	sor.u32 s6, s2  }
0x27: {  	s2 =	simm.s32 $0x40;
	[tilespmem:s6+$0x5000] =	vst v0;
	s6 =	simm.s32 $0x0  }
.LBB2_2:
0x28: {  	p4 =	sne.s32 s2, $0x1FFC0  }
.Ltmp0:
0x29: {  	s7 =	sand.u32 $0x1FF00, s2;
	s6 =	sadd.s32 $0x20, s6;
	(pc) =	sbr.rel @p4 .LBB2_2-.Ltmp0, $4  }
0x2a: {  	s2 =	sadd.s32 $0x40, s2;
	s8 =	sand.u32 $0x60, s6  }
0x2b: {  	s7 =	sshrl.u32 s7, $0x2;
	s8 =	sshrl.u32 s8, $0x1  }
0x2c: {  	s7 =	sor.u32 s8, s7  }
0x2d: {  	[tilespmem:s7+$0x5000] =	vst v0  }
0x2e: {  	[spmem:s14] =	stream.linear.scatter [tilespmem:s26], [sflag:$0x3], $0x1400, $0x38;
	[tilespmem:$0x1EC40] =	vst v63  }
0x2f: {  	_ =	swait.ge [sflag:s28], $0x1400  }
0x30: {  	[sflag:s28] =	ssyncset.done $0x0  }
0x31: {  	[sflag:s28] =	ssyncadd.s32 $0xFFFFEC00  }
0x32: {  	[spmem:s15] =	stream.linear.scatter [tilespmem:s26], [sflag:$0x3], $0x1400, $0x38;
	[tilespmem:$0x1EC40] =	vst v63  }
0x33: {  	_ =	swait.ge [sflag:s28], $0x1400  }
0x34: {  	[sflag:s28] =	ssyncset.done $0x0  }
0x35: {  	[sflag:s28] =	ssyncadd.s32 $0xFFFFEC00  }
0x36: {  	[spmem:s16] =	stream.linear.scatter [tilespmem:s26], [sflag:$0x3], $0x1400, $0x38;
	[tilespmem:$0x1EC40] =	vst v63  }
0x37: {  	_ =	swait.ge [sflag:s28], $0x1400  }
0x38: {  	[sflag:s28] =	ssyncset.done $0x0  }
0x39: {  	[sflag:s28] =	ssyncadd.s32 $0xFFFFEC00  }
0x3a: {  	[spmem:s17] =	stream.linear.scatter [tilespmem:s26], [sflag:$0x3], $0x1400, $0x38;
	[tilespmem:$0x1EC40] =	vst v63  }
0x3b: {  	_ =	swait.ge [sflag:s28], $0x1400  }
0x3c: {  	[sflag:s28] =	ssyncset.done $0x0  }
0x3d: {  	[sflag:s28] =	ssyncadd.s32 $0xFFFFEC00  }
0x3e: {  	[spmem:s18] =	stream.linear.scatter [tilespmem:s26], [sflag:$0x3], $0x1400, $0x38;
	[tilespmem:$0x1EC40] =	vst v63  }
0x3f: {  	_ =	swait.ge [sflag:s28], $0x1400  }
0x40: {  	[sflag:s28] =	ssyncset.done $0x0  }
0x41: {  	s2 =	simm.s32 @!p3 $0x5000;
	s7 =	simm.s32 @!p3 $0x3;
	[sflag:s28] =	ssyncadd.s32 $0xFFFFEC00  }
0x42: {  	[spmem:s19] =	stream.linear.scatter @!p3 [tilespmem:s2], [sflag:$0x3], $0x1400, $0x38;
	[tilespmem:$0x1EC40] =	vst v63  }
0x43: {  	_ =	swait.ge @!p3 [sflag:s7], $0x1400  }
0x44: {  	[sflag:s7] =	ssyncset.done @!p3 $0x0  }
0x45: {  	s6 =	simm.s32 @!p0 $0x3;
	s2 =	simm.s32 @!p0 $0x5000;
	[sflag:s7] =	ssyncadd.s32 @!p3 $0xFFFFEC00  }
0x46: {  	[spmem:s20] =	stream.linear.scatter @!p0 [tilespmem:s2], [sflag:$0x3], $0x1400, $0x38;
	[tilespmem:$0x1EC40] =	vst v63  }
0x47: {  	_ =	swait.ge @!p0 [sflag:s6], $0x1400  }
0x48: {  	[sflag:s6] =	ssyncset.done @!p0 $0x0  }
0x49: {  	s2 =	simm.s32 @!p1 $0x5000;
	[sflag:s6] =	ssyncadd.s32 @!p0 $0xFFFFEC00  }
0x4a: {  	[spmem:s21] =	stream.linear.scatter @!p1 [tilespmem:s2], [sflag:$0x3], $0x1400, $0x38;
	[tilespmem:$0x1EC40] =	vst v63  }
0x4b: {  	s2 =	simm.s32 @!p1 $0x3  }
0x4c: {  	_ =	swait.ge @!p1 [sflag:s2], $0x1400  }
0x4d: {  	[sflag:s2] =	ssyncset.done @!p1 $0x0  }
0x4e: {  	[sflag:s2] =	ssyncadd.s32 @!p1 $0xFFFFEC00  }
0x4f: {  	[bflag:$0x0] =	sbarrier.arrive $0xFFFF  }
0x50: {  	[tilespmem:s0], [sflag:$0x3] =	stream.linear.gather [hbm4b:s29+s0], $0x2600, $0x38;
	[tilespmem:$0x1EC40] =	vst v63  }
0x51: {  	_ =	swait.ge [sflag:s28], $0x2600  }
0x52: {  	[sflag:s28] =	ssyncset.done $0x0  }
0x53: {  	s24 =	simm.s32 $0x2800;
	s8 =	rddreg [dreg:$0xc];
	[sflag:s28] =	ssyncadd.s32 $0xFFFFDA00  }
0x54: {  	[tilespmem:s24], [sflag:$0x3] =	stream.linear.gather [hbm4b:s8+s0], $0x2600, $0x38;
	[tilespmem:$0x1EC40] =	vst v63  }
0x55: {  	_ =	swait.ge [sflag:s28], $0x2600  }
0x56: {  	s22 =	simm.s32 @!p2 $0x0;
	[sflag:s28] =	ssyncset.done $0x0  }
0x57: {  	s11 =	simm.s32 @!p2 $0x2600;
	s8 =	rddreg [dreg:$0xd];
	[sflag:s28] =	ssyncadd.s32 $0xFFFFDA00  }
0x58: {  	[tilespmem:s11], [sflag:$0x3] =	stream.linear.gather @!p2 [hbm4b:s8+s22], $0x200, $0x38;
	[tilespmem:$0x1EC40] =	vst v63  }
0x59: {  	s8 =	simm.s32 @!p2 $0x3  }
0x5a: {  	_ =	swait.ge @!p2 [sflag:s8], $0x200  }
0x5b: {  	[sflag:s8] =	ssyncset.done @!p2 $0x0  }
0x5c: {  	s12 =	simm.s32 @!p2 $0x4E00;
	s23 =	rddreg [dreg:$0xe];
	[sflag:s8] =	ssyncadd.s32 @!p2 $0xFFFFFE00  }
0x5d: {  	[tilespmem:s12], [sflag:$0x3] =	stream.linear.gather @!p2 [hbm4b:s23+s22], $0x200, $0x38;
	[tilespmem:$0x1EC40] =	vst v63  }
0x5e: {  	_ =	swait.ge @!p2 [sflag:s8], $0x200  }
0x5f: {  	[sflag:s8] =	ssyncset.done @!p2 $0x0  }
0x60: {  	[sflag:s8] =	ssyncadd.s32 @!p2 $0xFFFFFE00  }
0x61: {  	[tilespmem:s26], [sflag:$0x3] =	stream.indirect.gather [hbm4b:s13+s30], $0x40, s0, s30, $0xb8;
	[tilespmem:$0x1EC40] =	vst v63  }
0x62: {  	_ =	swait.ge [sflag:s28], $0x8000  }
0x63: {  	[sflag:s28] =	ssyncset.done $0x0  }
0x64: {  	[sflag:s28] =	ssyncadd.s32 $0xFFFF8000  }
0x65: {  	[tilespmem:s31], [sflag:$0x2] =	stream.indirect.gather [hbm4b:s13+s30], $0x40, s30, s30, $0xb8;
	[tilespmem:$0x1EC40] =	vst v63  }
0x66: {  	_ = 	snop  }
0x67: {  	[spmem:s10] =	stream.indirect.scatter.add.bf16 [tilespmem:s26], [sflag:$0x3], $0x40, s24, s30, $0xb8;
	[tilespmem:$0x1EC40] =	vst v63  }
0x68: {  	_ =	swait.ge [sflag:s28], $0x8000  }
0x69: {  	[sflag:s28] =	ssyncset.done $0x0  }
0x6a: {  	[sflag:s28] =	ssyncadd.s32 $0xFFFF8000  }
0x6b: {  	_ =	swait.ge [sflag:s9], $0x8000  }
0x6c: {  	[sflag:s9] =	ssyncset.done $0x0  }
0x6d: {  	s24 =	simm.s32 $0x400;
	[sflag:s9] =	ssyncadd.s32 $0xFFFF8000  }
0x6e: {  	[tilespmem:s26], [sflag:$0x1] =	stream.indirect.gather [hbm4b:s13+s30], $0x40, s24, s30, $0xb8;
	[tilespmem:$0x1EC40] =	vst v63  }
0x6f: {  	s23 =	simm.s32 $0x2A00  }
0x70: {  	[spmem:s10] =	stream.indirect.scatter.add.bf16 [tilespmem:s31], [sflag:$0x3], $0x40, s23, s30, $0xb8;
	[tilespmem:$0x1EC40] =	vst v63  }
0x71: {  	_ =	swait.ge [sflag:s28], $0x8000  }
0x72: {  	[sflag:s28] =	ssyncset.done $0x0  }
0x73: {  	[sflag:s28] =	ssyncadd.s32 $0xFFFF8000  }
0x74: {  	_ =	swait.ge [sflag:s1], $0x8000  }
0x75: {  	[sflag:s1] =	ssyncset.done $0x0  }
0x76: {  	s24 =	simm.s32 $0x600;
	[sflag:s1] =	ssyncadd.s32 $0xFFFF8000  }
0x77: {  	[tilespmem:s31], [sflag:$0x2] =	stream.indirect.gather [hbm4b:s13+s30], $0x40, s24, s30, $0xb8;
	[tilespmem:$0x1EC40] =	vst v63  }
0x78: {  	s23 =	simm.s32 $0x2C00  }
0x79: {  	[spmem:s10] =	stream.indirect.scatter.add.bf16 [tilespmem:s26], [sflag:$0x3], $0x40, s23, s30, $0xb8;
	[tilespmem:$0x1EC40] =	vst v63  }
0x7a: {  	_ =	swait.ge [sflag:s28], $0x8000  }
0x7b: {  	[sflag:s28] =	ssyncset.done $0x0  }
0x7c: {  	[sflag:s28] =	ssyncadd.s32 $0xFFFF8000  }
0x7d: {  	_ =	swait.ge [sflag:s9], $0x8000  }
0x7e: {  	[sflag:s9] =	ssyncset.done $0x0  }
0x7f: {  	s24 =	simm.s32 $0x800;
	[sflag:s9] =	ssyncadd.s32 $0xFFFF8000  }
0x80: {  	[tilespmem:s26], [sflag:$0x1] =	stream.indirect.gather [hbm4b:s13+s30], $0x40, s24, s30, $0xb8;
	[tilespmem:$0x1EC40] =	vst v63  }
0x81: {  	s23 =	simm.s32 $0x2E00  }
0x82: {  	[spmem:s10] =	stream.indirect.scatter.add.bf16 [tilespmem:s31], [sflag:$0x3], $0x40, s23, s30, $0xb8;
	[tilespmem:$0x1EC40] =	vst v63  }
0x83: {  	_ =	swait.ge [sflag:s28], $0x8000  }
0x84: {  	[sflag:s28] =	ssyncset.done $0x0  }
0x85: {  	[sflag:s28] =	ssyncadd.s32 $0xFFFF8000  }
0x86: {  	_ =	swait.ge [sflag:s1], $0x8000  }
0x87: {  	[sflag:s1] =	ssyncset.done $0x0  }
0x88: {  	s24 =	simm.s32 $0xA00;
	[sflag:s1] =	ssyncadd.s32 $0xFFFF8000  }
0x89: {  	[tilespmem:s31], [sflag:$0x2] =	stream.indirect.gather [hbm4b:s13+s30], $0x40, s24, s30, $0xb8;
	[tilespmem:$0x1EC40] =	vst v63  }
0x8a: {  	s23 =	simm.s32 $0x3000  }
0x8b: {  	[spmem:s10] =	stream.indirect.scatter.add.bf16 [tilespmem:s26], [sflag:$0x3], $0x40, s23, s30, $0xb8;
	[tilespmem:$0x1EC40] =	vst v63  }
0x8c: {  	_ =	swait.ge [sflag:s28], $0x8000  }
0x8d: {  	[sflag:s28] =	ssyncset.done $0x0  }
0x8e: {  	[sflag:s28] =	ssyncadd.s32 $0xFFFF8000  }
0x8f: {  	_ =	swait.ge [sflag:s9], $0x8000  }
0x90: {  	[sflag:s9] =	ssyncset.done $0x0  }
0x91: {  	s24 =	simm.s32 $0xC00;
	[sflag:s9] =	ssyncadd.s32 $0xFFFF8000  }
0x92: {  	[tilespmem:s26], [sflag:$0x1] =	stream.indirect.gather [hbm4b:s13+s30], $0x40, s24, s30, $0xb8;
	[tilespmem:$0x1EC40] =	vst v63  }
0x93: {  	s23 =	simm.s32 $0x3200  }
0x94: {  	[spmem:s10] =	stream.indirect.scatter.add.bf16 [tilespmem:s31], [sflag:$0x3], $0x40, s23, s30, $0xb8;
	[tilespmem:$0x1EC40] =	vst v63  }
0x95: {  	_ =	swait.ge [sflag:s28], $0x8000  }
0x96: {  	[sflag:s28] =	ssyncset.done $0x0  }
0x97: {  	[sflag:s28] =	ssyncadd.s32 $0xFFFF8000  }
0x98: {  	_ =	swait.ge [sflag:s1], $0x8000  }
0x99: {  	[sflag:s1] =	ssyncset.done $0x0  }
0x9a: {  	s24 =	simm.s32 $0xE00;
	[sflag:s1] =	ssyncadd.s32 $0xFFFF8000  }
0x9b: {  	[tilespmem:s31], [sflag:$0x2] =	stream.indirect.gather [hbm4b:s13+s30], $0x40, s24, s30, $0xb8;
	[tilespmem:$0x1EC40] =	vst v63  }
0x9c: {  	s23 =	simm.s32 $0x3400  }
0x9d: {  	[spmem:s10] =	stream.indirect.scatter.add.bf16 [tilespmem:s26], [sflag:$0x3], $0x40, s23, s30, $0xb8;
	[tilespmem:$0x1EC40] =	vst v63  }
0x9e: {  	_ =	swait.ge [sflag:s28], $0x8000  }
0x9f: {  	[sflag:s28] =	ssyncset.done $0x0  }
0xa0: {  	[sflag:s28] =	ssyncadd.s32 $0xFFFF8000  }
0xa1: {  	_ =	swait.ge [sflag:s9], $0x8000  }
0xa2: {  	[sflag:s9] =	ssyncset.done $0x0  }
0xa3: {  	s24 =	simm.s32 $0x1000;
	[sflag:s9] =	ssyncadd.s32 $0xFFFF8000  }
0xa4: {  	[tilespmem:s26], [sflag:$0x1] =	stream.indirect.gather [hbm4b:s13+s30], $0x40, s24, s30, $0xb8;
	[tilespmem:$0x1EC40] =	vst v63  }
0xa5: {  	s23 =	simm.s32 $0x3600  }
0xa6: {  	[spmem:s10] =	stream.indirect.scatter.add.bf16 [tilespmem:s31], [sflag:$0x3], $0x40, s23, s30, $0xb8;
	[tilespmem:$0x1EC40] =	vst v63  }
0xa7: {  	_ =	swait.ge [sflag:s28], $0x8000  }
0xa8: {  	[sflag:s28] =	ssyncset.done $0x0  }
0xa9: {  	[sflag:s28] =	ssyncadd.s32 $0xFFFF8000  }
0xaa: {  	_ =	swait.ge [sflag:s1], $0x8000  }
0xab: {  	[sflag:s1] =	ssyncset.done $0x0  }
0xac: {  	s24 =	simm.s32 $0x1200;
	[sflag:s1] =	ssyncadd.s32 $0xFFFF8000  }
0xad: {  	[tilespmem:s31], [sflag:$0x2] =	stream.indirect.gather [hbm4b:s13+s30], $0x40, s24, s30, $0xb8;
	[tilespmem:$0x1EC40] =	vst v63  }
0xae: {  	s23 =	simm.s32 $0x3800  }
0xaf: {  	[spmem:s10] =	stream.indirect.scatter.add.bf16 [tilespmem:s26], [sflag:$0x3], $0x40, s23, s30, $0xb8;
	[tilespmem:$0x1EC40] =	vst v63  }
0xb0: {  	_ =	swait.ge [sflag:s28], $0x8000  }
0xb1: {  	[sflag:s28] =	ssyncset.done $0x0  }
0xb2: {  	[sflag:s28] =	ssyncadd.s32 $0xFFFF8000  }
0xb3: {  	_ =	swait.ge [sflag:s9], $0x8000  }
0xb4: {  	[sflag:s9] =	ssyncset.done $0x0  }
0xb5: {  	s24 =	simm.s32 $0x1400;
	[sflag:s9] =	ssyncadd.s32 $0xFFFF8000  }
0xb6: {  	[tilespmem:s26], [sflag:$0x1] =	stream.indirect.gather [hbm4b:s13+s30], $0x40, s24, s30, $0xb8;
	[tilespmem:$0x1EC40] =	vst v63  }
0xb7: {  	s23 =	simm.s32 $0x3A00  }
0xb8: {  	[spmem:s10] =	stream.indirect.scatter.add.bf16 [tilespmem:s31], [sflag:$0x3], $0x40, s23, s30, $0xb8;
	[tilespmem:$0x1EC40] =	vst v63  }
0xb9: {  	_ =	swait.ge [sflag:s28], $0x8000  }
0xba: {  	[sflag:s28] =	ssyncset.done $0x0  }
0xbb: {  	[sflag:s28] =	ssyncadd.s32 $0xFFFF8000  }
0xbc: {  	_ =	swait.ge [sflag:s1], $0x8000  }
0xbd: {  	[sflag:s1] =	ssyncset.done $0x0  }
0xbe: {  	s24 =	simm.s32 $0x1600;
	[sflag:s1] =	ssyncadd.s32 $0xFFFF8000  }
0xbf: {  	[tilespmem:s31], [sflag:$0x2] =	stream.indirect.gather [hbm4b:s13+s30], $0x40, s24, s30, $0xb8;
	[tilespmem:$0x1EC40] =	vst v63  }
0xc0: {  	s23 =	simm.s32 $0x3C00  }
0xc1: {  	[spmem:s10] =	stream.indirect.scatter.add.bf16 [tilespmem:s26], [sflag:$0x3], $0x40, s23, s30, $0xb8;
	[tilespmem:$0x1EC40] =	vst v63  }
0xc2: {  	_ =	swait.ge [sflag:s28], $0x8000  }
0xc3: {  	[sflag:s28] =	ssyncset.done $0x0  }
0xc4: {  	[sflag:s28] =	ssyncadd.s32 $0xFFFF8000  }
0xc5: {  	_ =	swait.ge [sflag:s9], $0x8000  }
0xc6: {  	[sflag:s9] =	ssyncset.done $0x0  }
0xc7: {  	s24 =	simm.s32 $0x1800;
	[sflag:s9] =	ssyncadd.s32 $0xFFFF8000  }
0xc8: {  	[tilespmem:s26], [sflag:$0x1] =	stream.indirect.gather [hbm4b:s13+s30], $0x40, s24, s30, $0xb8;
	[tilespmem:$0x1EC40] =	vst v63  }
0xc9: {  	s23 =	simm.s32 $0x3E00  }
0xca: {  	[spmem:s10] =	stream.indirect.scatter.add.bf16 [tilespmem:s31], [sflag:$0x3], $0x40, s23, s30, $0xb8;
	[tilespmem:$0x1EC40] =	vst v63  }
0xcb: {  	_ =	swait.ge [sflag:s28], $0x8000  }
0xcc: {  	[sflag:s28] =	ssyncset.done $0x0  }
0xcd: {  	[sflag:s28] =	ssyncadd.s32 $0xFFFF8000  }
0xce: {  	_ =	swait.ge [sflag:s1], $0x8000  }
0xcf: {  	[sflag:s1] =	ssyncset.done $0x0  }
0xd0: {  	s24 =	simm.s32 $0x1A00;
	[sflag:s1] =	ssyncadd.s32 $0xFFFF8000  }
0xd1: {  	[tilespmem:s31], [sflag:$0x2] =	stream.indirect.gather [hbm4b:s13+s30], $0x40, s24, s30, $0xb8;
	[tilespmem:$0x1EC40] =	vst v63  }
0xd2: {  	s23 =	simm.s32 $0x4000  }
0xd3: {  	[spmem:s10] =	stream.indirect.scatter.add.bf16 [tilespmem:s26], [sflag:$0x3], $0x40, s23, s30, $0xb8;
	[tilespmem:$0x1EC40] =	vst v63  }
0xd4: {  	_ =	swait.ge [sflag:s28], $0x8000  }
0xd5: {  	[sflag:s28] =	ssyncset.done $0x0  }
0xd6: {  	[sflag:s28] =	ssyncadd.s32 $0xFFFF8000  }
0xd7: {  	_ =	swait.ge [sflag:s9], $0x8000  }
0xd8: {  	[sflag:s9] =	ssyncset.done $0x0  }
0xd9: {  	s24 =	simm.s32 $0x1C00;
	[sflag:s9] =	ssyncadd.s32 $0xFFFF8000  }
0xda: {  	[tilespmem:s26], [sflag:$0x1] =	stream.indirect.gather [hbm4b:s13+s30], $0x40, s24, s30, $0xb8;
	[tilespmem:$0x1EC40] =	vst v63  }
0xdb: {  	s23 =	simm.s32 $0x4200  }
0xdc: {  	[spmem:s10] =	stream.indirect.scatter.add.bf16 [tilespmem:s31], [sflag:$0x3], $0x40, s23, s30, $0xb8;
	[tilespmem:$0x1EC40] =	vst v63  }
0xdd: {  	_ =	swait.ge [sflag:s28], $0x8000  }
0xde: {  	[sflag:s28] =	ssyncset.done $0x0  }
0xdf: {  	[sflag:s28] =	ssyncadd.s32 $0xFFFF8000  }
0xe0: {  	_ =	swait.ge [sflag:s1], $0x8000  }
0xe1: {  	[sflag:s1] =	ssyncset.done $0x0  }
0xe2: {  	s24 =	simm.s32 $0x1E00;
	[sflag:s1] =	ssyncadd.s32 $0xFFFF8000  }
0xe3: {  	[tilespmem:s31], [sflag:$0x2] =	stream.indirect.gather [hbm4b:s13+s30], $0x40, s24, s30, $0xb8;
	[tilespmem:$0x1EC40] =	vst v63  }
0xe4: {  	s23 =	simm.s32 $0x4400  }
0xe5: {  	[spmem:s10] =	stream.indirect.scatter.add.bf16 [tilespmem:s26], [sflag:$0x3], $0x40, s23, s30, $0xb8;
	[tilespmem:$0x1EC40] =	vst v63  }
0xe6: {  	_ =	swait.ge [sflag:s28], $0x8000  }
0xe7: {  	[sflag:s28] =	ssyncset.done $0x0  }
0xe8: {  	[sflag:s28] =	ssyncadd.s32 $0xFFFF8000  }
0xe9: {  	_ =	swait.ge [sflag:s9], $0x8000  }
0xea: {  	[sflag:s9] =	ssyncset.done $0x0  }
0xeb: {  	s24 =	simm.s32 $0x2000;
	[sflag:s9] =	ssyncadd.s32 $0xFFFF8000  }
0xec: {  	[tilespmem:s26], [sflag:$0x1] =	stream.indirect.gather [hbm4b:s13+s30], $0x40, s24, s30, $0xb8;
	[tilespmem:$0x1EC40] =	vst v63  }
0xed: {  	s23 =	simm.s32 $0x4600  }
0xee: {  	[spmem:s10] =	stream.indirect.scatter.add.bf16 [tilespmem:s31], [sflag:$0x3], $0x40, s23, s30, $0xb8;
	[tilespmem:$0x1EC40] =	vst v63  }
0xef: {  	_ =	swait.ge [sflag:s28], $0x8000  }
0xf0: {  	[sflag:s28] =	ssyncset.done $0x0  }
0xf1: {  	[sflag:s28] =	ssyncadd.s32 $0xFFFF8000  }
0xf2: {  	_ =	swait.ge [sflag:s1], $0x8000  }
0xf3: {  	[sflag:s1] =	ssyncset.done $0x0  }
0xf4: {  	s24 =	simm.s32 $0x2200;
	[sflag:s1] =	ssyncadd.s32 $0xFFFF8000  }
0xf5: {  	[tilespmem:s31], [sflag:$0x2] =	stream.indirect.gather [hbm4b:s13+s30], $0x40, s24, s30, $0xb8;
	[tilespmem:$0x1EC40] =	vst v63  }
0xf6: {  	s23 =	simm.s32 $0x4800  }
0xf7: {  	[spmem:s10] =	stream.indirect.scatter.add.bf16 [tilespmem:s26], [sflag:$0x3], $0x40, s23, s30, $0xb8;
	[tilespmem:$0x1EC40] =	vst v63  }
0xf8: {  	_ =	swait.ge [sflag:s28], $0x8000  }
0xf9: {  	[sflag:s28] =	ssyncset.done $0x0  }
0xfa: {  	[sflag:s28] =	ssyncadd.s32 $0xFFFF8000  }
0xfb: {  	_ =	swait.ge [sflag:s9], $0x8000  }
0xfc: {  	[sflag:s9] =	ssyncset.done $0x0  }
0xfd: {  	s24 =	simm.s32 $0x2400;
	[sflag:s9] =	ssyncadd.s32 $0xFFFF8000  }
0xfe: {  	[tilespmem:s26], [sflag:$0x1] =	stream.indirect.gather [hbm4b:s13+s30], $0x40, s24, s30, $0xb8;
	[tilespmem:$0x1EC40] =	vst v63  }
0xff: {  	s23 =	simm.s32 $0x4A00  }
0x100: {  	[spmem:s10] =	stream.indirect.scatter.add.bf16 [tilespmem:s31], [sflag:$0x3], $0x40, s23, s30, $0xb8;
	[tilespmem:$0x1EC40] =	vst v63  }
0x101: {  	_ =	swait.ge [sflag:s28], $0x8000  }
0x102: {  	[sflag:s28] =	ssyncset.done $0x0  }
0x103: {  	[sflag:s28] =	ssyncadd.s32 $0xFFFF8000  }
0x104: {  	_ =	swait.ge [sflag:s1], $0x8000  }
0x105: {  	[sflag:s1] =	ssyncset.done $0x0  }
0x106: {  	s24 =	simm.s32 $0x4C00;
	[sflag:s1] =	ssyncadd.s32 $0xFFFF8000  }
0x107: {  	[spmem:s10] =	stream.indirect.scatter.add.bf16 [tilespmem:s26], [sflag:$0x3], $0x40, s24, s30, $0xb8;
	[tilespmem:$0x1EC40] =	vst v63  }
0x108: {  	_ =	swait.ge [sflag:s28], $0x8000  }
0x109: {  	[sflag:s28] =	ssyncset.done $0x0  }
0x10a: {  	s22 =	simm.s32 @!p2 $0x200;
	s23 =	simm.s32 @!p2 $0x5000;
	[sflag:s28] =	ssyncadd.s32 $0xFFFF8000  }
0x10b: {  	[tilespmem:s23], [sflag:$0x3] =	stream.indirect.gather @!p2 [hbm4b:s13+s22], $0x40, s11, s22, $0xb8;
	[tilespmem:$0x1EC40] =	vst v63  }
0x10c: {  	_ =	swait.ge @!p2 [sflag:s8], $0x8000  }
0x10d: {  	[sflag:s8] =	ssyncset.done @!p2 $0x0  }
0x10e: {  	[sflag:s8] =	ssyncadd.s32 @!p2 $0xFFFF8000  }
0x10f: {  	[spmem:s10] =	stream.indirect.scatter.add.bf16 @!p2 [tilespmem:s23], [sflag:$0x3], $0x40, s12, s22, $0xb8;
	[tilespmem:$0x1EC40] =	vst v63  }
0x110: {  	_ =	swait.ge @!p2 [sflag:s8], $0x8000  }
0x111: {  	[sflag:s8] =	ssyncset.done @!p2 $0x0  }
0x112: {  	s22 =	stileid.u32;
	[sflag:s8] =	ssyncadd.s32 @!p2 $0xFFFF8000  }
0x113: {  	s8 =	sshll.u32 s22, $0x6;
	[bflag:$0x0] =	sbarrier.arrive $0xFFFF  }
0x114: {  	s23 =	sshrl.u32 s14, $0x3;
	s8 =	sor.u32 $0x1C03, s8;
	s24 =	rddreg [dreg:$0x4]  }
0x115: {  	[hbm:s24@s3], [sflag:s8] =	dma.strided [spmem:s23@s4], $0x280, s1, $0x8   }
0x116: {  	_ =	swait.ge [sflag:s28], $0x280  }
0x117: {  	[sflag:s28] =	ssyncset.done $0x0  }
0x118: {  	s12 =	sshrl.u32 s15, $0x3;
	s22 =	rddreg [dreg:$0x5];
	[sflag:s28] =	ssyncadd.s32 $0xFFFFFD80  }
0x119: {  	[hbm:s22@s3], [sflag:s8] =	dma.strided [spmem:s12@s4], $0x280, s1, $0x8   }
0x11a: {  	_ =	swait.ge [sflag:s28], $0x280  }
0x11b: {  	[sflag:s28] =	ssyncset.done $0x0  }
0x11c: {  	s23 =	sshrl.u32 s16, $0x3;
	s24 =	rddreg [dreg:$0x6];
	[sflag:s28] =	ssyncadd.s32 $0xFFFFFD80  }
0x11d: {  	[hbm:s24@s3], [sflag:s8] =	dma.strided [spmem:s23@s4], $0x280, s1, $0x8   }
0x11e: {  	_ =	swait.ge [sflag:s28], $0x280  }
0x11f: {  	[sflag:s28] =	ssyncset.done $0x0  }
0x120: {  	s12 =	sshrl.u32 s17, $0x3;
	s22 =	rddreg [dreg:$0x7];
	[sflag:s28] =	ssyncadd.s32 $0xFFFFFD80  }
0x121: {  	[hbm:s22@s3], [sflag:s8] =	dma.strided [spmem:s12@s4], $0x280, s1, $0x8   }
0x122: {  	_ =	swait.ge [sflag:s28], $0x280  }
0x123: {  	[sflag:s28] =	ssyncset.done $0x0  }
0x124: {  	s23 =	sshrl.u32 s18, $0x3;
	s24 =	rddreg [dreg:$0x8];
	[sflag:s28] =	ssyncadd.s32 $0xFFFFFD80  }
0x125: {  	[hbm:s24@s3], [sflag:s8] =	dma.strided [spmem:s23@s4], $0x280, s1, $0x8   }
0x126: {  	s5 =	sadd.s32 $0x1, s5;
	s11 =	sshrl.u32 @!p3 s19, $0x3;
	_ =	swait.ge [sflag:s28], $0x280  }
0x127: {  	s12 =	simm.s32 @!p3 $0x1;
	s22 =	simm.s32 @!p3 $0x10;
	[sflag:s28] =	ssyncset.done $0x0  }
0x128: {  	s23 =	simm.s32 @!p3 $0x8;
	s24 =	rddreg [dreg:$0x9];
	[sflag:s28] =	ssyncadd.s32 $0xFFFFFD80  }
0x129: {  	[hbm:s24@s22], [sflag:s8] =	dma.strided @!p3 [spmem:s11@s23], $0x280, s12, $0x8   }
0x12a: {  	p4 =	sne.s32 s5, s25;
	s11 =	simm.s32 @!p0 $0x1;
	_ =	swait.ge @!p3 [sflag:s7], $0x280  }
0x12b: {  	s12 =	simm.s32 @!p0 $0x10;
	s22 =	simm.s32 @!p0 $0x8;
	[sflag:s7] =	ssyncset.done @!p3 $0x0  }
0x12c: {  	s23 =	rddreg [dreg:$0xa];
	[sflag:s7] =	ssyncadd.s32 @!p3 $0xFFFFFD80;
	s7 =	sshrl.u32 @!p0 s20, $0x3  }
0x12d: {  	[hbm:s23@s12], [sflag:s8] =	dma.strided @!p0 [spmem:s7@s22], $0x280, s11, $0x8   }
0x12e: {  	s7 =	simm.s32 @!p1 $0x1;
	s11 =	simm.s32 @!p1 $0x10;
	_ =	swait.ge @!p0 [sflag:s6], $0x280  }
0x12f: {  	s12 =	simm.s32 @!p1 $0x8;
	[sflag:s6] =	ssyncset.done @!p0 $0x0;
	s22 =	rddreg [dreg:$0xb]  }
.Ltmp1:
0x130: {  	[sflag:s6] =	ssyncadd.s32 @!p0 $0xFFFFFD80;
	s6 =	sshrl.u32 @!p1 s21, $0x3;
	(pc) =	sbr.rel @p4 .LBB2_1-.Ltmp1, $4  }
0x131: {  	[hbm:s22@s11], [sflag:s8] =	dma.strided @!p1 [spmem:s6@s12], $0x280, s7, $0x8   }
0x132: {  	_ =	swait.ge @!p1 [sflag:s2], $0x280  }
0x133: {  	[sflag:s2] =	ssyncset.done @!p1 $0x0  }
0x134: {  	[sflag:s2] =	ssyncadd.s32 @!p1 $0xFFFFFD80  }
0x135: {  	_ =	sfence.sel $0x180000  }
0x136: {  	[bflag:$0x0] =	sbarrier.arrive $0xFFFF  }
0x137: {  	_ =	strace $0x9000004A  }
0x138: {  	s0 =	stileid.u32;
	[bflag:$0x2] =	sbarrier.arrive $0xFFFF  }
0x139: {  	p0 =	sne.s32 s0, $0x0;
	s0 =	rddreg [dreg:$0x3]  }
0x13a: {  	s0 =	sadd.s32 @!p0 $0x100000, s0  }
0x13b: {  	[sflag:s0] =	ssyncadd.tile.s32 @!p0 $0x1;
	_ =	shalt  }
.Lfunc_end2:
_tile_overlayer_lowered:
.L_overlay_start_2:
0x13c: {  	(tag) =	ssettag $0x2  }
0x13d: {  	s0 =	rddreg [dreg:$0x0];
	s2 =	stileid.u32  }
0x13e: {  	s1 =	rddreg [dreg:$0x1];
	p0 =	sne.s32 s2, $0x0  }
0x13f: {  	s3 =	rddreg [dreg:$0x2];
	[bflag:$0x3] =	sbarrier.arrive $0xFFFF;
	s2 =	simm.s32 @!p0 $0x1C03  }
0x140: {  	[timem:s3], [sflag:s2] =	dma.local @!p0 [hbm:s0], s1  }
0x141: {  	s0 =	simm.s32 @!p0 $0x3  }
0x142: {  	_ =	swait.ge @!p0 [sflag:s0], s1  }
0x143: {  	s1 =	ssub.s32 @!p0 $0x0, s1;
	[sflag:s0] =	ssyncset.done @!p0 $0x0  }
0x144: {  	[sflag:s0] =	ssyncadd.s32 @!p0 s1  }
0x145: {  	[bflag:$0x3] =	sbarrier.arrive $0xFFFF  }
0x146: {  	_ =	shalt  }

</sc_bundles>
